<compile_context>
chip_gen: v7x
topology: tpu7x:2x2x1
jax: 0.10.2.dev20260603
libtpu: 0.0.44.dev20260713+nightly
codegen_flags: <defaults>
</compile_context>

<pallas_src>
import functools

import jax
import jax.numpy as jnp
from jax import lax
from jax.experimental import pallas as pl
from jax.experimental.pallas import tpu as pltpu
from jax.experimental.pallas import tpu_sc as plsc

VOCAB = 1000
CPAD = 1024
NTOK = 20480
NC, NS, L = 2, 16, 16
NW = NC * NS
TPW = NTOK // NW
CHUNK = 16
NCHUNK = TPW // CHUNK
TB = 128
NTB = NTOK // TB


def _sc_gather(idx3, table3):
    mesh = plsc.VectorSubcoreMesh(
        core_axis_name="c", subcore_axis_name="s", num_cores=NC, num_subcores=NS
    )

    @functools.partial(
        pl.kernel,
        mesh=mesh,
        compiler_params=pltpu.CompilerParams(use_tc_tiling_on_sc=True),
        out_type=jax.ShapeDtypeStruct((NTOK, 8, 128), jnp.float32),
        scratch_types=[
            pltpu.VMEM((TPW,), jnp.int32),
            pltpu.VMEM((CHUNK, 8, 128), jnp.float32),
            pltpu.VMEM((CHUNK, 8, 128), jnp.float32),
            pltpu.SemaphoreType.DMA,
            pltpu.SemaphoreType.DMA,
            pltpu.SemaphoreType.DMA,
            pltpu.SemaphoreType.DMA,
        ],
    )
    def k(idx_hbm, table_hbm, out_hbm, idx_v, buf0, buf1, gs0, gs1, os0, os1):
        wid = lax.axis_index("s") * NC + lax.axis_index("c")
        pltpu.sync_copy(idx_hbm.at[pl.ds(wid * TPW, TPW)], idx_v)
        bufs, gsems, osems = (buf0, buf1), (gs0, gs1), (os0, os1)

        def gather(c):
            b = c & 1
            return pltpu.make_async_copy(
                table_hbm.at[idx_v.at[pl.ds(c * CHUNK, CHUNK)]], bufs[b], gsems[b]
            )

        def put(c):
            b = c & 1
            return pltpu.make_async_copy(
                bufs[b], out_hbm.at[pl.ds(wid * TPW + c * CHUNK, CHUNK)], osems[b]
            )

        gather(0).start()
        for c in range(NCHUNK):
            if c + 1 < NCHUNK:
                if c >= 1:
                    put(c - 1).wait()
                gather(c + 1).start()
            gather(c).wait()
            put(c).start()
        put(NCHUNK - 2).wait()
        put(NCHUNK - 1).wait()

    return k(idx3, table3)


def _tc_loss_transpose(rows3, tgt3):

    def body(rows_ref, tgt_ref, out_ref, nll_ref):
        b = pl.program_id(0)
        x3 = rows_ref[...]

        for h in range(8):
            rows = 128 if h < 7 else VOCAB - 7 * 128
            y = jnp.transpose(x3[:, h, :], (1, 0))
            out_ref[pl.ds(h * 128, rows), :] = y[:rows, :]

        y = out_ref[...]
        m = jnp.max(y, axis=0, keepdims=True)
        s = jnp.sum(jnp.exp(y - m), axis=0, keepdims=True)
        lse = jnp.log(s) + m

        tgt = tgt_ref[0, :, :]
        riota = lax.broadcasted_iota(jnp.int32, (VOCAB, TB), 0)
        xt = jnp.sum(jnp.where(riota == tgt, y, 0.0), axis=0, keepdims=True)
        blk = jnp.sum(lse - xt)

        @pl.when(b == 0)
        def _():
            nll_ref[...] = jnp.zeros((1, 1), jnp.float32)

        nll_ref[...] += blk.reshape(1, 1)

    return pl.pallas_call(
        body,
        grid=(NTB,),
        in_specs=[
            pl.BlockSpec((TB, 8, 128), lambda b: (b, 0, 0)),
            pl.BlockSpec((1, 1, TB), lambda b: (b, 0, 0)),
        ],
        out_specs=[
            pl.BlockSpec((VOCAB, TB), lambda b: (0, b)),
            pl.BlockSpec((1, 1), lambda b: (0, 0)),
        ],
        out_shape=[
            jax.ShapeDtypeStruct((VOCAB, NTOK), jnp.float32),
            jax.ShapeDtypeStruct((1, 1), jnp.float32),
        ],
    )(rows3, tgt3)


def kernel(idx, targets, emb):
    idx3 = idx.reshape(NTOK)
    tgt3 = targets.reshape(NTB, 1, TB)
    table3 = jnp.pad(emb, ((0, 0), (0, CPAD - VOCAB))).reshape(VOCAB, 8, 128)
    rows3 = _sc_gather(idx3, table3)
    out2, nll = _tc_loss_transpose(rows3, tgt3)
    logits2 = out2.T
    loss = nll[0, 0] / NTOK
    return (logits2, loss)

# --- scband reference (transcript-rebuilt; emitter-appended) ---
"""Pipeline reference for scband-bigram-language-model-81432579932808 (READ-ONLY COPY).

The authoritative reference and input builder live on the scoring server;
editing this copy changes nothing except your own understanding.
"""

import jax, jax.numpy as jnp
import numpy as np

VOCAB = 1000
B, T = 1024, 20

def setup_inputs(seed: int = 0) -> dict:
    key = jax.random.key(seed)
    k1, k2, k3 = jax.random.split(key, 3)
    idx = jax.random.randint(k1, (B, T), 0, VOCAB, dtype=jnp.int64 if jax.config.jax_enable_x64 else jnp.int32).astype(jnp.int32)
    targets = jax.random.randint(k2, (B, T), 0, VOCAB, dtype=jnp.int64 if jax.config.jax_enable_x64 else jnp.int32).astype(jnp.int32)
    emb = jax.random.normal(k3, (VOCAB, VOCAB), dtype=jnp.float32) * 0.02
    return {"idx": idx, "targets": targets, "emb": emb}

def reference(idx, targets, emb):
    # logits = self.emb(idx)  -> gather rows of [VOCAB, VOCAB] table
    logits = jnp.take(emb, idx, axis=0)  # [B, T, C]
    Bs, Ts, Cs = logits.shape
    logits2 = logits.reshape(Bs * Ts, Cs)
    tgt = targets.reshape(Bs * Ts)
    # F.cross_entropy(logits2, tgt) with mean reduction
    logp = jax.nn.log_softmax(logits2, axis=-1)
    nll = -jnp.take_along_axis(logp, tgt[:, None], axis=1)[:, 0]
    loss = jnp.mean(nll)
    return (logits2, loss)

if __name__ == "__main__":
    import jax
    _d = setup_inputs()
    print(jax.jit(kernel)(*tuple(_d.values())))

</pallas_src>

<mosaic_0001>
#map = affine_map<(d0, d1) -> (0)>
#map1 = affine_map<(d0, d1) -> (0, 0, 0)>
module attributes {stable_mosaic.version = 14 : i64} {
  func.func @k(%arg0: i32, %arg1: i32, %arg2: memref<20480xi32, #tpu.memory_space<hbm>>, %arg3: memref<1000x8x128xf32, #tpu.memory_space<hbm>>, %arg4: memref<20480x8x128xf32, #tpu.memory_space<hbm>>, %arg5: memref<640xi32, #tpu.memory_space<vmem>>, %arg6: memref<16x8x128xf32, #tpu.memory_space<vmem>>, %arg7: memref<16x8x128xf32, #tpu.memory_space<vmem>>, %arg8: memref<!tpu.dma_semaphore, #tpu.memory_space<semaphore_mem>>, %arg9: memref<!tpu.dma_semaphore, #tpu.memory_space<semaphore_mem>>, %arg10: memref<!tpu.dma_semaphore, #tpu.memory_space<semaphore_mem>>, %arg11: memref<!tpu.dma_semaphore, #tpu.memory_space<semaphore_mem>>) attributes {dimension_semantics = [#tpu.dimension_semantics<core_parallel>, #tpu.dimension_semantics<subcore_parallel>], iteration_bounds = array<i64: 2, 16>, scalar_prefetch = 0 : i64, scratch_operands = 7 : i64, tpu.core_type = #tpu.core_type<sc_vector_subcore>, window_params = [{transform_indices = #map}, {transform_indices = #map1}, {transform_indices = #map1}]} {
    %mul3A = arith.constant 2 : i32
    %mul3A_0 = arith.muli %arg1, %mul3A : i32
    %add3A = arith.addi %mul3A_0, %arg0 : i32
    %mul3A_1 = arith.constant 640 : i32
    %mul3A_2 = arith.muli %add3A, %mul3A_1 : i32
    "tpu.region"() ({
      %run_scoped3A = tpu.sem_alloc : memref<!tpu.dma_semaphore, #tpu.memory_space<semaphore_mem>>
      %dma_start3A_1281 = tpu.memref_slice %arg2[%mul3A_2] : memref<20480xi32, #tpu.memory_space<hbm>> -> memref<640xi32, #tpu.memory_space<hbm>>
      %dma_start3A_1282 = tpu.memref_slice %arg2[%mul3A_2] : memref<20480xi32, #tpu.memory_space<hbm>> -> memref<640xi32, #tpu.memory_space<hbm>>
      tpu.enqueue_dma source(%dma_start3A_1282 : memref<640xi32, #tpu.memory_space<hbm>>) target(%arg5 : memref<640xi32, #tpu.memory_space<vmem>>) target_semaphore(%run_scoped3A : memref<!tpu.dma_semaphore, #tpu.memory_space<semaphore_mem>>)
      %dma_wait3A_1283 = tpu.memref_slice %arg2[%mul3A_2] : memref<20480xi32, #tpu.memory_space<hbm>> -> memref<640xi32, #tpu.memory_space<hbm>>
      %dma_wait3A_1284 = tpu.memref_slice %arg2[%mul3A_2] : memref<20480xi32, #tpu.memory_space<hbm>> -> memref<640xi32, #tpu.memory_space<hbm>>
      tpu.wait_dma2 semaphore(%run_scoped3A : memref<!tpu.dma_semaphore, #tpu.memory_space<semaphore_mem>>) src(%dma_wait3A_1284 : memref<640xi32, #tpu.memory_space<hbm>>) dst(%arg5 : memref<640xi32, #tpu.memory_space<vmem>>)
      tpu.yield
    }) : () -> ()
    %dma_start3A = arith.constant 0 : i32
    %dma_start3A_3 = tpu.memref_slice %arg5[%dma_start3A] : memref<640xi32, #tpu.memory_space<vmem>> -> memref<16xi32, #tpu.memory_space<vmem>>
    %dma_start3A_4 = arith.constant 0 : i32
    %dma_start3A_5 = arith.constant 0 : i32
    %dma_start3A_6 = arith.constant 0 : i32
    %dma_start3A_7 = tpu.memref_slice %arg3[%dma_start3A_4, %dma_start3A_5, %dma_start3A_6] : memref<1000x8x128xf32, #tpu.memory_space<hbm>> -> memref<1000x8x128xf32, #tpu.memory_space<hbm>>
    tpu.enqueue_indirect_dma source(%dma_start3A_7 : memref<1000x8x128xf32, #tpu.memory_space<hbm>>) target(%arg6 : memref<16x8x128xf32, #tpu.memory_space<vmem>>) offsets(%dma_start3A_3 : memref<16xi32, #tpu.memory_space<vmem>>) semaphore(%arg8 : memref<!tpu.dma_semaphore, #tpu.memory_space<semaphore_mem>>)
    %dma_start3A_8 = arith.constant 16 : i32
    %dma_start3A_9 = tpu.memref_slice %arg5[%dma_start3A_8] : memref<640xi32, #tpu.memory_space<vmem>> -> memref<16xi32, #tpu.memory_space<vmem>>
    %dma_start3A_10 = arith.constant 0 : i32
    %dma_start3A_11 = arith.constant 0 : i32
    %dma_start3A_12 = arith.constant 0 : i32
    %dma_start3A_13 = tpu.memref_slice %arg3[%dma_start3A_10, %dma_start3A_11, %dma_start3A_12] : memref<1000x8x128xf32, #tpu.memory_space<hbm>> -> memref<1000x8x128xf32, #tpu.memory_space<hbm>>
    tpu.enqueue_indirect_dma source(%dma_start3A_13 : memref<1000x8x128xf32, #tpu.memory_space<hbm>>) target(%arg7 : memref<16x8x128xf32, #tpu.memory_space<vmem>>) offsets(%dma_start3A_9 : memref<16xi32, #tpu.memory_space<vmem>>) semaphore(%arg9 : memref<!tpu.dma_semaphore, #tpu.memory_space<semaphore_mem>>)
    %dma_wait3A = arith.constant 0 : i32
    %dma_wait3A_14 = tpu.memref_slice %arg5[%dma_wait3A] : memref<640xi32, #tpu.memory_space<vmem>> -> memref<16xi32, #tpu.memory_space<vmem>>
    %dma_wait3A_15 = arith.constant 0 : i32
    %dma_wait3A_16 = arith.constant 0 : i32
    %dma_wait3A_17 = arith.constant 0 : i32
    %dma_wait3A_18 = tpu.memref_slice %arg3[%dma_wait3A_15, %dma_wait3A_16, %dma_wait3A_17] : memref<1000x8x128xf32, #tpu.memory_space<hbm>> -> memref<1000x8x128xf32, #tpu.memory_space<hbm>>
    tpu.wait_indirect_dma semaphore(%arg8 : memref<!tpu.dma_semaphore, #tpu.memory_space<semaphore_mem>>) src(%dma_wait3A_18 : memref<1000x8x128xf32, #tpu.memory_space<hbm>>) dst(%arg6 : memref<16x8x128xf32, #tpu.memory_space<vmem>>)
    %mul3A_19 = arith.constant 640 : i32
    %mul3A_20 = arith.muli %add3A, %mul3A_19 : i32
    %add3A_21 = arith.constant 0 : i32
    %add3A_22 = arith.addi %mul3A_20, %add3A_21 : i32
    %dma_start3A_23 = arith.constant 0 : i32
    %dma_start3A_24 = arith.constant 0 : i32
    %dma_start3A_25 = tpu.memref_slice %arg4[%add3A_22, %dma_start3A_23, %dma_start3A_24] : memref<20480x8x128xf32, #tpu.memory_space<hbm>> -> memref<16x8x128xf32, #tpu.memory_space<hbm>>
    %dma_start3A_26 = arith.constant 0 : i32
    %dma_start3A_27 = arith.constant 0 : i32
    %dma_start3A_28 = tpu.memref_slice %arg4[%add3A_22, %dma_start3A_26, %dma_start3A_27] : memref<20480x8x128xf32, #tpu.memory_space<hbm>> -> memref<16x8x128xf32, #tpu.memory_space<hbm>>
    tpu.enqueue_dma source(%arg6 : memref<16x8x128xf32, #tpu.memory_space<vmem>>) target(%dma_start3A_28 : memref<16x8x128xf32, #tpu.memory_space<hbm>>) target_semaphore(%arg10 : memref<!tpu.dma_semaphore, #tpu.memory_space<semaphore_mem>>)
    %mul3A_29 = arith.constant 640 : i32
    %mul3A_30 = arith.muli %add3A, %mul3A_29 : i32
    %add3A_31 = arith.constant 0 : i32
    %add3A_32 = arith.addi %mul3A_30, %add3A_31 : i32
    %dma_wait3A_33 = arith.constant 0 : i32
    %dma_wait3A_34 = arith.constant 0 : i32
    %dma_wait3A_35 = tpu.memref_slice %arg4[%add3A_32, %dma_wait3A_33, %dma_wait3A_34] : memref<20480x8x128xf32, #tpu.memory_space<hbm>> -> memref<16x8x128xf32, #tpu.memory_space<hbm>>
    %dma_wait3A_36 = arith.constant 0 : i32
    %dma_wait3A_37 = arith.constant 0 : i32
    %dma_wait3A_38 = tpu.memref_slice %arg4[%add3A_32, %dma_wait3A_36, %dma_wait3A_37] : memref<20480x8x128xf32, #tpu.memory_space<hbm>> -> memref<16x8x128xf32, #tpu.memory_space<hbm>>
    tpu.wait_dma2 semaphore(%arg10 : memref<!tpu.dma_semaphore, #tpu.memory_space<semaphore_mem>>) src(%arg6 : memref<16x8x128xf32, #tpu.memory_space<vmem>>) dst(%dma_wait3A_38 : memref<16x8x128xf32, #tpu.memory_space<hbm>>)
    %dma_start3A_39 = arith.constant 32 : i32
    %dma_start3A_40 = tpu.memref_slice %arg5[%dma_start3A_39] : memref<640xi32, #tpu.memory_space<vmem>> -> memref<16xi32, #tpu.memory_space<vmem>>
    %dma_start3A_41 = arith.constant 0 : i32
    %dma_start3A_42 = arith.constant 0 : i32
    %dma_start3A_43 = arith.constant 0 : i32
    %dma_start3A_44 = tpu.memref_slice %arg3[%dma_start3A_41, %dma_start3A_42, %dma_start3A_43] : memref<1000x8x128xf32, #tpu.memory_space<hbm>> -> memref<1000x8x128xf32, #tpu.memory_space<hbm>>
    tpu.enqueue_indirect_dma source(%dma_start3A_44 : memref<1000x8x128xf32, #tpu.memory_space<hbm>>) target(%arg6 : memref<16x8x128xf32, #tpu.memory_space<vmem>>) offsets(%dma_start3A_40 : memref<16xi32, #tpu.memory_space<vmem>>) semaphore(%arg8 : memref<!tpu.dma_semaphore, #tpu.memory_space<semaphore_mem>>)
    %dma_wait3A_45 = arith.constant 16 : i32
    %dma_wait3A_46 = tpu.memref_slice %arg5[%dma_wait3A_45] : memref<640xi32, #tpu.memory_space<vmem>> -> memref<16xi32, #tpu.memory_space<vmem>>
    %dma_wait3A_47 = arith.constant 0 : i32
    %dma_wait3A_48 = arith.constant 0 : i32
    %dma_wait3A_49 = arith.constant 0 : i32
    %dma_wait3A_50 = tpu.memref_slice %arg3[%dma_wait3A_47, %dma_wait3A_48, %dma_wait3A_49] : memref<1000x8x128xf32, #tpu.memory_space<hbm>> -> memref<1000x8x128xf32, #tpu.memory_space<hbm>>
    tpu.wait_indirect_dma semaphore(%arg9 : memref<!tpu.dma_semaphore, #tpu.memory_space<semaphore_mem>>) src(%dma_wait3A_50 : memref<1000x8x128xf32, #tpu.memory_space<hbm>>) dst(%arg7 : memref<16x8x128xf32, #tpu.memory_space<vmem>>)
    %mul3A_51 = arith.constant 640 : i32
    %mul3A_52 = arith.muli %add3A, %mul3A_51 : i32
    %add3A_53 = arith.constant 16 : i32
    %add3A_54 = arith.addi %mul3A_52, %add3A_53 : i32
    %dma_start3A_55 = arith.constant 0 : i32
    %dma_start3A_56 = arith.constant 0 : i32
    %dma_start3A_57 = tpu.memref_slice %arg4[%add3A_54, %dma_start3A_55, %dma_start3A_56] : memref<20480x8x128xf32, #tpu.memory_space<hbm>> -> memref<16x8x128xf32, #tpu.memory_space<hbm>>
    %dma_start3A_58 = arith.constant 0 : i32
    %dma_start3A_59 = arith.constant 0 : i32
    %dma_start3A_60 = tpu.memref_slice %arg4[%add3A_54, %dma_start3A_58, %dma_start3A_59] : memref<20480x8x128xf32, #tpu.memory_space<hbm>> -> memref<16x8x128xf32, #tpu.memory_space<hbm>>
    tpu.enqueue_dma source(%arg7 : memref<16x8x128xf32, #tpu.memory_space<vmem>>) target(%dma_start3A_60 : memref<16x8x128xf32, #tpu.memory_space<hbm>>) target_semaphore(%arg11 : memref<!tpu.dma_semaphore, #tpu.memory_space<semaphore_mem>>)
    %mul3A_61 = arith.constant 640 : i32
    %mul3A_62 = arith.muli %add3A, %mul3A_61 : i32
    %add3A_63 = arith.constant 16 : i32
    %add3A_64 = arith.addi %mul3A_62, %add3A_63 : i32
    %dma_wait3A_65 = arith.constant 0 : i32
    %dma_wait3A_66 = arith.constant 0 : i32
    %dma_wait3A_67 = tpu.memref_slice %arg4[%add3A_64, %dma_wait3A_65, %dma_wait3A_66] : memref<20480x8x128xf32, #tpu.memory_space<hbm>> -> memref<16x8x128xf32, #tpu.memory_space<hbm>>
    %dma_wait3A_68 = arith.constant 0 : i32
    %dma_wait3A_69 = arith.constant 0 : i32
    %dma_wait3A_70 = tpu.memref_slice %arg4[%add3A_64, %dma_wait3A_68, %dma_wait3A_69] : memref<20480x8x128xf32, #tpu.memory_space<hbm>> -> memref<16x8x128xf32, #tpu.memory_space<hbm>>
    tpu.wait_dma2 semaphore(%arg11 : memref<!tpu.dma_semaphore, #tpu.memory_space<semaphore_mem>>) src(%arg7 : memref<16x8x128xf32, #tpu.memory_space<vmem>>) dst(%dma_wait3A_70 : memref<16x8x128xf32, #tpu.memory_space<hbm>>)
    %dma_start3A_71 = arith.constant 48 : i32
    %dma_start3A_72 = tpu.memref_slice %arg5[%dma_start3A_71] : memref<640xi32, #tpu.memory_space<vmem>> -> memref<16xi32, #tpu.memory_space<vmem>>
    %dma_start3A_73 = arith.constant 0 : i32
    %dma_start3A_74 = arith.constant 0 : i32
    %dma_start3A_75 = arith.constant 0 : i32
    %dma_start3A_76 = tpu.memref_slice %arg3[%dma_start3A_73, %dma_start3A_74, %dma_start3A_75] : memref<1000x8x128xf32, #tpu.memory_space<hbm>> -> memref<1000x8x128xf32, #tpu.memory_space<hbm>>
    tpu.enqueue_indirect_dma source(%dma_start3A_76 : memref<1000x8x128xf32, #tpu.memory_space<hbm>>) target(%arg7 : memref<16x8x128xf32, #tpu.memory_space<vmem>>) offsets(%dma_start3A_72 : memref<16xi32, #tpu.memory_space<vmem>>) semaphore(%arg9 : memref<!tpu.dma_semaphore, #tpu.memory_space<semaphore_mem>>)
    %dma_wait3A_77 = arith.constant 32 : i32
    %dma_wait3A_78 = tpu.memref_slice %arg5[%dma_wait3A_77] : memref<640xi32, #tpu.memory_space<vmem>> -> memref<16xi32, #tpu.memory_space<vmem>>
    %dma_wait3A_79 = arith.constant 0 : i32
    %dma_wait3A_80 = arith.constant 0 : i32
    %dma_wait3A_81 = arith.constant 0 : i32
    %dma_wait3A_82 = tpu.memref_slice %arg3[%dma_wait3A_79, %dma_wait3A_80, %dma_wait3A_81] : memref<1000x8x128xf32, #tpu.memory_space<hbm>> -> memref<1000x8x128xf32, #tpu.memory_space<hbm>>
    tpu.wait_indirect_dma semaphore(%arg8 : memref<!tpu.dma_semaphore, #tpu.memory_space<semaphore_mem>>) src(%dma_wait3A_82 : memref<1000x8x128xf32, #tpu.memory_space<hbm>>) dst(%arg6 : memref<16x8x128xf32, #tpu.memory_space<vmem>>)
    %mul3A_83 = arith.constant 640 : i32
    %mul3A_84 = arith.muli %add3A, %mul3A_83 : i32
    %add3A_85 = arith.constant 32 : i32
    %add3A_86 = arith.addi %mul3A_84, %add3A_85 : i32
    %dma_start3A_87 = arith.constant 0 : i32
    %dma_start3A_88 = arith.constant 0 : i32
    %dma_start3A_89 = tpu.memref_slice %arg4[%add3A_86, %dma_start3A_87, %dma_start3A_88] : memref<20480x8x128xf32, #tpu.memory_space<hbm>> -> memref<16x8x128xf32, #tpu.memory_space<hbm>>
    %dma_start3A_90 = arith.constant 0 : i32
    %dma_start3A_91 = arith.constant 0 : i32
    %dma_start3A_92 = tpu.memref_slice %arg4[%add3A_86, %dma_start3A_90, %dma_start3A_91] : memref<20480x8x128xf32, #tpu.memory_space<hbm>> -> memref<16x8x128xf32, #tpu.memory_space<hbm>>
    tpu.enqueue_dma source(%arg6 : memref<16x8x128xf32, #tpu.memory_space<vmem>>) target(%dma_start3A_92 : memref<16x8x128xf32, #tpu.memory_space<hbm>>) target_semaphore(%arg10 : memref<!tpu.dma_semaphore, #tpu.memory_space<semaphore_mem>>)
    %mul3A_93 = arith.constant 640 : i32
    %mul3A_94 = arith.muli %add3A, %mul3A_93 : i32
    %add3A_95 = arith.constant 32 : i32
    %add3A_96 = arith.addi %mul3A_94, %add3A_95 : i32
    %dma_wait3A_97 = arith.constant 0 : i32
    %dma_wait3A_98 = arith.constant 0 : i32
    %dma_wait3A_99 = tpu.memref_slice %arg4[%add3A_96, %dma_wait3A_97, %dma_wait3A_98] : memref<20480x8x128xf32, #tpu.memory_space<hbm>> -> memref<16x8x128xf32, #tpu.memory_space<hbm>>
    %dma_wait3A_100 = arith.constant 0 : i32
    %dma_wait3A_101 = arith.constant 0 : i32
    %dma_wait3A_102 = tpu.memref_slice %arg4[%add3A_96, %dma_wait3A_100, %dma_wait3A_101] : memref<20480x8x128xf32, #tpu.memory_space<hbm>> -> memref<16x8x128xf32, #tpu.memory_space<hbm>>
    tpu.wait_dma2 semaphore(%arg10 : memref<!tpu.dma_semaphore, #tpu.memory_space<semaphore_mem>>) src(%arg6 : memref<16x8x128xf32, #tpu.memory_space<vmem>>) dst(%dma_wait3A_102 : memref<16x8x128xf32, #tpu.memory_space<hbm>>)
    %dma_start3A_103 = arith.constant 64 : i32
    %dma_start3A_104 = tpu.memref_slice %arg5[%dma_start3A_103] : memref<640xi32, #tpu.memory_space<vmem>> -> memref<16xi32, #tpu.memory_space<vmem>>
    %dma_start3A_105 = arith.constant 0 : i32
    %dma_start3A_106 = arith.constant 0 : i32
    %dma_start3A_107 = arith.constant 0 : i32
    %dma_start3A_108 = tpu.memref_slice %arg3[%dma_start3A_105, %dma_start3A_106, %dma_start3A_107] : memref<1000x8x128xf32, #tpu.memory_space<hbm>> -> memref<1000x8x128xf32, #tpu.memory_space<hbm>>
    tpu.enqueue_indirect_dma source(%dma_start3A_108 : memref<1000x8x128xf32, #tpu.memory_space<hbm>>) target(%arg6 : memref<16x8x128xf32, #tpu.memory_space<vmem>>) offsets(%dma_start3A_104 : memref<16xi32, #tpu.memory_space<vmem>>) semaphore(%arg8 : memref<!tpu.dma_semaphore, #tpu.memory_space<semaphore_mem>>)
    %dma_wait3A_109 = arith.constant 48 : i32
    %dma_wait3A_110 = tpu.memref_slice %arg5[%dma_wait3A_109] : memref<640xi32, #tpu.memory_space<vmem>> -> memref<16xi32, #tpu.memory_space<vmem>>
    %dma_wait3A_111 = arith.constant 0 : i32
    %dma_wait3A_112 = arith.constant 0 : i32
    %dma_wait3A_113 = arith.constant 0 : i32
    %dma_wait3A_114 = tpu.memref_slice %arg3[%dma_wait3A_111, %dma_wait3A_112, %dma_wait3A_113] : memref<1000x8x128xf32, #tpu.memory_space<hbm>> -> memref<1000x8x128xf32, #tpu.memory_space<hbm>>
    tpu.wait_indirect_dma semaphore(%arg9 : memref<!tpu.dma_semaphore, #tpu.memory_space<semaphore_mem>>) src(%dma_wait3A_114 : memref<1000x8x128xf32, #tpu.memory_space<hbm>>) dst(%arg7 : memref<16x8x128xf32, #tpu.memory_space<vmem>>)
    %mul3A_115 = arith.constant 640 : i32
    %mul3A_116 = arith.muli %add3A, %mul3A_115 : i32
    %add3A_117 = arith.constant 48 : i32
    %add3A_118 = arith.addi %mul3A_116, %add3A_117 : i32
    %dma_start3A_119 = arith.constant 0 : i32
    %dma_start3A_120 = arith.constant 0 : i32
    %dma_start3A_121 = tpu.memref_slice %arg4[%add3A_118, %dma_start3A_119, %dma_start3A_120] : memref<20480x8x128xf32, #tpu.memory_space<hbm>> -> memref<16x8x128xf32, #tpu.memory_space<hbm>>
    %dma_start3A_122 = arith.constant 0 : i32
    %dma_start3A_123 = arith.constant 0 : i32
    %dma_start3A_124 = tpu.memref_slice %arg4[%add3A_118, %dma_start3A_122, %dma_start3A_123] : memref<20480x8x128xf32, #tpu.memory_space<hbm>> -> memref<16x8x128xf32, #tpu.memory_space<hbm>>
    tpu.enqueue_dma source(%arg7 : memref<16x8x128xf32, #tpu.memory_space<vmem>>) target(%dma_start3A_124 : memref<16x8x128xf32, #tpu.memory_space<hbm>>) target_semaphore(%arg11 : memref<!tpu.dma_semaphore, #tpu.memory_space<semaphore_mem>>)
    %mul3A_125 = arith.constant 640 : i32
    %mul3A_126 = arith.muli %add3A, %mul3A_125 : i32
    %add3A_127 = arith.constant 48 : i32
    %add3A_128 = arith.addi %mul3A_126, %add3A_127 : i32
    %dma_wait3A_129 = arith.constant 0 : i32
    %dma_wait3A_130 = arith.constant 0 : i32
    %dma_wait3A_131 = tpu.memref_slice %arg4[%add3A_128, %dma_wait3A_129, %dma_wait3A_130] : memref<20480x8x128xf32, #tpu.memory_space<hbm>> -> memref<16x8x128xf32, #tpu.memory_space<hbm>>
    %dma_wait3A_132 = arith.constant 0 : i32
    %dma_wait3A_133 = arith.constant 0 : i32
    %dma_wait3A_134 = tpu.memref_slice %arg4[%add3A_128, %dma_wait3A_132, %dma_wait3A_133] : memref<20480x8x128xf32, #tpu.memory_space<hbm>> -> memref<16x8x128xf32, #tpu.memory_space<hbm>>
    tpu.wait_dma2 semaphore(%arg11 : memref<!tpu.dma_semaphore, #tpu.memory_space<semaphore_mem>>) src(%arg7 : memref<16x8x128xf32, #tpu.memory_space<vmem>>) dst(%dma_wait3A_134 : memref<16x8x128xf32, #tpu.memory_space<hbm>>)
    %dma_start3A_135 = arith.constant 80 : i32
    %dma_start3A_136 = tpu.memref_slice %arg5[%dma_start3A_135] : memref<640xi32, #tpu.memory_space<vmem>> -> memref<16xi32, #tpu.memory_space<vmem>>
    %dma_start3A_137 = arith.constant 0 : i32
    %dma_start3A_138 = arith.constant 0 : i32
    %dma_start3A_139 = arith.constant 0 : i32
    %dma_start3A_140 = tpu.memref_slice %arg3[%dma_start3A_137, %dma_start3A_138, %dma_start3A_139] : memref<1000x8x128xf32, #tpu.memory_space<hbm>> -> memref<1000x8x128xf32, #tpu.memory_space<hbm>>
    tpu.enqueue_indirect_dma source(%dma_start3A_140 : memref<1000x8x128xf32, #tpu.memory_space<hbm>>) target(%arg7 : memref<16x8x128xf32, #tpu.memory_space<vmem>>) offsets(%dma_start3A_136 : memref<16xi32, #tpu.memory_space<vmem>>) semaphore(%arg9 : memref<!tpu.dma_semaphore, #tpu.memory_space<semaphore_mem>>)
    %dma_wait3A_141 = arith.constant 64 : i32
    %dma_wait3A_142 = tpu.memref_slice %arg5[%dma_wait3A_141] : memref<640xi32, #tpu.memory_space<vmem>> -> memref<16xi32, #tpu.memory_space<vmem>>
    %dma_wait3A_143 = arith.constant 0 : i32
    %dma_wait3A_144 = arith.constant 0 : i32
    %dma_wait3A_145 = arith.constant 0 : i32
    %dma_wait3A_146 = tpu.memref_slice %arg3[%dma_wait3A_143, %dma_wait3A_144, %dma_wait3A_145] : memref<1000x8x128xf32, #tpu.memory_space<hbm>> -> memref<1000x8x128xf32, #tpu.memory_space<hbm>>
    tpu.wait_indirect_dma semaphore(%arg8 : memref<!tpu.dma_semaphore, #tpu.memory_space<semaphore_mem>>) src(%dma_wait3A_146 : memref<1000x8x128xf32, #tpu.memory_space<hbm>>) dst(%arg6 : memref<16x8x128xf32, #tpu.memory_space<vmem>>)
    %mul3A_147 = arith.constant 640 : i32
    %mul3A_148 = arith.muli %add3A, %mul3A_147 : i32
    %add3A_149 = arith.constant 64 : i32
    %add3A_150 = arith.addi %mul3A_148, %add3A_149 : i32
    %dma_start3A_151 = arith.constant 0 : i32
    %dma_start3A_152 = arith.constant 0 : i32
    %dma_start3A_153 = tpu.memref_slice %arg4[%add3A_150, %dma_start3A_151, %dma_start3A_152] : memref<20480x8x128xf32, #tpu.memory_space<hbm>> -> memref<16x8x128xf32, #tpu.memory_space<hbm>>
    %dma_start3A_154 = arith.constant 0 : i32
    %dma_start3A_155 = arith.constant 0 : i32
    %dma_start3A_156 = tpu.memref_slice %arg4[%add3A_150, %dma_start3A_154, %dma_start3A_155] : memref<20480x8x128xf32, #tpu.memory_space<hbm>> -> memref<16x8x128xf32, #tpu.memory_space<hbm>>
    tpu.enqueue_dma source(%arg6 : memref<16x8x128xf32, #tpu.memory_space<vmem>>) target(%dma_start3A_156 : memref<16x8x128xf32, #tpu.memory_space<hbm>>) target_semaphore(%arg10 : memref<!tpu.dma_semaphore, #tpu.memory_space<semaphore_mem>>)
    %mul3A_157 = arith.constant 640 : i32
    %mul3A_158 = arith.muli %add3A, %mul3A_157 : i32
    %add3A_159 = arith.constant 64 : i32
    %add3A_160 = arith.addi %mul3A_158, %add3A_159 : i32
    %dma_wait3A_161 = arith.constant 0 : i32
    %dma_wait3A_162 = arith.constant 0 : i32
    %dma_wait3A_163 = tpu.memref_slice %arg4[%add3A_160, %dma_wait3A_161, %dma_wait3A_162] : memref<20480x8x128xf32, #tpu.memory_space<hbm>> -> memref<16x8x128xf32, #tpu.memory_space<hbm>>
    %dma_wait3A_164 = arith.constant 0 : i32
    %dma_wait3A_165 = arith.constant 0 : i32
    %dma_wait3A_166 = tpu.memref_slice %arg4[%add3A_160, %dma_wait3A_164, %dma_wait3A_165] : memref<20480x8x128xf32, #tpu.memory_space<hbm>> -> memref<16x8x128xf32, #tpu.memory_space<hbm>>
    tpu.wait_dma2 semaphore(%arg10 : memref<!tpu.dma_semaphore, #tpu.memory_space<semaphore_mem>>) src(%arg6 : memref<16x8x128xf32, #tpu.memory_space<vmem>>) dst(%dma_wait3A_166 : memref<16x8x128xf32, #tpu.memory_space<hbm>>)
    %dma_start3A_167 = arith.constant 96 : i32
    %dma_start3A_168 = tpu.memref_slice %arg5[%dma_start3A_167] : memref<640xi32, #tpu.memory_space<vmem>> -> memref<16xi32, #tpu.memory_space<vmem>>
    %dma_start3A_169 = arith.constant 0 : i32
    %dma_start3A_170 = arith.constant 0 : i32
    %dma_start3A_171 = arith.constant 0 : i32
    %dma_start3A_172 = tpu.memref_slice %arg3[%dma_start3A_169, %dma_start3A_170, %dma_start3A_171] : memref<1000x8x128xf32, #tpu.memory_space<hbm>> -> memref<1000x8x128xf32, #tpu.memory_space<hbm>>
    tpu.enqueue_indirect_dma source(%dma_start3A_172 : memref<1000x8x128xf32, #tpu.memory_space<hbm>>) target(%arg6 : memref<16x8x128xf32, #tpu.memory_space<vmem>>) offsets(%dma_start3A_168 : memref<16xi32, #tpu.memory_space<vmem>>) semaphore(%arg8 : memref<!tpu.dma_semaphore, #tpu.memory_space<semaphore_mem>>)
    %dma_wait3A_173 = arith.constant 80 : i32
    %dma_wait3A_174 = tpu.memref_slice %arg5[%dma_wait3A_173] : memref<640xi32, #tpu.memory_space<vmem>> -> memref<16xi32, #tpu.memory_space<vmem>>
    %dma_wait3A_175 = arith.constant 0 : i32
    %dma_wait3A_176 = arith.constant 0 : i32
    %dma_wait3A_177 = arith.constant 0 : i32
    %dma_wait3A_178 = tpu.memref_slice %arg3[%dma_wait3A_175, %dma_wait3A_176, %dma_wait3A_177] : memref<1000x8x128xf32, #tpu.memory_space<hbm>> -> memref<1000x8x128xf32, #tpu.memory_space<hbm>>
    tpu.wait_indirect_dma semaphore(%arg9 : memref<!tpu.dma_semaphore, #tpu.memory_space<semaphore_mem>>) src(%dma_wait3A_178 : memref<1000x8x128xf32, #tpu.memory_space<hbm>>) dst(%arg7 : memref<16x8x128xf32, #tpu.memory_space<vmem>>)
    %mul3A_179 = arith.constant 640 : i32
    %mul3A_180 = arith.muli %add3A, %mul3A_179 : i32
    %add3A_181 = arith.constant 80 : i32
    %add3A_182 = arith.addi %mul3A_180, %add3A_181 : i32
    %dma_start3A_183 = arith.constant 0 : i32
    %dma_start3A_184 = arith.constant 0 : i32
    %dma_start3A_185 = tpu.memref_slice %arg4[%add3A_182, %dma_start3A_183, %dma_start3A_184] : memref<20480x8x128xf32, #tpu.memory_space<hbm>> -> memref<16x8x128xf32, #tpu.memory_space<hbm>>
    %dma_start3A_186 = arith.constant 0 : i32
    %dma_start3A_187 = arith.constant 0 : i32
    %dma_start3A_188 = tpu.memref_slice %arg4[%add3A_182, %dma_start3A_186, %dma_start3A_187] : memref<20480x8x128xf32, #tpu.memory_space<hbm>> -> memref<16x8x128xf32, #tpu.memory_space<hbm>>
    tpu.enqueue_dma source(%arg7 : memref<16x8x128xf32, #tpu.memory_space<vmem>>) target(%dma_start3A_188 : memref<16x8x128xf32, #tpu.memory_space<hbm>>) target_semaphore(%arg11 : memref<!tpu.dma_semaphore, #tpu.memory_space<semaphore_mem>>)
    %mul3A_189 = arith.constant 640 : i32
    %mul3A_190 = arith.muli %add3A, %mul3A_189 : i32
    %add3A_191 = arith.constant 80 : i32
    %add3A_192 = arith.addi %mul3A_190, %add3A_191 : i32
    %dma_wait3A_193 = arith.constant 0 : i32
    %dma_wait3A_194 = arith.constant 0 : i32
    %dma_wait3A_195 = tpu.memref_slice %arg4[%add3A_192, %dma_wait3A_193, %dma_wait3A_194] : memref<20480x8x128xf32, #tpu.memory_space<hbm>> -> memref<16x8x128xf32, #tpu.memory_space<hbm>>
    %dma_wait3A_196 = arith.constant 0 : i32
    %dma_wait3A_197 = arith.constant 0 : i32
    %dma_wait3A_198 = tpu.memref_slice %arg4[%add3A_192, %dma_wait3A_196, %dma_wait3A_197] : memref<20480x8x128xf32, #tpu.memory_space<hbm>> -> memref<16x8x128xf32, #tpu.memory_space<hbm>>
    tpu.wait_dma2 semaphore(%arg11 : memref<!tpu.dma_semaphore, #tpu.memory_space<semaphore_mem>>) src(%arg7 : memref<16x8x128xf32, #tpu.memory_space<vmem>>) dst(%dma_wait3A_198 : memref<16x8x128xf32, #tpu.memory_space<hbm>>)
    %dma_start3A_199 = arith.constant 112 : i32
    %dma_start3A_200 = tpu.memref_slice %arg5[%dma_start3A_199] : memref<640xi32, #tpu.memory_space<vmem>> -> memref<16xi32, #tpu.memory_space<vmem>>
    %dma_start3A_201 = arith.constant 0 : i32
    %dma_start3A_202 = arith.constant 0 : i32
    %dma_start3A_203 = arith.constant 0 : i32
    %dma_start3A_204 = tpu.memref_slice %arg3[%dma_start3A_201, %dma_start3A_202, %dma_start3A_203] : memref<1000x8x128xf32, #tpu.memory_space<hbm>> -> memref<1000x8x128xf32, #tpu.memory_space<hbm>>
    tpu.enqueue_indirect_dma source(%dma_start3A_204 : memref<1000x8x128xf32, #tpu.memory_space<hbm>>) target(%arg7 : memref<16x8x128xf32, #tpu.memory_space<vmem>>) offsets(%dma_start3A_200 : memref<16xi32, #tpu.memory_space<vmem>>) semaphore(%arg9 : memref<!tpu.dma_semaphore, #tpu.memory_space<semaphore_mem>>)
    %dma_wait3A_205 = arith.constant 96 : i32
    %dma_wait3A_206 = tpu.memref_slice %arg5[%dma_wait3A_205] : memref<640xi32, #tpu.memory_space<vmem>> -> memref<16xi32, #tpu.memory_space<vmem>>
    %dma_wait3A_207 = arith.constant 0 : i32
    %dma_wait3A_208 = arith.constant 0 : i32
    %dma_wait3A_209 = arith.constant 0 : i32
    %dma_wait3A_210 = tpu.memref_slice %arg3[%dma_wait3A_207, %dma_wait3A_208, %dma_wait3A_209] : memref<1000x8x128xf32, #tpu.memory_space<hbm>> -> memref<1000x8x128xf32, #tpu.memory_space<hbm>>
    tpu.wait_indirect_dma semaphore(%arg8 : memref<!tpu.dma_semaphore, #tpu.memory_space<semaphore_mem>>) src(%dma_wait3A_210 : memref<1000x8x128xf32, #tpu.memory_space<hbm>>) dst(%arg6 : memref<16x8x128xf32, #tpu.memory_space<vmem>>)
    %mul3A_211 = arith.constant 640 : i32
    %mul3A_212 = arith.muli %add3A, %mul3A_211 : i32
    %add3A_213 = arith.constant 96 : i32
    %add3A_214 = arith.addi %mul3A_212, %add3A_213 : i32
    %dma_start3A_215 = arith.constant 0 : i32
    %dma_start3A_216 = arith.constant 0 : i32
    %dma_start3A_217 = tpu.memref_slice %arg4[%add3A_214, %dma_start3A_215, %dma_start3A_216] : memref<20480x8x128xf32, #tpu.memory_space<hbm>> -> memref<16x8x128xf32, #tpu.memory_space<hbm>>
    %dma_start3A_218 = arith.constant 0 : i32
    %dma_start3A_219 = arith.constant 0 : i32
    %dma_start3A_220 = tpu.memref_slice %arg4[%add3A_214, %dma_start3A_218, %dma_start3A_219] : memref<20480x8x128xf32, #tpu.memory_space<hbm>> -> memref<16x8x128xf32, #tpu.memory_space<hbm>>
    tpu.enqueue_dma source(%arg6 : memref<16x8x128xf32, #tpu.memory_space<vmem>>) target(%dma_start3A_220 : memref<16x8x128xf32, #tpu.memory_space<hbm>>) target_semaphore(%arg10 : memref<!tpu.dma_semaphore, #tpu.memory_space<semaphore_mem>>)
    %mul3A_221 = arith.constant 640 : i32
    %mul3A_222 = arith.muli %add3A, %mul3A_221 : i32
    %add3A_223 = arith.constant 96 : i32
    %add3A_224 = arith.addi %mul3A_222, %add3A_223 : i32
    %dma_wait3A_225 = arith.constant 0 : i32
    %dma_wait3A_226 = arith.constant 0 : i32
    %dma_wait3A_227 = tpu.memref_slice %arg4[%add3A_224, %dma_wait3A_225, %dma_wait3A_226] : memref<20480x8x128xf32, #tpu.memory_space<hbm>> -> memref<16x8x128xf32, #tpu.memory_space<hbm>>
    %dma_wait3A_228 = arith.constant 0 : i32
    %dma_wait3A_229 = arith.constant 0 : i32
    %dma_wait3A_230 = tpu.memref_slice %arg4[%add3A_224, %dma_wait3A_228, %dma_wait3A_229] : memref<20480x8x128xf32, #tpu.memory_space<hbm>> -> memref<16x8x128xf32, #tpu.memory_space<hbm>>
    tpu.wait_dma2 semaphore(%arg10 : memref<!tpu.dma_semaphore, #tpu.memory_space<semaphore_mem>>) src(%arg6 : memref<16x8x128xf32, #tpu.memory_space<vmem>>) dst(%dma_wait3A_230 : memref<16x8x128xf32, #tpu.memory_space<hbm>>)
    %dma_start3A_231 = arith.constant 128 : i32
    %dma_start3A_232 = tpu.memref_slice %arg5[%dma_start3A_231] : memref<640xi32, #tpu.memory_space<vmem>> -> memref<16xi32, #tpu.memory_space<vmem>>
    %dma_start3A_233 = arith.constant 0 : i32
    %dma_start3A_234 = arith.constant 0 : i32
    %dma_start3A_235 = arith.constant 0 : i32
    %dma_start3A_236 = tpu.memref_slice %arg3[%dma_start3A_233, %dma_start3A_234, %dma_start3A_235] : memref<1000x8x128xf32, #tpu.memory_space<hbm>> -> memref<1000x8x128xf32, #tpu.memory_space<hbm>>
    tpu.enqueue_indirect_dma source(%dma_start3A_236 : memref<1000x8x128xf32, #tpu.memory_space<hbm>>) target(%arg6 : memref<16x8x128xf32, #tpu.memory_space<vmem>>) offsets(%dma_start3A_232 : memref<16xi32, #tpu.memory_space<vmem>>) semaphore(%arg8 : memref<!tpu.dma_semaphore, #tpu.memory_space<semaphore_mem>>)
    %dma_wait3A_237 = arith.constant 112 : i32
    %dma_wait3A_238 = tpu.memref_slice %arg5[%dma_wait3A_237] : memref<640xi32, #tpu.memory_space<vmem>> -> memref<16xi32, #tpu.memory_space<vmem>>
    %dma_wait3A_239 = arith.constant 0 : i32
    %dma_wait3A_240 = arith.constant 0 : i32
    %dma_wait3A_241 = arith.constant 0 : i32
    %dma_wait3A_242 = tpu.memref_slice %arg3[%dma_wait3A_239, %dma_wait3A_240, %dma_wait3A_241] : memref<1000x8x128xf32, #tpu.memory_space<hbm>> -> memref<1000x8x128xf32, #tpu.memory_space<hbm>>
    tpu.wait_indirect_dma semaphore(%arg9 : memref<!tpu.dma_semaphore, #tpu.memory_space<semaphore_mem>>) src(%dma_wait3A_242 : memref<1000x8x128xf32, #tpu.memory_space<hbm>>) dst(%arg7 : memref<16x8x128xf32, #tpu.memory_space<vmem>>)
    %mul3A_243 = arith.constant 640 : i32
    %mul3A_244 = arith.muli %add3A, %mul3A_243 : i32
    %add3A_245 = arith.constant 112 : i32
    %add3A_246 = arith.addi %mul3A_244, %add3A_245 : i32
    %dma_start3A_247 = arith.constant 0 : i32
    %dma_start3A_248 = arith.constant 0 : i32
    %dma_start3A_249 = tpu.memref_slice %arg4[%add3A_246, %dma_start3A_247, %dma_start3A_248] : memref<20480x8x128xf32, #tpu.memory_space<hbm>> -> memref<16x8x128xf32, #tpu.memory_space<hbm>>
    %dma_start3A_250 = arith.constant 0 : i32
    %dma_start3A_251 = arith.constant 0 : i32
    %dma_start3A_252 = tpu.memref_slice %arg4[%add3A_246, %dma_start3A_250, %dma_start3A_251] : memref<20480x8x128xf32, #tpu.memory_space<hbm>> -> memref<16x8x128xf32, #tpu.memory_space<hbm>>
    tpu.enqueue_dma source(%arg7 : memref<16x8x128xf32, #tpu.memory_space<vmem>>) target(%dma_start3A_252 : memref<16x8x128xf32, #tpu.memory_space<hbm>>) target_semaphore(%arg11 : memref<!tpu.dma_semaphore, #tpu.memory_space<semaphore_mem>>)
    %mul3A_253 = arith.constant 640 : i32
    %mul3A_254 = arith.muli %add3A, %mul3A_253 : i32
    %add3A_255 = arith.constant 112 : i32
    %add3A_256 = arith.addi %mul3A_254, %add3A_255 : i32
    %dma_wait3A_257 = arith.constant 0 : i32
    %dma_wait3A_258 = arith.constant 0 : i32
    %dma_wait3A_259 = tpu.memref_slice %arg4[%add3A_256, %dma_wait3A_257, %dma_wait3A_258] : memref<20480x8x128xf32, #tpu.memory_space<hbm>> -> memref<16x8x128xf32, #tpu.memory_space<hbm>>
    %dma_wait3A_260 = arith.constant 0 : i32
    %dma_wait3A_261 = arith.constant 0 : i32
    %dma_wait3A_262 = tpu.memref_slice %arg4[%add3A_256, %dma_wait3A_260, %dma_wait3A_261] : memref<20480x8x128xf32, #tpu.memory_space<hbm>> -> memref<16x8x128xf32, #tpu.memory_space<hbm>>
    tpu.wait_dma2 semaphore(%arg11 : memref<!tpu.dma_semaphore, #tpu.memory_space<semaphore_mem>>) src(%arg7 : memref<16x8x128xf32, #tpu.memory_space<vmem>>) dst(%dma_wait3A_262 : memref<16x8x128xf32, #tpu.memory_space<hbm>>)
    %dma_start3A_263 = arith.constant 144 : i32
    %dma_start3A_264 = tpu.memref_slice %arg5[%dma_start3A_263] : memref<640xi32, #tpu.memory_space<vmem>> -> memref<16xi32, #tpu.memory_space<vmem>>
    %dma_start3A_265 = arith.constant 0 : i32
    %dma_start3A_266 = arith.constant 0 : i32
    %dma_start3A_267 = arith.constant 0 : i32
    %dma_start3A_268 = tpu.memref_slice %arg3[%dma_start3A_265, %dma_start3A_266, %dma_start3A_267] : memref<1000x8x128xf32, #tpu.memory_space<hbm>> -> memref<1000x8x128xf32, #tpu.memory_space<hbm>>
    tpu.enqueue_indirect_dma source(%dma_start3A_268 : memref<1000x8x128xf32, #tpu.memory_space<hbm>>) target(%arg7 : memref<16x8x128xf32, #tpu.memory_space<vmem>>) offsets(%dma_start3A_264 : memref<16xi32, #tpu.memory_space<vmem>>) semaphore(%arg9 : memref<!tpu.dma_semaphore, #tpu.memory_space<semaphore_mem>>)
    %dma_wait3A_269 = arith.constant 128 : i32
    %dma_wait3A_270 = tpu.memref_slice %arg5[%dma_wait3A_269] : memref<640xi32, #tpu.memory_space<vmem>> -> memref<16xi32, #tpu.memory_space<vmem>>
    %dma_wait3A_271 = arith.constant 0 : i32
    %dma_wait3A_272 = arith.constant 0 : i32
    %dma_wait3A_273 = arith.constant 0 : i32
    %dma_wait3A_274 = tpu.memref_slice %arg3[%dma_wait3A_271, %dma_wait3A_272, %dma_wait3A_273] : memref<1000x8x128xf32, #tpu.memory_space<hbm>> -> memref<1000x8x128xf32, #tpu.memory_space<hbm>>
    tpu.wait_indirect_dma semaphore(%arg8 : memref<!tpu.dma_semaphore, #tpu.memory_space<semaphore_mem>>) src(%dma_wait3A_274 : memref<1000x8x128xf32, #tpu.memory_space<hbm>>) dst(%arg6 : memref<16x8x128xf32, #tpu.memory_space<vmem>>)
    %mul3A_275 = arith.constant 640 : i32
    %mul3A_276 = arith.muli %add3A, %mul3A_275 : i32
    %add3A_277 = arith.constant 128 : i32
    %add3A_278 = arith.addi %mul3A_276, %add3A_277 : i32
    %dma_start3A_279 = arith.constant 0 : i32
    %dma_start3A_280 = arith.constant 0 : i32
    %dma_start3A_281 = tpu.memref_slice %arg4[%add3A_278, %dma_start3A_279, %dma_start3A_280] : memref<20480x8x128xf32, #tpu.memory_space<hbm>> -> memref<16x8x128xf32, #tpu.memory_space<hbm>>
    %dma_start3A_282 = arith.constant 0 : i32
    %dma_start3A_283 = arith.constant 0 : i32
    %dma_start3A_284 = tpu.memref_slice %arg4[%add3A_278, %dma_start3A_282, %dma_start3A_283] : memref<20480x8x128xf32, #tpu.memory_space<hbm>> -> memref<16x8x128xf32, #tpu.memory_space<hbm>>
    tpu.enqueue_dma source(%arg6 : memref<16x8x128xf32, #tpu.memory_space<vmem>>) target(%dma_start3A_284 : memref<16x8x128xf32, #tpu.memory_space<hbm>>) target_semaphore(%arg10 : memref<!tpu.dma_semaphore, #tpu.memory_space<semaphore_mem>>)
    %mul3A_285 = arith.constant 640 : i32
    %mul3A_286 = arith.muli %add3A, %mul3A_285 : i32
    %add3A_287 = arith.constant 128 : i32
    %add3A_288 = arith.addi %mul3A_286, %add3A_287 : i32
    %dma_wait3A_289 = arith.constant 0 : i32
    %dma_wait3A_290 = arith.constant 0 : i32
    %dma_wait3A_291 = tpu.memref_slice %arg4[%add3A_288, %dma_wait3A_289, %dma_wait3A_290] : memref<20480x8x128xf32, #tpu.memory_space<hbm>> -> memref<16x8x128xf32, #tpu.memory_space<hbm>>
    %dma_wait3A_292 = arith.constant 0 : i32
    %dma_wait3A_293 = arith.constant 0 : i32
    %dma_wait3A_294 = tpu.memref_slice %arg4[%add3A_288, %dma_wait3A_292, %dma_wait3A_293] : memref<20480x8x128xf32, #tpu.memory_space<hbm>> -> memref<16x8x128xf32, #tpu.memory_space<hbm>>
    tpu.wait_dma2 semaphore(%arg10 : memref<!tpu.dma_semaphore, #tpu.memory_space<semaphore_mem>>) src(%arg6 : memref<16x8x128xf32, #tpu.memory_space<vmem>>) dst(%dma_wait3A_294 : memref<16x8x128xf32, #tpu.memory_space<hbm>>)
    %dma_start3A_295 = arith.constant 160 : i32
    %dma_start3A_296 = tpu.memref_slice %arg5[%dma_start3A_295] : memref<640xi32, #tpu.memory_space<vmem>> -> memref<16xi32, #tpu.memory_space<vmem>>
    %dma_start3A_297 = arith.constant 0 : i32
    %dma_start3A_298 = arith.constant 0 : i32
    %dma_start3A_299 = arith.constant 0 : i32
    %dma_start3A_300 = tpu.memref_slice %arg3[%dma_start3A_297, %dma_start3A_298, %dma_start3A_299] : memref<1000x8x128xf32, #tpu.memory_space<hbm>> -> memref<1000x8x128xf32, #tpu.memory_space<hbm>>
    tpu.enqueue_indirect_dma source(%dma_start3A_300 : memref<1000x8x128xf32, #tpu.memory_space<hbm>>) target(%arg6 : memref<16x8x128xf32, #tpu.memory_space<vmem>>) offsets(%dma_start3A_296 : memref<16xi32, #tpu.memory_space<vmem>>) semaphore(%arg8 : memref<!tpu.dma_semaphore, #tpu.memory_space<semaphore_mem>>)
    %dma_wait3A_301 = arith.constant 144 : i32
    %dma_wait3A_302 = tpu.memref_slice %arg5[%dma_wait3A_301] : memref<640xi32, #tpu.memory_space<vmem>> -> memref<16xi32, #tpu.memory_space<vmem>>
    %dma_wait3A_303 = arith.constant 0 : i32
    %dma_wait3A_304 = arith.constant 0 : i32
    %dma_wait3A_305 = arith.constant 0 : i32
    %dma_wait3A_306 = tpu.memref_slice %arg3[%dma_wait3A_303, %dma_wait3A_304, %dma_wait3A_305] : memref<1000x8x128xf32, #tpu.memory_space<hbm>> -> memref<1000x8x128xf32, #tpu.memory_space<hbm>>
    tpu.wait_indirect_dma semaphore(%arg9 : memref<!tpu.dma_semaphore, #tpu.memory_space<semaphore_mem>>) src(%dma_wait3A_306 : memref<1000x8x128xf32, #tpu.memory_space<hbm>>) dst(%arg7 : memref<16x8x128xf32, #tpu.memory_space<vmem>>)
    %mul3A_307 = arith.constant 640 : i32
    %mul3A_308 = arith.muli %add3A, %mul3A_307 : i32
    %add3A_309 = arith.constant 144 : i32
    %add3A_310 = arith.addi %mul3A_308, %add3A_309 : i32
    %dma_start3A_311 = arith.constant 0 : i32
    %dma_start3A_312 = arith.constant 0 : i32
    %dma_start3A_313 = tpu.memref_slice %arg4[%add3A_310, %dma_start3A_311, %dma_start3A_312] : memref<20480x8x128xf32, #tpu.memory_space<hbm>> -> memref<16x8x128xf32, #tpu.memory_space<hbm>>
    %dma_start3A_314 = arith.constant 0 : i32
    %dma_start3A_315 = arith.constant 0 : i32
    %dma_start3A_316 = tpu.memref_slice %arg4[%add3A_310, %dma_start3A_314, %dma_start3A_315] : memref<20480x8x128xf32, #tpu.memory_space<hbm>> -> memref<16x8x128xf32, #tpu.memory_space<hbm>>
    tpu.enqueue_dma source(%arg7 : memref<16x8x128xf32, #tpu.memory_space<vmem>>) target(%dma_start3A_316 : memref<16x8x128xf32, #tpu.memory_space<hbm>>) target_semaphore(%arg11 : memref<!tpu.dma_semaphore, #tpu.memory_space<semaphore_mem>>)
    %mul3A_317 = arith.constant 640 : i32
    %mul3A_318 = arith.muli %add3A, %mul3A_317 : i32
    %add3A_319 = arith.constant 144 : i32
    %add3A_320 = arith.addi %mul3A_318, %add3A_319 : i32
    %dma_wait3A_321 = arith.constant 0 : i32
    %dma_wait3A_322 = arith.constant 0 : i32
    %dma_wait3A_323 = tpu.memref_slice %arg4[%add3A_320, %dma_wait3A_321, %dma_wait3A_322] : memref<20480x8x128xf32, #tpu.memory_space<hbm>> -> memref<16x8x128xf32, #tpu.memory_space<hbm>>
    %dma_wait3A_324 = arith.constant 0 : i32
    %dma_wait3A_325 = arith.constant 0 : i32
    %dma_wait3A_326 = tpu.memref_slice %arg4[%add3A_320, %dma_wait3A_324, %dma_wait3A_325] : memref<20480x8x128xf32, #tpu.memory_space<hbm>> -> memref<16x8x128xf32, #tpu.memory_space<hbm>>
    tpu.wait_dma2 semaphore(%arg11 : memref<!tpu.dma_semaphore, #tpu.memory_space<semaphore_mem>>) src(%arg7 : memref<16x8x128xf32, #tpu.memory_space<vmem>>) dst(%dma_wait3A_326 : memref<16x8x128xf32, #tpu.memory_space<hbm>>)
    %dma_start3A_327 = arith.constant 176 : i32
    %dma_start3A_328 = tpu.memref_slice %arg5[%dma_start3A_327] : memref<640xi32, #tpu.memory_space<vmem>> -> memref<16xi32, #tpu.memory_space<vmem>>
    %dma_start3A_329 = arith.constant 0 : i32
    %dma_start3A_330 = arith.constant 0 : i32
    %dma_start3A_331 = arith.constant 0 : i32
    %dma_start3A_332 = tpu.memref_slice %arg3[%dma_start3A_329, %dma_start3A_330, %dma_start3A_331] : memref<1000x8x128xf32, #tpu.memory_space<hbm>> -> memref<1000x8x128xf32, #tpu.memory_space<hbm>>
    tpu.enqueue_indirect_dma source(%dma_start3A_332 : memref<1000x8x128xf32, #tpu.memory_space<hbm>>) target(%arg7 : memref<16x8x128xf32, #tpu.memory_space<vmem>>) offsets(%dma_start3A_328 : memref<16xi32, #tpu.memory_space<vmem>>) semaphore(%arg9 : memref<!tpu.dma_semaphore, #tpu.memory_space<semaphore_mem>>)
    %dma_wait3A_333 = arith.constant 160 : i32
    %dma_wait3A_334 = tpu.memref_slice %arg5[%dma_wait3A_333] : memref<640xi32, #tpu.memory_space<vmem>> -> memref<16xi32, #tpu.memory_space<vmem>>
    %dma_wait3A_335 = arith.constant 0 : i32
    %dma_wait3A_336 = arith.constant 0 : i32
    %dma_wait3A_337 = arith.constant 0 : i32
    %dma_wait3A_338 = tpu.memref_slice %arg3[%dma_wait3A_335, %dma_wait3A_336, %dma_wait3A_337] : memref<1000x8x128xf32, #tpu.memory_space<hbm>> -> memref<1000x8x128xf32, #tpu.memory_space<hbm>>
    tpu.wait_indirect_dma semaphore(%arg8 : memref<!tpu.dma_semaphore, #tpu.memory_space<semaphore_mem>>) src(%dma_wait3A_338 : memref<1000x8x128xf32, #tpu.memory_space<hbm>>) dst(%arg6 : memref<16x8x128xf32, #tpu.memory_space<vmem>>)
    %mul3A_339 = arith.constant 640 : i32
    %mul3A_340 = arith.muli %add3A, %mul3A_339 : i32
    %add3A_341 = arith.constant 160 : i32
    %add3A_342 = arith.addi %mul3A_340, %add3A_341 : i32
    %dma_start3A_343 = arith.constant 0 : i32
    %dma_start3A_344 = arith.constant 0 : i32
    %dma_start3A_345 = tpu.memref_slice %arg4[%add3A_342, %dma_start3A_343, %dma_start3A_344] : memref<20480x8x128xf32, #tpu.memory_space<hbm>> -> memref<16x8x128xf32, #tpu.memory_space<hbm>>
    %dma_start3A_346 = arith.constant 0 : i32
    %dma_start3A_347 = arith.constant 0 : i32
    %dma_start3A_348 = tpu.memref_slice %arg4[%add3A_342, %dma_start3A_346, %dma_start3A_347] : memref<20480x8x128xf32, #tpu.memory_space<hbm>> -> memref<16x8x128xf32, #tpu.memory_space<hbm>>
    tpu.enqueue_dma source(%arg6 : memref<16x8x128xf32, #tpu.memory_space<vmem>>) target(%dma_start3A_348 : memref<16x8x128xf32, #tpu.memory_space<hbm>>) target_semaphore(%arg10 : memref<!tpu.dma_semaphore, #tpu.memory_space<semaphore_mem>>)
    %mul3A_349 = arith.constant 640 : i32
    %mul3A_350 = arith.muli %add3A, %mul3A_349 : i32
    %add3A_351 = arith.constant 160 : i32
    %add3A_352 = arith.addi %mul3A_350, %add3A_351 : i32
    %dma_wait3A_353 = arith.constant 0 : i32
    %dma_wait3A_354 = arith.constant 0 : i32
    %dma_wait3A_355 = tpu.memref_slice %arg4[%add3A_352, %dma_wait3A_353, %dma_wait3A_354] : memref<20480x8x128xf32, #tpu.memory_space<hbm>> -> memref<16x8x128xf32, #tpu.memory_space<hbm>>
    %dma_wait3A_356 = arith.constant 0 : i32
    %dma_wait3A_357 = arith.constant 0 : i32
    %dma_wait3A_358 = tpu.memref_slice %arg4[%add3A_352, %dma_wait3A_356, %dma_wait3A_357] : memref<20480x8x128xf32, #tpu.memory_space<hbm>> -> memref<16x8x128xf32, #tpu.memory_space<hbm>>
    tpu.wait_dma2 semaphore(%arg10 : memref<!tpu.dma_semaphore, #tpu.memory_space<semaphore_mem>>) src(%arg6 : memref<16x8x128xf32, #tpu.memory_space<vmem>>) dst(%dma_wait3A_358 : memref<16x8x128xf32, #tpu.memory_space<hbm>>)
    %dma_start3A_359 = arith.constant 192 : i32
    %dma_start3A_360 = tpu.memref_slice %arg5[%dma_start3A_359] : memref<640xi32, #tpu.memory_space<vmem>> -> memref<16xi32, #tpu.memory_space<vmem>>
    %dma_start3A_361 = arith.constant 0 : i32
    %dma_start3A_362 = arith.constant 0 : i32
    %dma_start3A_363 = arith.constant 0 : i32
    %dma_start3A_364 = tpu.memref_slice %arg3[%dma_start3A_361, %dma_start3A_362, %dma_start3A_363] : memref<1000x8x128xf32, #tpu.memory_space<hbm>> -> memref<1000x8x128xf32, #tpu.memory_space<hbm>>
    tpu.enqueue_indirect_dma source(%dma_start3A_364 : memref<1000x8x128xf32, #tpu.memory_space<hbm>>) target(%arg6 : memref<16x8x128xf32, #tpu.memory_space<vmem>>) offsets(%dma_start3A_360 : memref<16xi32, #tpu.memory_space<vmem>>) semaphore(%arg8 : memref<!tpu.dma_semaphore, #tpu.memory_space<semaphore_mem>>)
    %dma_wait3A_365 = arith.constant 176 : i32
    %dma_wait3A_366 = tpu.memref_slice %arg5[%dma_wait3A_365] : memref<640xi32, #tpu.memory_space<vmem>> -> memref<16xi32, #tpu.memory_space<vmem>>
    %dma_wait3A_367 = arith.constant 0 : i32
    %dma_wait3A_368 = arith.constant 0 : i32
    %dma_wait3A_369 = arith.constant 0 : i32
    %dma_wait3A_370 = tpu.memref_slice %arg3[%dma_wait3A_367, %dma_wait3A_368, %dma_wait3A_369] : memref<1000x8x128xf32, #tpu.memory_space<hbm>> -> memref<1000x8x128xf32, #tpu.memory_space<hbm>>
    tpu.wait_indirect_dma semaphore(%arg9 : memref<!tpu.dma_semaphore, #tpu.memory_space<semaphore_mem>>) src(%dma_wait3A_370 : memref<1000x8x128xf32, #tpu.memory_space<hbm>>) dst(%arg7 : memref<16x8x128xf32, #tpu.memory_space<vmem>>)
    %mul3A_371 = arith.constant 640 : i32
    %mul3A_372 = arith.muli %add3A, %mul3A_371 : i32
    %add3A_373 = arith.constant 176 : i32
    %add3A_374 = arith.addi %mul3A_372, %add3A_373 : i32
    %dma_start3A_375 = arith.constant 0 : i32
    %dma_start3A_376 = arith.constant 0 : i32
    %dma_start3A_377 = tpu.memref_slice %arg4[%add3A_374, %dma_start3A_375, %dma_start3A_376] : memref<20480x8x128xf32, #tpu.memory_space<hbm>> -> memref<16x8x128xf32, #tpu.memory_space<hbm>>
    %dma_start3A_378 = arith.constant 0 : i32
    %dma_start3A_379 = arith.constant 0 : i32
    %dma_start3A_380 = tpu.memref_slice %arg4[%add3A_374, %dma_start3A_378, %dma_start3A_379] : memref<20480x8x128xf32, #tpu.memory_space<hbm>> -> memref<16x8x128xf32, #tpu.memory_space<hbm>>
    tpu.enqueue_dma source(%arg7 : memref<16x8x128xf32, #tpu.memory_space<vmem>>) target(%dma_start3A_380 : memref<16x8x128xf32, #tpu.memory_space<hbm>>) target_semaphore(%arg11 : memref<!tpu.dma_semaphore, #tpu.memory_space<semaphore_mem>>)
    %mul3A_381 = arith.constant 640 : i32
    %mul3A_382 = arith.muli %add3A, %mul3A_381 : i32
    %add3A_383 = arith.constant 176 : i32
    %add3A_384 = arith.addi %mul3A_382, %add3A_383 : i32
    %dma_wait3A_385 = arith.constant 0 : i32
    %dma_wait3A_386 = arith.constant 0 : i32
    %dma_wait3A_387 = tpu.memref_slice %arg4[%add3A_384, %dma_wait3A_385, %dma_wait3A_386] : memref<20480x8x128xf32, #tpu.memory_space<hbm>> -> memref<16x8x128xf32, #tpu.memory_space<hbm>>
    %dma_wait3A_388 = arith.constant 0 : i32
    %dma_wait3A_389 = arith.constant 0 : i32
    %dma_wait3A_390 = tpu.memref_slice %arg4[%add3A_384, %dma_wait3A_388, %dma_wait3A_389] : memref<20480x8x128xf32, #tpu.memory_space<hbm>> -> memref<16x8x128xf32, #tpu.memory_space<hbm>>
    tpu.wait_dma2 semaphore(%arg11 : memref<!tpu.dma_semaphore, #tpu.memory_space<semaphore_mem>>) src(%arg7 : memref<16x8x128xf32, #tpu.memory_space<vmem>>) dst(%dma_wait3A_390 : memref<16x8x128xf32, #tpu.memory_space<hbm>>)
    %dma_start3A_391 = arith.constant 208 : i32
    %dma_start3A_392 = tpu.memref_slice %arg5[%dma_start3A_391] : memref<640xi32, #tpu.memory_space<vmem>> -> memref<16xi32, #tpu.memory_space<vmem>>
    %dma_start3A_393 = arith.constant 0 : i32
    %dma_start3A_394 = arith.constant 0 : i32
    %dma_start3A_395 = arith.constant 0 : i32
    %dma_start3A_396 = tpu.memref_slice %arg3[%dma_start3A_393, %dma_start3A_394, %dma_start3A_395] : memref<1000x8x128xf32, #tpu.memory_space<hbm>> -> memref<1000x8x128xf32, #tpu.memory_space<hbm>>
    tpu.enqueue_indirect_dma source(%dma_start3A_396 : memref<1000x8x128xf32, #tpu.memory_space<hbm>>) target(%arg7 : memref<16x8x128xf32, #tpu.memory_space<vmem>>) offsets(%dma_start3A_392 : memref<16xi32, #tpu.memory_space<vmem>>) semaphore(%arg9 : memref<!tpu.dma_semaphore, #tpu.memory_space<semaphore_mem>>)
    %dma_wait3A_397 = arith.constant 192 : i32
    %dma_wait3A_398 = tpu.memref_slice %arg5[%dma_wait3A_397] : memref<640xi32, #tpu.memory_space<vmem>> -> memref<16xi32, #tpu.memory_space<vmem>>
    %dma_wait3A_399 = arith.constant 0 : i32
    %dma_wait3A_400 = arith.constant 0 : i32
    %dma_wait3A_401 = arith.constant 0 : i32
    %dma_wait3A_402 = tpu.memref_slice %arg3[%dma_wait3A_399, %dma_wait3A_400, %dma_wait3A_401] : memref<1000x8x128xf32, #tpu.memory_space<hbm>> -> memref<1000x8x128xf32, #tpu.memory_space<hbm>>
    tpu.wait_indirect_dma semaphore(%arg8 : memref<!tpu.dma_semaphore, #tpu.memory_space<semaphore_mem>>) src(%dma_wait3A_402 : memref<1000x8x128xf32, #tpu.memory_space<hbm>>) dst(%arg6 : memref<16x8x128xf32, #tpu.memory_space<vmem>>)
    %mul3A_403 = arith.constant 640 : i32
    %mul3A_404 = arith.muli %add3A, %mul3A_403 : i32
    %add3A_405 = arith.constant 192 : i32
    %add3A_406 = arith.addi %mul3A_404, %add3A_405 : i32
    %dma_start3A_407 = arith.constant 0 : i32
    %dma_start3A_408 = arith.constant 0 : i32
    %dma_start3A_409 = tpu.memref_slice %arg4[%add3A_406, %dma_start3A_407, %dma_start3A_408] : memref<20480x8x128xf32, #tpu.memory_space<hbm>> -> memref<16x8x128xf32, #tpu.memory_space<hbm>>
    %dma_start3A_410 = arith.constant 0 : i32
    %dma_start3A_411 = arith.constant 0 : i32
    %dma_start3A_412 = tpu.memref_slice %arg4[%add3A_406, %dma_start3A_410, %dma_start3A_411] : memref<20480x8x128xf32, #tpu.memory_space<hbm>> -> memref<16x8x128xf32, #tpu.memory_space<hbm>>
    tpu.enqueue_dma source(%arg6 : memref<16x8x128xf32, #tpu.memory_space<vmem>>) target(%dma_start3A_412 : memref<16x8x128xf32, #tpu.memory_space<hbm>>) target_semaphore(%arg10 : memref<!tpu.dma_semaphore, #tpu.memory_space<semaphore_mem>>)
    %mul3A_413 = arith.constant 640 : i32
    %mul3A_414 = arith.muli %add3A, %mul3A_413 : i32
    %add3A_415 = arith.constant 192 : i32
    %add3A_416 = arith.addi %mul3A_414, %add3A_415 : i32
    %dma_wait3A_417 = arith.constant 0 : i32
    %dma_wait3A_418 = arith.constant 0 : i32
    %dma_wait3A_419 = tpu.memref_slice %arg4[%add3A_416, %dma_wait3A_417, %dma_wait3A_418] : memref<20480x8x128xf32, #tpu.memory_space<hbm>> -> memref<16x8x128xf32, #tpu.memory_space<hbm>>
    %dma_wait3A_420 = arith.constant 0 : i32
    %dma_wait3A_421 = arith.constant 0 : i32
    %dma_wait3A_422 = tpu.memref_slice %arg4[%add3A_416, %dma_wait3A_420, %dma_wait3A_421] : memref<20480x8x128xf32, #tpu.memory_space<hbm>> -> memref<16x8x128xf32, #tpu.memory_space<hbm>>
    tpu.wait_dma2 semaphore(%arg10 : memref<!tpu.dma_semaphore, #tpu.memory_space<semaphore_mem>>) src(%arg6 : memref<16x8x128xf32, #tpu.memory_space<vmem>>) dst(%dma_wait3A_422 : memref<16x8x128xf32, #tpu.memory_space<hbm>>)
    %dma_start3A_423 = arith.constant 224 : i32
    %dma_start3A_424 = tpu.memref_slice %arg5[%dma_start3A_423] : memref<640xi32, #tpu.memory_space<vmem>> -> memref<16xi32, #tpu.memory_space<vmem>>
    %dma_start3A_425 = arith.constant 0 : i32
    %dma_start3A_426 = arith.constant 0 : i32
    %dma_start3A_427 = arith.constant 0 : i32
    %dma_start3A_428 = tpu.memref_slice %arg3[%dma_start3A_425, %dma_start3A_426, %dma_start3A_427] : memref<1000x8x128xf32, #tpu.memory_space<hbm>> -> memref<1000x8x128xf32, #tpu.memory_space<hbm>>
    tpu.enqueue_indirect_dma source(%dma_start3A_428 : memref<1000x8x128xf32, #tpu.memory_space<hbm>>) target(%arg6 : memref<16x8x128xf32, #tpu.memory_space<vmem>>) offsets(%dma_start3A_424 : memref<16xi32, #tpu.memory_space<vmem>>) semaphore(%arg8 : memref<!tpu.dma_semaphore, #tpu.memory_space<semaphore_mem>>)
    %dma_wait3A_429 = arith.constant 208 : i32
    %dma_wait3A_430 = tpu.memref_slice %arg5[%dma_wait3A_429] : memref<640xi32, #tpu.memory_space<vmem>> -> memref<16xi32, #tpu.memory_space<vmem>>
    %dma_wait3A_431 = arith.constant 0 : i32
    %dma_wait3A_432 = arith.constant 0 : i32
    %dma_wait3A_433 = arith.constant 0 : i32
    %dma_wait3A_434 = tpu.memref_slice %arg3[%dma_wait3A_431, %dma_wait3A_432, %dma_wait3A_433] : memref<1000x8x128xf32, #tpu.memory_space<hbm>> -> memref<1000x8x128xf32, #tpu.memory_space<hbm>>
    tpu.wait_indirect_dma semaphore(%arg9 : memref<!tpu.dma_semaphore, #tpu.memory_space<semaphore_mem>>) src(%dma_wait3A_434 : memref<1000x8x128xf32, #tpu.memory_space<hbm>>) dst(%arg7 : memref<16x8x128xf32, #tpu.memory_space<vmem>>)
    %mul3A_435 = arith.constant 640 : i32
    %mul3A_436 = arith.muli %add3A, %mul3A_435 : i32
    %add3A_437 = arith.constant 208 : i32
    %add3A_438 = arith.addi %mul3A_436, %add3A_437 : i32
    %dma_start3A_439 = arith.constant 0 : i32
    %dma_start3A_440 = arith.constant 0 : i32
    %dma_start3A_441 = tpu.memref_slice %arg4[%add3A_438, %dma_start3A_439, %dma_start3A_440] : memref<20480x8x128xf32, #tpu.memory_space<hbm>> -> memref<16x8x128xf32, #tpu.memory_space<hbm>>
    %dma_start3A_442 = arith.constant 0 : i32
    %dma_start3A_443 = arith.constant 0 : i32
    %dma_start3A_444 = tpu.memref_slice %arg4[%add3A_438, %dma_start3A_442, %dma_start3A_443] : memref<20480x8x128xf32, #tpu.memory_space<hbm>> -> memref<16x8x128xf32, #tpu.memory_space<hbm>>
    tpu.enqueue_dma source(%arg7 : memref<16x8x128xf32, #tpu.memory_space<vmem>>) target(%dma_start3A_444 : memref<16x8x128xf32, #tpu.memory_space<hbm>>) target_semaphore(%arg11 : memref<!tpu.dma_semaphore, #tpu.memory_space<semaphore_mem>>)
    %mul3A_445 = arith.constant 640 : i32
    %mul3A_446 = arith.muli %add3A, %mul3A_445 : i32
    %add3A_447 = arith.constant 208 : i32
    %add3A_448 = arith.addi %mul3A_446, %add3A_447 : i32
    %dma_wait3A_449 = arith.constant 0 : i32
    %dma_wait3A_450 = arith.constant 0 : i32
    %dma_wait3A_451 = tpu.memref_slice %arg4[%add3A_448, %dma_wait3A_449, %dma_wait3A_450] : memref<20480x8x128xf32, #tpu.memory_space<hbm>> -> memref<16x8x128xf32, #tpu.memory_space<hbm>>
    %dma_wait3A_452 = arith.constant 0 : i32
    %dma_wait3A_453 = arith.constant 0 : i32
    %dma_wait3A_454 = tpu.memref_slice %arg4[%add3A_448, %dma_wait3A_452, %dma_wait3A_453] : memref<20480x8x128xf32, #tpu.memory_space<hbm>> -> memref<16x8x128xf32, #tpu.memory_space<hbm>>
    tpu.wait_dma2 semaphore(%arg11 : memref<!tpu.dma_semaphore, #tpu.memory_space<semaphore_mem>>) src(%arg7 : memref<16x8x128xf32, #tpu.memory_space<vmem>>) dst(%dma_wait3A_454 : memref<16x8x128xf32, #tpu.memory_space<hbm>>)
    %dma_start3A_455 = arith.constant 240 : i32
    %dma_start3A_456 = tpu.memref_slice %arg5[%dma_start3A_455] : memref<640xi32, #tpu.memory_space<vmem>> -> memref<16xi32, #tpu.memory_space<vmem>>
    %dma_start3A_457 = arith.constant 0 : i32
    %dma_start3A_458 = arith.constant 0 : i32
    %dma_start3A_459 = arith.constant 0 : i32
    %dma_start3A_460 = tpu.memref_slice %arg3[%dma_start3A_457, %dma_start3A_458, %dma_start3A_459] : memref<1000x8x128xf32, #tpu.memory_space<hbm>> -> memref<1000x8x128xf32, #tpu.memory_space<hbm>>
    tpu.enqueue_indirect_dma source(%dma_start3A_460 : memref<1000x8x128xf32, #tpu.memory_space<hbm>>) target(%arg7 : memref<16x8x128xf32, #tpu.memory_space<vmem>>) offsets(%dma_start3A_456 : memref<16xi32, #tpu.memory_space<vmem>>) semaphore(%arg9 : memref<!tpu.dma_semaphore, #tpu.memory_space<semaphore_mem>>)
    %dma_wait3A_461 = arith.constant 224 : i32
    %dma_wait3A_462 = tpu.memref_slice %arg5[%dma_wait3A_461] : memref<640xi32, #tpu.memory_space<vmem>> -> memref<16xi32, #tpu.memory_space<vmem>>
    %dma_wait3A_463 = arith.constant 0 : i32
    %dma_wait3A_464 = arith.constant 0 : i32
    %dma_wait3A_465 = arith.constant 0 : i32
    %dma_wait3A_466 = tpu.memref_slice %arg3[%dma_wait3A_463, %dma_wait3A_464, %dma_wait3A_465] : memref<1000x8x128xf32, #tpu.memory_space<hbm>> -> memref<1000x8x128xf32, #tpu.memory_space<hbm>>
    tpu.wait_indirect_dma semaphore(%arg8 : memref<!tpu.dma_semaphore, #tpu.memory_space<semaphore_mem>>) src(%dma_wait3A_466 : memref<1000x8x128xf32, #tpu.memory_space<hbm>>) dst(%arg6 : memref<16x8x128xf32, #tpu.memory_space<vmem>>)
    %mul3A_467 = arith.constant 640 : i32
    %mul3A_468 = arith.muli %add3A, %mul3A_467 : i32
    %add3A_469 = arith.constant 224 : i32
    %add3A_470 = arith.addi %mul3A_468, %add3A_469 : i32
    %dma_start3A_471 = arith.constant 0 : i32
    %dma_start3A_472 = arith.constant 0 : i32
    %dma_start3A_473 = tpu.memref_slice %arg4[%add3A_470, %dma_start3A_471, %dma_start3A_472] : memref<20480x8x128xf32, #tpu.memory_space<hbm>> -> memref<16x8x128xf32, #tpu.memory_space<hbm>>
    %dma_start3A_474 = arith.constant 0 : i32
    %dma_start3A_475 = arith.constant 0 : i32
    %dma_start3A_476 = tpu.memref_slice %arg4[%add3A_470, %dma_start3A_474, %dma_start3A_475] : memref<20480x8x128xf32, #tpu.memory_space<hbm>> -> memref<16x8x128xf32, #tpu.memory_space<hbm>>
    tpu.enqueue_dma source(%arg6 : memref<16x8x128xf32, #tpu.memory_space<vmem>>) target(%dma_start3A_476 : memref<16x8x128xf32, #tpu.memory_space<hbm>>) target_semaphore(%arg10 : memref<!tpu.dma_semaphore, #tpu.memory_space<semaphore_mem>>)
    %mul3A_477 = arith.constant 640 : i32
    %mul3A_478 = arith.muli %add3A, %mul3A_477 : i32
    %add3A_479 = arith.constant 224 : i32
    %add3A_480 = arith.addi %mul3A_478, %add3A_479 : i32
    %dma_wait3A_481 = arith.constant 0 : i32
    %dma_wait3A_482 = arith.constant 0 : i32
    %dma_wait3A_483 = tpu.memref_slice %arg4[%add3A_480, %dma_wait3A_481, %dma_wait3A_482] : memref<20480x8x128xf32, #tpu.memory_space<hbm>> -> memref<16x8x128xf32, #tpu.memory_space<hbm>>
    %dma_wait3A_484 = arith.constant 0 : i32
    %dma_wait3A_485 = arith.constant 0 : i32
    %dma_wait3A_486 = tpu.memref_slice %arg4[%add3A_480, %dma_wait3A_484, %dma_wait3A_485] : memref<20480x8x128xf32, #tpu.memory_space<hbm>> -> memref<16x8x128xf32, #tpu.memory_space<hbm>>
    tpu.wait_dma2 semaphore(%arg10 : memref<!tpu.dma_semaphore, #tpu.memory_space<semaphore_mem>>) src(%arg6 : memref<16x8x128xf32, #tpu.memory_space<vmem>>) dst(%dma_wait3A_486 : memref<16x8x128xf32, #tpu.memory_space<hbm>>)
    %dma_start3A_487 = arith.constant 256 : i32
    %dma_start3A_488 = tpu.memref_slice %arg5[%dma_start3A_487] : memref<640xi32, #tpu.memory_space<vmem>> -> memref<16xi32, #tpu.memory_space<vmem>>
    %dma_start3A_489 = arith.constant 0 : i32
    %dma_start3A_490 = arith.constant 0 : i32
    %dma_start3A_491 = arith.constant 0 : i32
    %dma_start3A_492 = tpu.memref_slice %arg3[%dma_start3A_489, %dma_start3A_490, %dma_start3A_491] : memref<1000x8x128xf32, #tpu.memory_space<hbm>> -> memref<1000x8x128xf32, #tpu.memory_space<hbm>>
    tpu.enqueue_indirect_dma source(%dma_start3A_492 : memref<1000x8x128xf32, #tpu.memory_space<hbm>>) target(%arg6 : memref<16x8x128xf32, #tpu.memory_space<vmem>>) offsets(%dma_start3A_488 : memref<16xi32, #tpu.memory_space<vmem>>) semaphore(%arg8 : memref<!tpu.dma_semaphore, #tpu.memory_space<semaphore_mem>>)
    %dma_wait3A_493 = arith.constant 240 : i32
    %dma_wait3A_494 = tpu.memref_slice %arg5[%dma_wait3A_493] : memref<640xi32, #tpu.memory_space<vmem>> -> memref<16xi32, #tpu.memory_space<vmem>>
    %dma_wait3A_495 = arith.constant 0 : i32
    %dma_wait3A_496 = arith.constant 0 : i32
    %dma_wait3A_497 = arith.constant 0 : i32
    %dma_wait3A_498 = tpu.memref_slice %arg3[%dma_wait3A_495, %dma_wait3A_496, %dma_wait3A_497] : memref<1000x8x128xf32, #tpu.memory_space<hbm>> -> memref<1000x8x128xf32, #tpu.memory_space<hbm>>
    tpu.wait_indirect_dma semaphore(%arg9 : memref<!tpu.dma_semaphore, #tpu.memory_space<semaphore_mem>>) src(%dma_wait3A_498 : memref<1000x8x128xf32, #tpu.memory_space<hbm>>) dst(%arg7 : memref<16x8x128xf32, #tpu.memory_space<vmem>>)
    %mul3A_499 = arith.constant 640 : i32
    %mul3A_500 = arith.muli %add3A, %mul3A_499 : i32
    %add3A_501 = arith.constant 240 : i32
    %add3A_502 = arith.addi %mul3A_500, %add3A_501 : i32
    %dma_start3A_503 = arith.constant 0 : i32
    %dma_start3A_504 = arith.constant 0 : i32
    %dma_start3A_505 = tpu.memref_slice %arg4[%add3A_502, %dma_start3A_503, %dma_start3A_504] : memref<20480x8x128xf32, #tpu.memory_space<hbm>> -> memref<16x8x128xf32, #tpu.memory_space<hbm>>
    %dma_start3A_506 = arith.constant 0 : i32
    %dma_start3A_507 = arith.constant 0 : i32
    %dma_start3A_508 = tpu.memref_slice %arg4[%add3A_502, %dma_start3A_506, %dma_start3A_507] : memref<20480x8x128xf32, #tpu.memory_space<hbm>> -> memref<16x8x128xf32, #tpu.memory_space<hbm>>
    tpu.enqueue_dma source(%arg7 : memref<16x8x128xf32, #tpu.memory_space<vmem>>) target(%dma_start3A_508 : memref<16x8x128xf32, #tpu.memory_space<hbm>>) target_semaphore(%arg11 : memref<!tpu.dma_semaphore, #tpu.memory_space<semaphore_mem>>)
    %mul3A_509 = arith.constant 640 : i32
    %mul3A_510 = arith.muli %add3A, %mul3A_509 : i32
    %add3A_511 = arith.constant 240 : i32
    %add3A_512 = arith.addi %mul3A_510, %add3A_511 : i32
    %dma_wait3A_513 = arith.constant 0 : i32
    %dma_wait3A_514 = arith.constant 0 : i32
    %dma_wait3A_515 = tpu.memref_slice %arg4[%add3A_512, %dma_wait3A_513, %dma_wait3A_514] : memref<20480x8x128xf32, #tpu.memory_space<hbm>> -> memref<16x8x128xf32, #tpu.memory_space<hbm>>
    %dma_wait3A_516 = arith.constant 0 : i32
    %dma_wait3A_517 = arith.constant 0 : i32
    %dma_wait3A_518 = tpu.memref_slice %arg4[%add3A_512, %dma_wait3A_516, %dma_wait3A_517] : memref<20480x8x128xf32, #tpu.memory_space<hbm>> -> memref<16x8x128xf32, #tpu.memory_space<hbm>>
    tpu.wait_dma2 semaphore(%arg11 : memref<!tpu.dma_semaphore, #tpu.memory_space<semaphore_mem>>) src(%arg7 : memref<16x8x128xf32, #tpu.memory_space<vmem>>) dst(%dma_wait3A_518 : memref<16x8x128xf32, #tpu.memory_space<hbm>>)
    %dma_start3A_519 = arith.constant 272 : i32
    %dma_start3A_520 = tpu.memref_slice %arg5[%dma_start3A_519] : memref<640xi32, #tpu.memory_space<vmem>> -> memref<16xi32, #tpu.memory_space<vmem>>
    %dma_start3A_521 = arith.constant 0 : i32
    %dma_start3A_522 = arith.constant 0 : i32
    %dma_start3A_523 = arith.constant 0 : i32
    %dma_start3A_524 = tpu.memref_slice %arg3[%dma_start3A_521, %dma_start3A_522, %dma_start3A_523] : memref<1000x8x128xf32, #tpu.memory_space<hbm>> -> memref<1000x8x128xf32, #tpu.memory_space<hbm>>
    tpu.enqueue_indirect_dma source(%dma_start3A_524 : memref<1000x8x128xf32, #tpu.memory_space<hbm>>) target(%arg7 : memref<16x8x128xf32, #tpu.memory_space<vmem>>) offsets(%dma_start3A_520 : memref<16xi32, #tpu.memory_space<vmem>>) semaphore(%arg9 : memref<!tpu.dma_semaphore, #tpu.memory_space<semaphore_mem>>)
    %dma_wait3A_525 = arith.constant 256 : i32
    %dma_wait3A_526 = tpu.memref_slice %arg5[%dma_wait3A_525] : memref<640xi32, #tpu.memory_space<vmem>> -> memref<16xi32, #tpu.memory_space<vmem>>
    %dma_wait3A_527 = arith.constant 0 : i32
    %dma_wait3A_528 = arith.constant 0 : i32
    %dma_wait3A_529 = arith.constant 0 : i32
    %dma_wait3A_530 = tpu.memref_slice %arg3[%dma_wait3A_527, %dma_wait3A_528, %dma_wait3A_529] : memref<1000x8x128xf32, #tpu.memory_space<hbm>> -> memref<1000x8x128xf32, #tpu.memory_space<hbm>>
    tpu.wait_indirect_dma semaphore(%arg8 : memref<!tpu.dma_semaphore, #tpu.memory_space<semaphore_mem>>) src(%dma_wait3A_530 : memref<1000x8x128xf32, #tpu.memory_space<hbm>>) dst(%arg6 : memref<16x8x128xf32, #tpu.memory_space<vmem>>)
    %mul3A_531 = arith.constant 640 : i32
    %mul3A_532 = arith.muli %add3A, %mul3A_531 : i32
    %add3A_533 = arith.constant 256 : i32
    %add3A_534 = arith.addi %mul3A_532, %add3A_533 : i32
    %dma_start3A_535 = arith.constant 0 : i32
    %dma_start3A_536 = arith.constant 0 : i32
    %dma_start3A_537 = tpu.memref_slice %arg4[%add3A_534, %dma_start3A_535, %dma_start3A_536] : memref<20480x8x128xf32, #tpu.memory_space<hbm>> -> memref<16x8x128xf32, #tpu.memory_space<hbm>>
    %dma_start3A_538 = arith.constant 0 : i32
    %dma_start3A_539 = arith.constant 0 : i32
    %dma_start3A_540 = tpu.memref_slice %arg4[%add3A_534, %dma_start3A_538, %dma_start3A_539] : memref<20480x8x128xf32, #tpu.memory_space<hbm>> -> memref<16x8x128xf32, #tpu.memory_space<hbm>>
    tpu.enqueue_dma source(%arg6 : memref<16x8x128xf32, #tpu.memory_space<vmem>>) target(%dma_start3A_540 : memref<16x8x128xf32, #tpu.memory_space<hbm>>) target_semaphore(%arg10 : memref<!tpu.dma_semaphore, #tpu.memory_space<semaphore_mem>>)
    %mul3A_541 = arith.constant 640 : i32
    %mul3A_542 = arith.muli %add3A, %mul3A_541 : i32
    %add3A_543 = arith.constant 256 : i32
    %add3A_544 = arith.addi %mul3A_542, %add3A_543 : i32
    %dma_wait3A_545 = arith.constant 0 : i32
    %dma_wait3A_546 = arith.constant 0 : i32
    %dma_wait3A_547 = tpu.memref_slice %arg4[%add3A_544, %dma_wait3A_545, %dma_wait3A_546] : memref<20480x8x128xf32, #tpu.memory_space<hbm>> -> memref<16x8x128xf32, #tpu.memory_space<hbm>>
    %dma_wait3A_548 = arith.constant 0 : i32
    %dma_wait3A_549 = arith.constant 0 : i32
    %dma_wait3A_550 = tpu.memref_slice %arg4[%add3A_544, %dma_wait3A_548, %dma_wait3A_549] : memref<20480x8x128xf32, #tpu.memory_space<hbm>> -> memref<16x8x128xf32, #tpu.memory_space<hbm>>
    tpu.wait_dma2 semaphore(%arg10 : memref<!tpu.dma_semaphore, #tpu.memory_space<semaphore_mem>>) src(%arg6 : memref<16x8x128xf32, #tpu.memory_space<vmem>>) dst(%dma_wait3A_550 : memref<16x8x128xf32, #tpu.memory_space<hbm>>)
    %dma_start3A_551 = arith.constant 288 : i32
    %dma_start3A_552 = tpu.memref_slice %arg5[%dma_start3A_551] : memref<640xi32, #tpu.memory_space<vmem>> -> memref<16xi32, #tpu.memory_space<vmem>>
    %dma_start3A_553 = arith.constant 0 : i32
    %dma_start3A_554 = arith.constant 0 : i32
    %dma_start3A_555 = arith.constant 0 : i32
    %dma_start3A_556 = tpu.memref_slice %arg3[%dma_start3A_553, %dma_start3A_554, %dma_start3A_555] : memref<1000x8x128xf32, #tpu.memory_space<hbm>> -> memref<1000x8x128xf32, #tpu.memory_space<hbm>>
    tpu.enqueue_indirect_dma source(%dma_start3A_556 : memref<1000x8x128xf32, #tpu.memory_space<hbm>>) target(%arg6 : memref<16x8x128xf32, #tpu.memory_space<vmem>>) offsets(%dma_start3A_552 : memref<16xi32, #tpu.memory_space<vmem>>) semaphore(%arg8 : memref<!tpu.dma_semaphore, #tpu.memory_space<semaphore_mem>>)
    %dma_wait3A_557 = arith.constant 272 : i32
    %dma_wait3A_558 = tpu.memref_slice %arg5[%dma_wait3A_557] : memref<640xi32, #tpu.memory_space<vmem>> -> memref<16xi32, #tpu.memory_space<vmem>>
    %dma_wait3A_559 = arith.constant 0 : i32
    %dma_wait3A_560 = arith.constant 0 : i32
    %dma_wait3A_561 = arith.constant 0 : i32
    %dma_wait3A_562 = tpu.memref_slice %arg3[%dma_wait3A_559, %dma_wait3A_560, %dma_wait3A_561] : memref<1000x8x128xf32, #tpu.memory_space<hbm>> -> memref<1000x8x128xf32, #tpu.memory_space<hbm>>
    tpu.wait_indirect_dma semaphore(%arg9 : memref<!tpu.dma_semaphore, #tpu.memory_space<semaphore_mem>>) src(%dma_wait3A_562 : memref<1000x8x128xf32, #tpu.memory_space<hbm>>) dst(%arg7 : memref<16x8x128xf32, #tpu.memory_space<vmem>>)
    %mul3A_563 = arith.constant 640 : i32
    %mul3A_564 = arith.muli %add3A, %mul3A_563 : i32
    %add3A_565 = arith.constant 272 : i32
    %add3A_566 = arith.addi %mul3A_564, %add3A_565 : i32
    %dma_start3A_567 = arith.constant 0 : i32
    %dma_start3A_568 = arith.constant 0 : i32
    %dma_start3A_569 = tpu.memref_slice %arg4[%add3A_566, %dma_start3A_567, %dma_start3A_568] : memref<20480x8x128xf32, #tpu.memory_space<hbm>> -> memref<16x8x128xf32, #tpu.memory_space<hbm>>
    %dma_start3A_570 = arith.constant 0 : i32
    %dma_start3A_571 = arith.constant 0 : i32
    %dma_start3A_572 = tpu.memref_slice %arg4[%add3A_566, %dma_start3A_570, %dma_start3A_571] : memref<20480x8x128xf32, #tpu.memory_space<hbm>> -> memref<16x8x128xf32, #tpu.memory_space<hbm>>
    tpu.enqueue_dma source(%arg7 : memref<16x8x128xf32, #tpu.memory_space<vmem>>) target(%dma_start3A_572 : memref<16x8x128xf32, #tpu.memory_space<hbm>>) target_semaphore(%arg11 : memref<!tpu.dma_semaphore, #tpu.memory_space<semaphore_mem>>)
    %mul3A_573 = arith.constant 640 : i32
    %mul3A_574 = arith.muli %add3A, %mul3A_573 : i32
    %add3A_575 = arith.constant 272 : i32
    %add3A_576 = arith.addi %mul3A_574, %add3A_575 : i32
    %dma_wait3A_577 = arith.constant 0 : i32
    %dma_wait3A_578 = arith.constant 0 : i32
    %dma_wait3A_579 = tpu.memref_slice %arg4[%add3A_576, %dma_wait3A_577, %dma_wait3A_578] : memref<20480x8x128xf32, #tpu.memory_space<hbm>> -> memref<16x8x128xf32, #tpu.memory_space<hbm>>
    %dma_wait3A_580 = arith.constant 0 : i32
    %dma_wait3A_581 = arith.constant 0 : i32
    %dma_wait3A_582 = tpu.memref_slice %arg4[%add3A_576, %dma_wait3A_580, %dma_wait3A_581] : memref<20480x8x128xf32, #tpu.memory_space<hbm>> -> memref<16x8x128xf32, #tpu.memory_space<hbm>>
    tpu.wait_dma2 semaphore(%arg11 : memref<!tpu.dma_semaphore, #tpu.memory_space<semaphore_mem>>) src(%arg7 : memref<16x8x128xf32, #tpu.memory_space<vmem>>) dst(%dma_wait3A_582 : memref<16x8x128xf32, #tpu.memory_space<hbm>>)
    %dma_start3A_583 = arith.constant 304 : i32
    %dma_start3A_584 = tpu.memref_slice %arg5[%dma_start3A_583] : memref<640xi32, #tpu.memory_space<vmem>> -> memref<16xi32, #tpu.memory_space<vmem>>
    %dma_start3A_585 = arith.constant 0 : i32
    %dma_start3A_586 = arith.constant 0 : i32
    %dma_start3A_587 = arith.constant 0 : i32
    %dma_start3A_588 = tpu.memref_slice %arg3[%dma_start3A_585, %dma_start3A_586, %dma_start3A_587] : memref<1000x8x128xf32, #tpu.memory_space<hbm>> -> memref<1000x8x128xf32, #tpu.memory_space<hbm>>
    tpu.enqueue_indirect_dma source(%dma_start3A_588 : memref<1000x8x128xf32, #tpu.memory_space<hbm>>) target(%arg7 : memref<16x8x128xf32, #tpu.memory_space<vmem>>) offsets(%dma_start3A_584 : memref<16xi32, #tpu.memory_space<vmem>>) semaphore(%arg9 : memref<!tpu.dma_semaphore, #tpu.memory_space<semaphore_mem>>)
    %dma_wait3A_589 = arith.constant 288 : i32
    %dma_wait3A_590 = tpu.memref_slice %arg5[%dma_wait3A_589] : memref<640xi32, #tpu.memory_space<vmem>> -> memref<16xi32, #tpu.memory_space<vmem>>
    %dma_wait3A_591 = arith.constant 0 : i32
    %dma_wait3A_592 = arith.constant 0 : i32
    %dma_wait3A_593 = arith.constant 0 : i32
    %dma_wait3A_594 = tpu.memref_slice %arg3[%dma_wait3A_591, %dma_wait3A_592, %dma_wait3A_593] : memref<1000x8x128xf32, #tpu.memory_space<hbm>> -> memref<1000x8x128xf32, #tpu.memory_space<hbm>>
    tpu.wait_indirect_dma semaphore(%arg8 : memref<!tpu.dma_semaphore, #tpu.memory_space<semaphore_mem>>) src(%dma_wait3A_594 : memref<1000x8x128xf32, #tpu.memory_space<hbm>>) dst(%arg6 : memref<16x8x128xf32, #tpu.memory_space<vmem>>)
    %mul3A_595 = arith.constant 640 : i32
    %mul3A_596 = arith.muli %add3A, %mul3A_595 : i32
    %add3A_597 = arith.constant 288 : i32
    %add3A_598 = arith.addi %mul3A_596, %add3A_597 : i32
    %dma_start3A_599 = arith.constant 0 : i32
    %dma_start3A_600 = arith.constant 0 : i32
    %dma_start3A_601 = tpu.memref_slice %arg4[%add3A_598, %dma_start3A_599, %dma_start3A_600] : memref<20480x8x128xf32, #tpu.memory_space<hbm>> -> memref<16x8x128xf32, #tpu.memory_space<hbm>>
    %dma_start3A_602 = arith.constant 0 : i32
    %dma_start3A_603 = arith.constant 0 : i32
    %dma_start3A_604 = tpu.memref_slice %arg4[%add3A_598, %dma_start3A_602, %dma_start3A_603] : memref<20480x8x128xf32, #tpu.memory_space<hbm>> -> memref<16x8x128xf32, #tpu.memory_space<hbm>>
    tpu.enqueue_dma source(%arg6 : memref<16x8x128xf32, #tpu.memory_space<vmem>>) target(%dma_start3A_604 : memref<16x8x128xf32, #tpu.memory_space<hbm>>) target_semaphore(%arg10 : memref<!tpu.dma_semaphore, #tpu.memory_space<semaphore_mem>>)
    %mul3A_605 = arith.constant 640 : i32
    %mul3A_606 = arith.muli %add3A, %mul3A_605 : i32
    %add3A_607 = arith.constant 288 : i32
    %add3A_608 = arith.addi %mul3A_606, %add3A_607 : i32
    %dma_wait3A_609 = arith.constant 0 : i32
    %dma_wait3A_610 = arith.constant 0 : i32
    %dma_wait3A_611 = tpu.memref_slice %arg4[%add3A_608, %dma_wait3A_609, %dma_wait3A_610] : memref<20480x8x128xf32, #tpu.memory_space<hbm>> -> memref<16x8x128xf32, #tpu.memory_space<hbm>>
    %dma_wait3A_612 = arith.constant 0 : i32
    %dma_wait3A_613 = arith.constant 0 : i32
    %dma_wait3A_614 = tpu.memref_slice %arg4[%add3A_608, %dma_wait3A_612, %dma_wait3A_613] : memref<20480x8x128xf32, #tpu.memory_space<hbm>> -> memref<16x8x128xf32, #tpu.memory_space<hbm>>
    tpu.wait_dma2 semaphore(%arg10 : memref<!tpu.dma_semaphore, #tpu.memory_space<semaphore_mem>>) src(%arg6 : memref<16x8x128xf32, #tpu.memory_space<vmem>>) dst(%dma_wait3A_614 : memref<16x8x128xf32, #tpu.memory_space<hbm>>)
    %dma_start3A_615 = arith.constant 320 : i32
    %dma_start3A_616 = tpu.memref_slice %arg5[%dma_start3A_615] : memref<640xi32, #tpu.memory_space<vmem>> -> memref<16xi32, #tpu.memory_space<vmem>>
    %dma_start3A_617 = arith.constant 0 : i32
    %dma_start3A_618 = arith.constant 0 : i32
    %dma_start3A_619 = arith.constant 0 : i32
    %dma_start3A_620 = tpu.memref_slice %arg3[%dma_start3A_617, %dma_start3A_618, %dma_start3A_619] : memref<1000x8x128xf32, #tpu.memory_space<hbm>> -> memref<1000x8x128xf32, #tpu.memory_space<hbm>>
    tpu.enqueue_indirect_dma source(%dma_start3A_620 : memref<1000x8x128xf32, #tpu.memory_space<hbm>>) target(%arg6 : memref<16x8x128xf32, #tpu.memory_space<vmem>>) offsets(%dma_start3A_616 : memref<16xi32, #tpu.memory_space<vmem>>) semaphore(%arg8 : memref<!tpu.dma_semaphore, #tpu.memory_space<semaphore_mem>>)
    %dma_wait3A_621 = arith.constant 304 : i32
    %dma_wait3A_622 = tpu.memref_slice %arg5[%dma_wait3A_621] : memref<640xi32, #tpu.memory_space<vmem>> -> memref<16xi32, #tpu.memory_space<vmem>>
    %dma_wait3A_623 = arith.constant 0 : i32
    %dma_wait3A_624 = arith.constant 0 : i32
    %dma_wait3A_625 = arith.constant 0 : i32
    %dma_wait3A_626 = tpu.memref_slice %arg3[%dma_wait3A_623, %dma_wait3A_624, %dma_wait3A_625] : memref<1000x8x128xf32, #tpu.memory_space<hbm>> -> memref<1000x8x128xf32, #tpu.memory_space<hbm>>
    tpu.wait_indirect_dma semaphore(%arg9 : memref<!tpu.dma_semaphore, #tpu.memory_space<semaphore_mem>>) src(%dma_wait3A_626 : memref<1000x8x128xf32, #tpu.memory_space<hbm>>) dst(%arg7 : memref<16x8x128xf32, #tpu.memory_space<vmem>>)
    %mul3A_627 = arith.constant 640 : i32
    %mul3A_628 = arith.muli %add3A, %mul3A_627 : i32
    %add3A_629 = arith.constant 304 : i32
    %add3A_630 = arith.addi %mul3A_628, %add3A_629 : i32
    %dma_start3A_631 = arith.constant 0 : i32
    %dma_start3A_632 = arith.constant 0 : i32
    %dma_start3A_633 = tpu.memref_slice %arg4[%add3A_630, %dma_start3A_631, %dma_start3A_632] : memref<20480x8x128xf32, #tpu.memory_space<hbm>> -> memref<16x8x128xf32, #tpu.memory_space<hbm>>
    %dma_start3A_634 = arith.constant 0 : i32
    %dma_start3A_635 = arith.constant 0 : i32
    %dma_start3A_636 = tpu.memref_slice %arg4[%add3A_630, %dma_start3A_634, %dma_start3A_635] : memref<20480x8x128xf32, #tpu.memory_space<hbm>> -> memref<16x8x128xf32, #tpu.memory_space<hbm>>
    tpu.enqueue_dma source(%arg7 : memref<16x8x128xf32, #tpu.memory_space<vmem>>) target(%dma_start3A_636 : memref<16x8x128xf32, #tpu.memory_space<hbm>>) target_semaphore(%arg11 : memref<!tpu.dma_semaphore, #tpu.memory_space<semaphore_mem>>)
    %mul3A_637 = arith.constant 640 : i32
    %mul3A_638 = arith.muli %add3A, %mul3A_637 : i32
    %add3A_639 = arith.constant 304 : i32
    %add3A_640 = arith.addi %mul3A_638, %add3A_639 : i32
    %dma_wait3A_641 = arith.constant 0 : i32
    %dma_wait3A_642 = arith.constant 0 : i32
    %dma_wait3A_643 = tpu.memref_slice %arg4[%add3A_640, %dma_wait3A_641, %dma_wait3A_642] : memref<20480x8x128xf32, #tpu.memory_space<hbm>> -> memref<16x8x128xf32, #tpu.memory_space<hbm>>
    %dma_wait3A_644 = arith.constant 0 : i32
    %dma_wait3A_645 = arith.constant 0 : i32
    %dma_wait3A_646 = tpu.memref_slice %arg4[%add3A_640, %dma_wait3A_644, %dma_wait3A_645] : memref<20480x8x128xf32, #tpu.memory_space<hbm>> -> memref<16x8x128xf32, #tpu.memory_space<hbm>>
    tpu.wait_dma2 semaphore(%arg11 : memref<!tpu.dma_semaphore, #tpu.memory_space<semaphore_mem>>) src(%arg7 : memref<16x8x128xf32, #tpu.memory_space<vmem>>) dst(%dma_wait3A_646 : memref<16x8x128xf32, #tpu.memory_space<hbm>>)
    %dma_start3A_647 = arith.constant 336 : i32
    %dma_start3A_648 = tpu.memref_slice %arg5[%dma_start3A_647] : memref<640xi32, #tpu.memory_space<vmem>> -> memref<16xi32, #tpu.memory_space<vmem>>
    %dma_start3A_649 = arith.constant 0 : i32
    %dma_start3A_650 = arith.constant 0 : i32
    %dma_start3A_651 = arith.constant 0 : i32
    %dma_start3A_652 = tpu.memref_slice %arg3[%dma_start3A_649, %dma_start3A_650, %dma_start3A_651] : memref<1000x8x128xf32, #tpu.memory_space<hbm>> -> memref<1000x8x128xf32, #tpu.memory_space<hbm>>
    tpu.enqueue_indirect_dma source(%dma_start3A_652 : memref<1000x8x128xf32, #tpu.memory_space<hbm>>) target(%arg7 : memref<16x8x128xf32, #tpu.memory_space<vmem>>) offsets(%dma_start3A_648 : memref<16xi32, #tpu.memory_space<vmem>>) semaphore(%arg9 : memref<!tpu.dma_semaphore, #tpu.memory_space<semaphore_mem>>)
    %dma_wait3A_653 = arith.constant 320 : i32
    %dma_wait3A_654 = tpu.memref_slice %arg5[%dma_wait3A_653] : memref<640xi32, #tpu.memory_space<vmem>> -> memref<16xi32, #tpu.memory_space<vmem>>
    %dma_wait3A_655 = arith.constant 0 : i32
    %dma_wait3A_656 = arith.constant 0 : i32
    %dma_wait3A_657 = arith.constant 0 : i32
    %dma_wait3A_658 = tpu.memref_slice %arg3[%dma_wait3A_655, %dma_wait3A_656, %dma_wait3A_657] : memref<1000x8x128xf32, #tpu.memory_space<hbm>> -> memref<1000x8x128xf32, #tpu.memory_space<hbm>>
    tpu.wait_indirect_dma semaphore(%arg8 : memref<!tpu.dma_semaphore, #tpu.memory_space<semaphore_mem>>) src(%dma_wait3A_658 : memref<1000x8x128xf32, #tpu.memory_space<hbm>>) dst(%arg6 : memref<16x8x128xf32, #tpu.memory_space<vmem>>)
    %mul3A_659 = arith.constant 640 : i32
    %mul3A_660 = arith.muli %add3A, %mul3A_659 : i32
    %add3A_661 = arith.constant 320 : i32
    %add3A_662 = arith.addi %mul3A_660, %add3A_661 : i32
    %dma_start3A_663 = arith.constant 0 : i32
    %dma_start3A_664 = arith.constant 0 : i32
    %dma_start3A_665 = tpu.memref_slice %arg4[%add3A_662, %dma_start3A_663, %dma_start3A_664] : memref<20480x8x128xf32, #tpu.memory_space<hbm>> -> memref<16x8x128xf32, #tpu.memory_space<hbm>>
    %dma_start3A_666 = arith.constant 0 : i32
    %dma_start3A_667 = arith.constant 0 : i32
    %dma_start3A_668 = tpu.memref_slice %arg4[%add3A_662, %dma_start3A_666, %dma_start3A_667] : memref<20480x8x128xf32, #tpu.memory_space<hbm>> -> memref<16x8x128xf32, #tpu.memory_space<hbm>>
    tpu.enqueue_dma source(%arg6 : memref<16x8x128xf32, #tpu.memory_space<vmem>>) target(%dma_start3A_668 : memref<16x8x128xf32, #tpu.memory_space<hbm>>) target_semaphore(%arg10 : memref<!tpu.dma_semaphore, #tpu.memory_space<semaphore_mem>>)
    %mul3A_669 = arith.constant 640 : i32
    %mul3A_670 = arith.muli %add3A, %mul3A_669 : i32
    %add3A_671 = arith.constant 320 : i32
    %add3A_672 = arith.addi %mul3A_670, %add3A_671 : i32
    %dma_wait3A_673 = arith.constant 0 : i32
    %dma_wait3A_674 = arith.constant 0 : i32
    %dma_wait3A_675 = tpu.memref_slice %arg4[%add3A_672, %dma_wait3A_673, %dma_wait3A_674] : memref<20480x8x128xf32, #tpu.memory_space<hbm>> -> memref<16x8x128xf32, #tpu.memory_space<hbm>>
    %dma_wait3A_676 = arith.constant 0 : i32
    %dma_wait3A_677 = arith.constant 0 : i32
    %dma_wait3A_678 = tpu.memref_slice %arg4[%add3A_672, %dma_wait3A_676, %dma_wait3A_677] : memref<20480x8x128xf32, #tpu.memory_space<hbm>> -> memref<16x8x128xf32, #tpu.memory_space<hbm>>
    tpu.wait_dma2 semaphore(%arg10 : memref<!tpu.dma_semaphore, #tpu.memory_space<semaphore_mem>>) src(%arg6 : memref<16x8x128xf32, #tpu.memory_space<vmem>>) dst(%dma_wait3A_678 : memref<16x8x128xf32, #tpu.memory_space<hbm>>)
    %dma_start3A_679 = arith.constant 352 : i32
    %dma_start3A_680 = tpu.memref_slice %arg5[%dma_start3A_679] : memref<640xi32, #tpu.memory_space<vmem>> -> memref<16xi32, #tpu.memory_space<vmem>>
    %dma_start3A_681 = arith.constant 0 : i32
    %dma_start3A_682 = arith.constant 0 : i32
    %dma_start3A_683 = arith.constant 0 : i32
    %dma_start3A_684 = tpu.memref_slice %arg3[%dma_start3A_681, %dma_start3A_682, %dma_start3A_683] : memref<1000x8x128xf32, #tpu.memory_space<hbm>> -> memref<1000x8x128xf32, #tpu.memory_space<hbm>>
    tpu.enqueue_indirect_dma source(%dma_start3A_684 : memref<1000x8x128xf32, #tpu.memory_space<hbm>>) target(%arg6 : memref<16x8x128xf32, #tpu.memory_space<vmem>>) offsets(%dma_start3A_680 : memref<16xi32, #tpu.memory_space<vmem>>) semaphore(%arg8 : memref<!tpu.dma_semaphore, #tpu.memory_space<semaphore_mem>>)
    %dma_wait3A_685 = arith.constant 336 : i32
    %dma_wait3A_686 = tpu.memref_slice %arg5[%dma_wait3A_685] : memref<640xi32, #tpu.memory_space<vmem>> -> memref<16xi32, #tpu.memory_space<vmem>>
    %dma_wait3A_687 = arith.constant 0 : i32
    %dma_wait3A_688 = arith.constant 0 : i32
    %dma_wait3A_689 = arith.constant 0 : i32
    %dma_wait3A_690 = tpu.memref_slice %arg3[%dma_wait3A_687, %dma_wait3A_688, %dma_wait3A_689] : memref<1000x8x128xf32, #tpu.memory_space<hbm>> -> memref<1000x8x128xf32, #tpu.memory_space<hbm>>
    tpu.wait_indirect_dma semaphore(%arg9 : memref<!tpu.dma_semaphore, #tpu.memory_space<semaphore_mem>>) src(%dma_wait3A_690 : memref<1000x8x128xf32, #tpu.memory_space<hbm>>) dst(%arg7 : memref<16x8x128xf32, #tpu.memory_space<vmem>>)
    %mul3A_691 = arith.constant 640 : i32
    %mul3A_692 = arith.muli %add3A, %mul3A_691 : i32
    %add3A_693 = arith.constant 336 : i32
    %add3A_694 = arith.addi %mul3A_692, %add3A_693 : i32
    %dma_start3A_695 = arith.constant 0 : i32
    %dma_start3A_696 = arith.constant 0 : i32
    %dma_start3A_697 = tpu.memref_slice %arg4[%add3A_694, %dma_start3A_695, %dma_start3A_696] : memref<20480x8x128xf32, #tpu.memory_space<hbm>> -> memref<16x8x128xf32, #tpu.memory_space<hbm>>
    %dma_start3A_698 = arith.constant 0 : i32
    %dma_start3A_699 = arith.constant 0 : i32
    %dma_start3A_700 = tpu.memref_slice %arg4[%add3A_694, %dma_start3A_698, %dma_start3A_699] : memref<20480x8x128xf32, #tpu.memory_space<hbm>> -> memref<16x8x128xf32, #tpu.memory_space<hbm>>
    tpu.enqueue_dma source(%arg7 : memref<16x8x128xf32, #tpu.memory_space<vmem>>) target(%dma_start3A_700 : memref<16x8x128xf32, #tpu.memory_space<hbm>>) target_semaphore(%arg11 : memref<!tpu.dma_semaphore, #tpu.memory_space<semaphore_mem>>)
    %mul3A_701 = arith.constant 640 : i32
    %mul3A_702 = arith.muli %add3A, %mul3A_701 : i32
    %add3A_703 = arith.constant 336 : i32
    %add3A_704 = arith.addi %mul3A_702, %add3A_703 : i32
    %dma_wait3A_705 = arith.constant 0 : i32
    %dma_wait3A_706 = arith.constant 0 : i32
    %dma_wait3A_707 = tpu.memref_slice %arg4[%add3A_704, %dma_wait3A_705, %dma_wait3A_706] : memref<20480x8x128xf32, #tpu.memory_space<hbm>> -> memref<16x8x128xf32, #tpu.memory_space<hbm>>
    %dma_wait3A_708 = arith.constant 0 : i32
    %dma_wait3A_709 = arith.constant 0 : i32
    %dma_wait3A_710 = tpu.memref_slice %arg4[%add3A_704, %dma_wait3A_708, %dma_wait3A_709] : memref<20480x8x128xf32, #tpu.memory_space<hbm>> -> memref<16x8x128xf32, #tpu.memory_space<hbm>>
    tpu.wait_dma2 semaphore(%arg11 : memref<!tpu.dma_semaphore, #tpu.memory_space<semaphore_mem>>) src(%arg7 : memref<16x8x128xf32, #tpu.memory_space<vmem>>) dst(%dma_wait3A_710 : memref<16x8x128xf32, #tpu.memory_space<hbm>>)
    %dma_start3A_711 = arith.constant 368 : i32
    %dma_start3A_712 = tpu.memref_slice %arg5[%dma_start3A_711] : memref<640xi32, #tpu.memory_space<vmem>> -> memref<16xi32, #tpu.memory_space<vmem>>
    %dma_start3A_713 = arith.constant 0 : i32
    %dma_start3A_714 = arith.constant 0 : i32
    %dma_start3A_715 = arith.constant 0 : i32
    %dma_start3A_716 = tpu.memref_slice %arg3[%dma_start3A_713, %dma_start3A_714, %dma_start3A_715] : memref<1000x8x128xf32, #tpu.memory_space<hbm>> -> memref<1000x8x128xf32, #tpu.memory_space<hbm>>
    tpu.enqueue_indirect_dma source(%dma_start3A_716 : memref<1000x8x128xf32, #tpu.memory_space<hbm>>) target(%arg7 : memref<16x8x128xf32, #tpu.memory_space<vmem>>) offsets(%dma_start3A_712 : memref<16xi32, #tpu.memory_space<vmem>>) semaphore(%arg9 : memref<!tpu.dma_semaphore, #tpu.memory_space<semaphore_mem>>)
    %dma_wait3A_717 = arith.constant 352 : i32
    %dma_wait3A_718 = tpu.memref_slice %arg5[%dma_wait3A_717] : memref<640xi32, #tpu.memory_space<vmem>> -> memref<16xi32, #tpu.memory_space<vmem>>
    %dma_wait3A_719 = arith.constant 0 : i32
    %dma_wait3A_720 = arith.constant 0 : i32
    %dma_wait3A_721 = arith.constant 0 : i32
    %dma_wait3A_722 = tpu.memref_slice %arg3[%dma_wait3A_719, %dma_wait3A_720, %dma_wait3A_721] : memref<1000x8x128xf32, #tpu.memory_space<hbm>> -> memref<1000x8x128xf32, #tpu.memory_space<hbm>>
    tpu.wait_indirect_dma semaphore(%arg8 : memref<!tpu.dma_semaphore, #tpu.memory_space<semaphore_mem>>) src(%dma_wait3A_722 : memref<1000x8x128xf32, #tpu.memory_space<hbm>>) dst(%arg6 : memref<16x8x128xf32, #tpu.memory_space<vmem>>)
    %mul3A_723 = arith.constant 640 : i32
    %mul3A_724 = arith.muli %add3A, %mul3A_723 : i32
    %add3A_725 = arith.constant 352 : i32
    %add3A_726 = arith.addi %mul3A_724, %add3A_725 : i32
    %dma_start3A_727 = arith.constant 0 : i32
    %dma_start3A_728 = arith.constant 0 : i32
    %dma_start3A_729 = tpu.memref_slice %arg4[%add3A_726, %dma_start3A_727, %dma_start3A_728] : memref<20480x8x128xf32, #tpu.memory_space<hbm>> -> memref<16x8x128xf32, #tpu.memory_space<hbm>>
    %dma_start3A_730 = arith.constant 0 : i32
    %dma_start3A_731 = arith.constant 0 : i32
    %dma_start3A_732 = tpu.memref_slice %arg4[%add3A_726, %dma_start3A_730, %dma_start3A_731] : memref<20480x8x128xf32, #tpu.memory_space<hbm>> -> memref<16x8x128xf32, #tpu.memory_space<hbm>>
    tpu.enqueue_dma source(%arg6 : memref<16x8x128xf32, #tpu.memory_space<vmem>>) target(%dma_start3A_732 : memref<16x8x128xf32, #tpu.memory_space<hbm>>) target_semaphore(%arg10 : memref<!tpu.dma_semaphore, #tpu.memory_space<semaphore_mem>>)
    %mul3A_733 = arith.constant 640 : i32
    %mul3A_734 = arith.muli %add3A, %mul3A_733 : i32
    %add3A_735 = arith.constant 352 : i32
    %add3A_736 = arith.addi %mul3A_734, %add3A_735 : i32
    %dma_wait3A_737 = arith.constant 0 : i32
    %dma_wait3A_738 = arith.constant 0 : i32
    %dma_wait3A_739 = tpu.memref_slice %arg4[%add3A_736, %dma_wait3A_737, %dma_wait3A_738] : memref<20480x8x128xf32, #tpu.memory_space<hbm>> -> memref<16x8x128xf32, #tpu.memory_space<hbm>>
    %dma_wait3A_740 = arith.constant 0 : i32
    %dma_wait3A_741 = arith.constant 0 : i32
    %dma_wait3A_742 = tpu.memref_slice %arg4[%add3A_736, %dma_wait3A_740, %dma_wait3A_741] : memref<20480x8x128xf32, #tpu.memory_space<hbm>> -> memref<16x8x128xf32, #tpu.memory_space<hbm>>
    tpu.wait_dma2 semaphore(%arg10 : memref<!tpu.dma_semaphore, #tpu.memory_space<semaphore_mem>>) src(%arg6 : memref<16x8x128xf32, #tpu.memory_space<vmem>>) dst(%dma_wait3A_742 : memref<16x8x128xf32, #tpu.memory_space<hbm>>)
    %dma_start3A_743 = arith.constant 384 : i32
    %dma_start3A_744 = tpu.memref_slice %arg5[%dma_start3A_743] : memref<640xi32, #tpu.memory_space<vmem>> -> memref<16xi32, #tpu.memory_space<vmem>>
    %dma_start3A_745 = arith.constant 0 : i32
    %dma_start3A_746 = arith.constant 0 : i32
    %dma_start3A_747 = arith.constant 0 : i32
    %dma_start3A_748 = tpu.memref_slice %arg3[%dma_start3A_745, %dma_start3A_746, %dma_start3A_747] : memref<1000x8x128xf32, #tpu.memory_space<hbm>> -> memref<1000x8x128xf32, #tpu.memory_space<hbm>>
    tpu.enqueue_indirect_dma source(%dma_start3A_748 : memref<1000x8x128xf32, #tpu.memory_space<hbm>>) target(%arg6 : memref<16x8x128xf32, #tpu.memory_space<vmem>>) offsets(%dma_start3A_744 : memref<16xi32, #tpu.memory_space<vmem>>) semaphore(%arg8 : memref<!tpu.dma_semaphore, #tpu.memory_space<semaphore_mem>>)
    %dma_wait3A_749 = arith.constant 368 : i32
    %dma_wait3A_750 = tpu.memref_slice %arg5[%dma_wait3A_749] : memref<640xi32, #tpu.memory_space<vmem>> -> memref<16xi32, #tpu.memory_space<vmem>>
    %dma_wait3A_751 = arith.constant 0 : i32
    %dma_wait3A_752 = arith.constant 0 : i32
    %dma_wait3A_753 = arith.constant 0 : i32
    %dma_wait3A_754 = tpu.memref_slice %arg3[%dma_wait3A_751, %dma_wait3A_752, %dma_wait3A_753] : memref<1000x8x128xf32, #tpu.memory_space<hbm>> -> memref<1000x8x128xf32, #tpu.memory_space<hbm>>
    tpu.wait_indirect_dma semaphore(%arg9 : memref<!tpu.dma_semaphore, #tpu.memory_space<semaphore_mem>>) src(%dma_wait3A_754 : memref<1000x8x128xf32, #tpu.memory_space<hbm>>) dst(%arg7 : memref<16x8x128xf32, #tpu.memory_space<vmem>>)
    %mul3A_755 = arith.constant 640 : i32
    %mul3A_756 = arith.muli %add3A, %mul3A_755 : i32
    %add3A_757 = arith.constant 368 : i32
    %add3A_758 = arith.addi %mul3A_756, %add3A_757 : i32
    %dma_start3A_759 = arith.constant 0 : i32
    %dma_start3A_760 = arith.constant 0 : i32
    %dma_start3A_761 = tpu.memref_slice %arg4[%add3A_758, %dma_start3A_759, %dma_start3A_760] : memref<20480x8x128xf32, #tpu.memory_space<hbm>> -> memref<16x8x128xf32, #tpu.memory_space<hbm>>
    %dma_start3A_762 = arith.constant 0 : i32
    %dma_start3A_763 = arith.constant 0 : i32
    %dma_start3A_764 = tpu.memref_slice %arg4[%add3A_758, %dma_start3A_762, %dma_start3A_763] : memref<20480x8x128xf32, #tpu.memory_space<hbm>> -> memref<16x8x128xf32, #tpu.memory_space<hbm>>
    tpu.enqueue_dma source(%arg7 : memref<16x8x128xf32, #tpu.memory_space<vmem>>) target(%dma_start3A_764 : memref<16x8x128xf32, #tpu.memory_space<hbm>>) target_semaphore(%arg11 : memref<!tpu.dma_semaphore, #tpu.memory_space<semaphore_mem>>)
    %mul3A_765 = arith.constant 640 : i32
    %mul3A_766 = arith.muli %add3A, %mul3A_765 : i32
    %add3A_767 = arith.constant 368 : i32
    %add3A_768 = arith.addi %mul3A_766, %add3A_767 : i32
    %dma_wait3A_769 = arith.constant 0 : i32
    %dma_wait3A_770 = arith.constant 0 : i32
    %dma_wait3A_771 = tpu.memref_slice %arg4[%add3A_768, %dma_wait3A_769, %dma_wait3A_770] : memref<20480x8x128xf32, #tpu.memory_space<hbm>> -> memref<16x8x128xf32, #tpu.memory_space<hbm>>
    %dma_wait3A_772 = arith.constant 0 : i32
    %dma_wait3A_773 = arith.constant 0 : i32
    %dma_wait3A_774 = tpu.memref_slice %arg4[%add3A_768, %dma_wait3A_772, %dma_wait3A_773] : memref<20480x8x128xf32, #tpu.memory_space<hbm>> -> memref<16x8x128xf32, #tpu.memory_space<hbm>>
    tpu.wait_dma2 semaphore(%arg11 : memref<!tpu.dma_semaphore, #tpu.memory_space<semaphore_mem>>) src(%arg7 : memref<16x8x128xf32, #tpu.memory_space<vmem>>) dst(%dma_wait3A_774 : memref<16x8x128xf32, #tpu.memory_space<hbm>>)
    %dma_start3A_775 = arith.constant 400 : i32
    %dma_start3A_776 = tpu.memref_slice %arg5[%dma_start3A_775] : memref<640xi32, #tpu.memory_space<vmem>> -> memref<16xi32, #tpu.memory_space<vmem>>
    %dma_start3A_777 = arith.constant 0 : i32
    %dma_start3A_778 = arith.constant 0 : i32
    %dma_start3A_779 = arith.constant 0 : i32
    %dma_start3A_780 = tpu.memref_slice %arg3[%dma_start3A_777, %dma_start3A_778, %dma_start3A_779] : memref<1000x8x128xf32, #tpu.memory_space<hbm>> -> memref<1000x8x128xf32, #tpu.memory_space<hbm>>
    tpu.enqueue_indirect_dma source(%dma_start3A_780 : memref<1000x8x128xf32, #tpu.memory_space<hbm>>) target(%arg7 : memref<16x8x128xf32, #tpu.memory_space<vmem>>) offsets(%dma_start3A_776 : memref<16xi32, #tpu.memory_space<vmem>>) semaphore(%arg9 : memref<!tpu.dma_semaphore, #tpu.memory_space<semaphore_mem>>)
    %dma_wait3A_781 = arith.constant 384 : i32
    %dma_wait3A_782 = tpu.memref_slice %arg5[%dma_wait3A_781] : memref<640xi32, #tpu.memory_space<vmem>> -> memref<16xi32, #tpu.memory_space<vmem>>
    %dma_wait3A_783 = arith.constant 0 : i32
    %dma_wait3A_784 = arith.constant 0 : i32
    %dma_wait3A_785 = arith.constant 0 : i32
    %dma_wait3A_786 = tpu.memref_slice %arg3[%dma_wait3A_783, %dma_wait3A_784, %dma_wait3A_785] : memref<1000x8x128xf32, #tpu.memory_space<hbm>> -> memref<1000x8x128xf32, #tpu.memory_space<hbm>>
    tpu.wait_indirect_dma semaphore(%arg8 : memref<!tpu.dma_semaphore, #tpu.memory_space<semaphore_mem>>) src(%dma_wait3A_786 : memref<1000x8x128xf32, #tpu.memory_space<hbm>>) dst(%arg6 : memref<16x8x128xf32, #tpu.memory_space<vmem>>)
    %mul3A_787 = arith.constant 640 : i32
    %mul3A_788 = arith.muli %add3A, %mul3A_787 : i32
    %add3A_789 = arith.constant 384 : i32
    %add3A_790 = arith.addi %mul3A_788, %add3A_789 : i32
    %dma_start3A_791 = arith.constant 0 : i32
    %dma_start3A_792 = arith.constant 0 : i32
    %dma_start3A_793 = tpu.memref_slice %arg4[%add3A_790, %dma_start3A_791, %dma_start3A_792] : memref<20480x8x128xf32, #tpu.memory_space<hbm>> -> memref<16x8x128xf32, #tpu.memory_space<hbm>>
    %dma_start3A_794 = arith.constant 0 : i32
    %dma_start3A_795 = arith.constant 0 : i32
    %dma_start3A_796 = tpu.memref_slice %arg4[%add3A_790, %dma_start3A_794, %dma_start3A_795] : memref<20480x8x128xf32, #tpu.memory_space<hbm>> -> memref<16x8x128xf32, #tpu.memory_space<hbm>>
    tpu.enqueue_dma source(%arg6 : memref<16x8x128xf32, #tpu.memory_space<vmem>>) target(%dma_start3A_796 : memref<16x8x128xf32, #tpu.memory_space<hbm>>) target_semaphore(%arg10 : memref<!tpu.dma_semaphore, #tpu.memory_space<semaphore_mem>>)
    %mul3A_797 = arith.constant 640 : i32
    %mul3A_798 = arith.muli %add3A, %mul3A_797 : i32
    %add3A_799 = arith.constant 384 : i32
    %add3A_800 = arith.addi %mul3A_798, %add3A_799 : i32
    %dma_wait3A_801 = arith.constant 0 : i32
    %dma_wait3A_802 = arith.constant 0 : i32
    %dma_wait3A_803 = tpu.memref_slice %arg4[%add3A_800, %dma_wait3A_801, %dma_wait3A_802] : memref<20480x8x128xf32, #tpu.memory_space<hbm>> -> memref<16x8x128xf32, #tpu.memory_space<hbm>>
    %dma_wait3A_804 = arith.constant 0 : i32
    %dma_wait3A_805 = arith.constant 0 : i32
    %dma_wait3A_806 = tpu.memref_slice %arg4[%add3A_800, %dma_wait3A_804, %dma_wait3A_805] : memref<20480x8x128xf32, #tpu.memory_space<hbm>> -> memref<16x8x128xf32, #tpu.memory_space<hbm>>
    tpu.wait_dma2 semaphore(%arg10 : memref<!tpu.dma_semaphore, #tpu.memory_space<semaphore_mem>>) src(%arg6 : memref<16x8x128xf32, #tpu.memory_space<vmem>>) dst(%dma_wait3A_806 : memref<16x8x128xf32, #tpu.memory_space<hbm>>)
    %dma_start3A_807 = arith.constant 416 : i32
    %dma_start3A_808 = tpu.memref_slice %arg5[%dma_start3A_807] : memref<640xi32, #tpu.memory_space<vmem>> -> memref<16xi32, #tpu.memory_space<vmem>>
    %dma_start3A_809 = arith.constant 0 : i32
    %dma_start3A_810 = arith.constant 0 : i32
    %dma_start3A_811 = arith.constant 0 : i32
    %dma_start3A_812 = tpu.memref_slice %arg3[%dma_start3A_809, %dma_start3A_810, %dma_start3A_811] : memref<1000x8x128xf32, #tpu.memory_space<hbm>> -> memref<1000x8x128xf32, #tpu.memory_space<hbm>>
    tpu.enqueue_indirect_dma source(%dma_start3A_812 : memref<1000x8x128xf32, #tpu.memory_space<hbm>>) target(%arg6 : memref<16x8x128xf32, #tpu.memory_space<vmem>>) offsets(%dma_start3A_808 : memref<16xi32, #tpu.memory_space<vmem>>) semaphore(%arg8 : memref<!tpu.dma_semaphore, #tpu.memory_space<semaphore_mem>>)
    %dma_wait3A_813 = arith.constant 400 : i32
    %dma_wait3A_814 = tpu.memref_slice %arg5[%dma_wait3A_813] : memref<640xi32, #tpu.memory_space<vmem>> -> memref<16xi32, #tpu.memory_space<vmem>>
    %dma_wait3A_815 = arith.constant 0 : i32
    %dma_wait3A_816 = arith.constant 0 : i32
    %dma_wait3A_817 = arith.constant 0 : i32
    %dma_wait3A_818 = tpu.memref_slice %arg3[%dma_wait3A_815, %dma_wait3A_816, %dma_wait3A_817] : memref<1000x8x128xf32, #tpu.memory_space<hbm>> -> memref<1000x8x128xf32, #tpu.memory_space<hbm>>
    tpu.wait_indirect_dma semaphore(%arg9 : memref<!tpu.dma_semaphore, #tpu.memory_space<semaphore_mem>>) src(%dma_wait3A_818 : memref<1000x8x128xf32, #tpu.memory_space<hbm>>) dst(%arg7 : memref<16x8x128xf32, #tpu.memory_space<vmem>>)
    %mul3A_819 = arith.constant 640 : i32
    %mul3A_820 = arith.muli %add3A, %mul3A_819 : i32
    %add3A_821 = arith.constant 400 : i32
    %add3A_822 = arith.addi %mul3A_820, %add3A_821 : i32
    %dma_start3A_823 = arith.constant 0 : i32
    %dma_start3A_824 = arith.constant 0 : i32
    %dma_start3A_825 = tpu.memref_slice %arg4[%add3A_822, %dma_start3A_823, %dma_start3A_824] : memref<20480x8x128xf32, #tpu.memory_space<hbm>> -> memref<16x8x128xf32, #tpu.memory_space<hbm>>
    %dma_start3A_826 = arith.constant 0 : i32
    %dma_start3A_827 = arith.constant 0 : i32
    %dma_start3A_828 = tpu.memref_slice %arg4[%add3A_822, %dma_start3A_826, %dma_start3A_827] : memref<20480x8x128xf32, #tpu.memory_space<hbm>> -> memref<16x8x128xf32, #tpu.memory_space<hbm>>
    tpu.enqueue_dma source(%arg7 : memref<16x8x128xf32, #tpu.memory_space<vmem>>) target(%dma_start3A_828 : memref<16x8x128xf32, #tpu.memory_space<hbm>>) target_semaphore(%arg11 : memref<!tpu.dma_semaphore, #tpu.memory_space<semaphore_mem>>)
    %mul3A_829 = arith.constant 640 : i32
    %mul3A_830 = arith.muli %add3A, %mul3A_829 : i32
    %add3A_831 = arith.constant 400 : i32
    %add3A_832 = arith.addi %mul3A_830, %add3A_831 : i32
    %dma_wait3A_833 = arith.constant 0 : i32
    %dma_wait3A_834 = arith.constant 0 : i32
    %dma_wait3A_835 = tpu.memref_slice %arg4[%add3A_832, %dma_wait3A_833, %dma_wait3A_834] : memref<20480x8x128xf32, #tpu.memory_space<hbm>> -> memref<16x8x128xf32, #tpu.memory_space<hbm>>
    %dma_wait3A_836 = arith.constant 0 : i32
    %dma_wait3A_837 = arith.constant 0 : i32
    %dma_wait3A_838 = tpu.memref_slice %arg4[%add3A_832, %dma_wait3A_836, %dma_wait3A_837] : memref<20480x8x128xf32, #tpu.memory_space<hbm>> -> memref<16x8x128xf32, #tpu.memory_space<hbm>>
    tpu.wait_dma2 semaphore(%arg11 : memref<!tpu.dma_semaphore, #tpu.memory_space<semaphore_mem>>) src(%arg7 : memref<16x8x128xf32, #tpu.memory_space<vmem>>) dst(%dma_wait3A_838 : memref<16x8x128xf32, #tpu.memory_space<hbm>>)
    %dma_start3A_839 = arith.constant 432 : i32
    %dma_start3A_840 = tpu.memref_slice %arg5[%dma_start3A_839] : memref<640xi32, #tpu.memory_space<vmem>> -> memref<16xi32, #tpu.memory_space<vmem>>
    %dma_start3A_841 = arith.constant 0 : i32
    %dma_start3A_842 = arith.constant 0 : i32
    %dma_start3A_843 = arith.constant 0 : i32
    %dma_start3A_844 = tpu.memref_slice %arg3[%dma_start3A_841, %dma_start3A_842, %dma_start3A_843] : memref<1000x8x128xf32, #tpu.memory_space<hbm>> -> memref<1000x8x128xf32, #tpu.memory_space<hbm>>
    tpu.enqueue_indirect_dma source(%dma_start3A_844 : memref<1000x8x128xf32, #tpu.memory_space<hbm>>) target(%arg7 : memref<16x8x128xf32, #tpu.memory_space<vmem>>) offsets(%dma_start3A_840 : memref<16xi32, #tpu.memory_space<vmem>>) semaphore(%arg9 : memref<!tpu.dma_semaphore, #tpu.memory_space<semaphore_mem>>)
    %dma_wait3A_845 = arith.constant 416 : i32
    %dma_wait3A_846 = tpu.memref_slice %arg5[%dma_wait3A_845] : memref<640xi32, #tpu.memory_space<vmem>> -> memref<16xi32, #tpu.memory_space<vmem>>
    %dma_wait3A_847 = arith.constant 0 : i32
    %dma_wait3A_848 = arith.constant 0 : i32
    %dma_wait3A_849 = arith.constant 0 : i32
    %dma_wait3A_850 = tpu.memref_slice %arg3[%dma_wait3A_847, %dma_wait3A_848, %dma_wait3A_849] : memref<1000x8x128xf32, #tpu.memory_space<hbm>> -> memref<1000x8x128xf32, #tpu.memory_space<hbm>>
    tpu.wait_indirect_dma semaphore(%arg8 : memref<!tpu.dma_semaphore, #tpu.memory_space<semaphore_mem>>) src(%dma_wait3A_850 : memref<1000x8x128xf32, #tpu.memory_space<hbm>>) dst(%arg6 : memref<16x8x128xf32, #tpu.memory_space<vmem>>)
    %mul3A_851 = arith.constant 640 : i32
    %mul3A_852 = arith.muli %add3A, %mul3A_851 : i32
    %add3A_853 = arith.constant 416 : i32
    %add3A_854 = arith.addi %mul3A_852, %add3A_853 : i32
    %dma_start3A_855 = arith.constant 0 : i32
    %dma_start3A_856 = arith.constant 0 : i32
    %dma_start3A_857 = tpu.memref_slice %arg4[%add3A_854, %dma_start3A_855, %dma_start3A_856] : memref<20480x8x128xf32, #tpu.memory_space<hbm>> -> memref<16x8x128xf32, #tpu.memory_space<hbm>>
    %dma_start3A_858 = arith.constant 0 : i32
    %dma_start3A_859 = arith.constant 0 : i32
    %dma_start3A_860 = tpu.memref_slice %arg4[%add3A_854, %dma_start3A_858, %dma_start3A_859] : memref<20480x8x128xf32, #tpu.memory_space<hbm>> -> memref<16x8x128xf32, #tpu.memory_space<hbm>>
    tpu.enqueue_dma source(%arg6 : memref<16x8x128xf32, #tpu.memory_space<vmem>>) target(%dma_start3A_860 : memref<16x8x128xf32, #tpu.memory_space<hbm>>) target_semaphore(%arg10 : memref<!tpu.dma_semaphore, #tpu.memory_space<semaphore_mem>>)
    %mul3A_861 = arith.constant 640 : i32
    %mul3A_862 = arith.muli %add3A, %mul3A_861 : i32
    %add3A_863 = arith.constant 416 : i32
    %add3A_864 = arith.addi %mul3A_862, %add3A_863 : i32
    %dma_wait3A_865 = arith.constant 0 : i32
    %dma_wait3A_866 = arith.constant 0 : i32
    %dma_wait3A_867 = tpu.memref_slice %arg4[%add3A_864, %dma_wait3A_865, %dma_wait3A_866] : memref<20480x8x128xf32, #tpu.memory_space<hbm>> -> memref<16x8x128xf32, #tpu.memory_space<hbm>>
    %dma_wait3A_868 = arith.constant 0 : i32
    %dma_wait3A_869 = arith.constant 0 : i32
    %dma_wait3A_870 = tpu.memref_slice %arg4[%add3A_864, %dma_wait3A_868, %dma_wait3A_869] : memref<20480x8x128xf32, #tpu.memory_space<hbm>> -> memref<16x8x128xf32, #tpu.memory_space<hbm>>
    tpu.wait_dma2 semaphore(%arg10 : memref<!tpu.dma_semaphore, #tpu.memory_space<semaphore_mem>>) src(%arg6 : memref<16x8x128xf32, #tpu.memory_space<vmem>>) dst(%dma_wait3A_870 : memref<16x8x128xf32, #tpu.memory_space<hbm>>)
    %dma_start3A_871 = arith.constant 448 : i32
    %dma_start3A_872 = tpu.memref_slice %arg5[%dma_start3A_871] : memref<640xi32, #tpu.memory_space<vmem>> -> memref<16xi32, #tpu.memory_space<vmem>>
    %dma_start3A_873 = arith.constant 0 : i32
    %dma_start3A_874 = arith.constant 0 : i32
    %dma_start3A_875 = arith.constant 0 : i32
    %dma_start3A_876 = tpu.memref_slice %arg3[%dma_start3A_873, %dma_start3A_874, %dma_start3A_875] : memref<1000x8x128xf32, #tpu.memory_space<hbm>> -> memref<1000x8x128xf32, #tpu.memory_space<hbm>>
    tpu.enqueue_indirect_dma source(%dma_start3A_876 : memref<1000x8x128xf32, #tpu.memory_space<hbm>>) target(%arg6 : memref<16x8x128xf32, #tpu.memory_space<vmem>>) offsets(%dma_start3A_872 : memref<16xi32, #tpu.memory_space<vmem>>) semaphore(%arg8 : memref<!tpu.dma_semaphore, #tpu.memory_space<semaphore_mem>>)
    %dma_wait3A_877 = arith.constant 432 : i32
    %dma_wait3A_878 = tpu.memref_slice %arg5[%dma_wait3A_877] : memref<640xi32, #tpu.memory_space<vmem>> -> memref<16xi32, #tpu.memory_space<vmem>>
    %dma_wait3A_879 = arith.constant 0 : i32
    %dma_wait3A_880 = arith.constant 0 : i32
    %dma_wait3A_881 = arith.constant 0 : i32
    %dma_wait3A_882 = tpu.memref_slice %arg3[%dma_wait3A_879, %dma_wait3A_880, %dma_wait3A_881] : memref<1000x8x128xf32, #tpu.memory_space<hbm>> -> memref<1000x8x128xf32, #tpu.memory_space<hbm>>
    tpu.wait_indirect_dma semaphore(%arg9 : memref<!tpu.dma_semaphore, #tpu.memory_space<semaphore_mem>>) src(%dma_wait3A_882 : memref<1000x8x128xf32, #tpu.memory_space<hbm>>) dst(%arg7 : memref<16x8x128xf32, #tpu.memory_space<vmem>>)
    %mul3A_883 = arith.constant 640 : i32
    %mul3A_884 = arith.muli %add3A, %mul3A_883 : i32
    %add3A_885 = arith.constant 432 : i32
    %add3A_886 = arith.addi %mul3A_884, %add3A_885 : i32
    %dma_start3A_887 = arith.constant 0 : i32
    %dma_start3A_888 = arith.constant 0 : i32
    %dma_start3A_889 = tpu.memref_slice %arg4[%add3A_886, %dma_start3A_887, %dma_start3A_888] : memref<20480x8x128xf32, #tpu.memory_space<hbm>> -> memref<16x8x128xf32, #tpu.memory_space<hbm>>
    %dma_start3A_890 = arith.constant 0 : i32
    %dma_start3A_891 = arith.constant 0 : i32
    %dma_start3A_892 = tpu.memref_slice %arg4[%add3A_886, %dma_start3A_890, %dma_start3A_891] : memref<20480x8x128xf32, #tpu.memory_space<hbm>> -> memref<16x8x128xf32, #tpu.memory_space<hbm>>
    tpu.enqueue_dma source(%arg7 : memref<16x8x128xf32, #tpu.memory_space<vmem>>) target(%dma_start3A_892 : memref<16x8x128xf32, #tpu.memory_space<hbm>>) target_semaphore(%arg11 : memref<!tpu.dma_semaphore, #tpu.memory_space<semaphore_mem>>)
    %mul3A_893 = arith.constant 640 : i32
    %mul3A_894 = arith.muli %add3A, %mul3A_893 : i32
    %add3A_895 = arith.constant 432 : i32
    %add3A_896 = arith.addi %mul3A_894, %add3A_895 : i32
    %dma_wait3A_897 = arith.constant 0 : i32
    %dma_wait3A_898 = arith.constant 0 : i32
    %dma_wait3A_899 = tpu.memref_slice %arg4[%add3A_896, %dma_wait3A_897, %dma_wait3A_898] : memref<20480x8x128xf32, #tpu.memory_space<hbm>> -> memref<16x8x128xf32, #tpu.memory_space<hbm>>
    %dma_wait3A_900 = arith.constant 0 : i32
    %dma_wait3A_901 = arith.constant 0 : i32
    %dma_wait3A_902 = tpu.memref_slice %arg4[%add3A_896, %dma_wait3A_900, %dma_wait3A_901] : memref<20480x8x128xf32, #tpu.memory_space<hbm>> -> memref<16x8x128xf32, #tpu.memory_space<hbm>>
    tpu.wait_dma2 semaphore(%arg11 : memref<!tpu.dma_semaphore, #tpu.memory_space<semaphore_mem>>) src(%arg7 : memref<16x8x128xf32, #tpu.memory_space<vmem>>) dst(%dma_wait3A_902 : memref<16x8x128xf32, #tpu.memory_space<hbm>>)
    %dma_start3A_903 = arith.constant 464 : i32
    %dma_start3A_904 = tpu.memref_slice %arg5[%dma_start3A_903] : memref<640xi32, #tpu.memory_space<vmem>> -> memref<16xi32, #tpu.memory_space<vmem>>
    %dma_start3A_905 = arith.constant 0 : i32
    %dma_start3A_906 = arith.constant 0 : i32
    %dma_start3A_907 = arith.constant 0 : i32
    %dma_start3A_908 = tpu.memref_slice %arg3[%dma_start3A_905, %dma_start3A_906, %dma_start3A_907] : memref<1000x8x128xf32, #tpu.memory_space<hbm>> -> memref<1000x8x128xf32, #tpu.memory_space<hbm>>
    tpu.enqueue_indirect_dma source(%dma_start3A_908 : memref<1000x8x128xf32, #tpu.memory_space<hbm>>) target(%arg7 : memref<16x8x128xf32, #tpu.memory_space<vmem>>) offsets(%dma_start3A_904 : memref<16xi32, #tpu.memory_space<vmem>>) semaphore(%arg9 : memref<!tpu.dma_semaphore, #tpu.memory_space<semaphore_mem>>)
    %dma_wait3A_909 = arith.constant 448 : i32
    %dma_wait3A_910 = tpu.memref_slice %arg5[%dma_wait3A_909] : memref<640xi32, #tpu.memory_space<vmem>> -> memref<16xi32, #tpu.memory_space<vmem>>
    %dma_wait3A_911 = arith.constant 0 : i32
    %dma_wait3A_912 = arith.constant 0 : i32
    %dma_wait3A_913 = arith.constant 0 : i32
    %dma_wait3A_914 = tpu.memref_slice %arg3[%dma_wait3A_911, %dma_wait3A_912, %dma_wait3A_913] : memref<1000x8x128xf32, #tpu.memory_space<hbm>> -> memref<1000x8x128xf32, #tpu.memory_space<hbm>>
    tpu.wait_indirect_dma semaphore(%arg8 : memref<!tpu.dma_semaphore, #tpu.memory_space<semaphore_mem>>) src(%dma_wait3A_914 : memref<1000x8x128xf32, #tpu.memory_space<hbm>>) dst(%arg6 : memref<16x8x128xf32, #tpu.memory_space<vmem>>)
    %mul3A_915 = arith.constant 640 : i32
    %mul3A_916 = arith.muli %add3A, %mul3A_915 : i32
    %add3A_917 = arith.constant 448 : i32
    %add3A_918 = arith.addi %mul3A_916, %add3A_917 : i32
    %dma_start3A_919 = arith.constant 0 : i32
    %dma_start3A_920 = arith.constant 0 : i32
    %dma_start3A_921 = tpu.memref_slice %arg4[%add3A_918, %dma_start3A_919, %dma_start3A_920] : memref<20480x8x128xf32, #tpu.memory_space<hbm>> -> memref<16x8x128xf32, #tpu.memory_space<hbm>>
    %dma_start3A_922 = arith.constant 0 : i32
    %dma_start3A_923 = arith.constant 0 : i32
    %dma_start3A_924 = tpu.memref_slice %arg4[%add3A_918, %dma_start3A_922, %dma_start3A_923] : memref<20480x8x128xf32, #tpu.memory_space<hbm>> -> memref<16x8x128xf32, #tpu.memory_space<hbm>>
    tpu.enqueue_dma source(%arg6 : memref<16x8x128xf32, #tpu.memory_space<vmem>>) target(%dma_start3A_924 : memref<16x8x128xf32, #tpu.memory_space<hbm>>) target_semaphore(%arg10 : memref<!tpu.dma_semaphore, #tpu.memory_space<semaphore_mem>>)
    %mul3A_925 = arith.constant 640 : i32
    %mul3A_926 = arith.muli %add3A, %mul3A_925 : i32
    %add3A_927 = arith.constant 448 : i32
    %add3A_928 = arith.addi %mul3A_926, %add3A_927 : i32
    %dma_wait3A_929 = arith.constant 0 : i32
    %dma_wait3A_930 = arith.constant 0 : i32
    %dma_wait3A_931 = tpu.memref_slice %arg4[%add3A_928, %dma_wait3A_929, %dma_wait3A_930] : memref<20480x8x128xf32, #tpu.memory_space<hbm>> -> memref<16x8x128xf32, #tpu.memory_space<hbm>>
    %dma_wait3A_932 = arith.constant 0 : i32
    %dma_wait3A_933 = arith.constant 0 : i32
    %dma_wait3A_934 = tpu.memref_slice %arg4[%add3A_928, %dma_wait3A_932, %dma_wait3A_933] : memref<20480x8x128xf32, #tpu.memory_space<hbm>> -> memref<16x8x128xf32, #tpu.memory_space<hbm>>
    tpu.wait_dma2 semaphore(%arg10 : memref<!tpu.dma_semaphore, #tpu.memory_space<semaphore_mem>>) src(%arg6 : memref<16x8x128xf32, #tpu.memory_space<vmem>>) dst(%dma_wait3A_934 : memref<16x8x128xf32, #tpu.memory_space<hbm>>)
    %dma_start3A_935 = arith.constant 480 : i32
    %dma_start3A_936 = tpu.memref_slice %arg5[%dma_start3A_935] : memref<640xi32, #tpu.memory_space<vmem>> -> memref<16xi32, #tpu.memory_space<vmem>>
    %dma_start3A_937 = arith.constant 0 : i32
    %dma_start3A_938 = arith.constant 0 : i32
    %dma_start3A_939 = arith.constant 0 : i32
    %dma_start3A_940 = tpu.memref_slice %arg3[%dma_start3A_937, %dma_start3A_938, %dma_start3A_939] : memref<1000x8x128xf32, #tpu.memory_space<hbm>> -> memref<1000x8x128xf32, #tpu.memory_space<hbm>>
    tpu.enqueue_indirect_dma source(%dma_start3A_940 : memref<1000x8x128xf32, #tpu.memory_space<hbm>>) target(%arg6 : memref<16x8x128xf32, #tpu.memory_space<vmem>>) offsets(%dma_start3A_936 : memref<16xi32, #tpu.memory_space<vmem>>) semaphore(%arg8 : memref<!tpu.dma_semaphore, #tpu.memory_space<semaphore_mem>>)
    %dma_wait3A_941 = arith.constant 464 : i32
    %dma_wait3A_942 = tpu.memref_slice %arg5[%dma_wait3A_941] : memref<640xi32, #tpu.memory_space<vmem>> -> memref<16xi32, #tpu.memory_space<vmem>>
    %dma_wait3A_943 = arith.constant 0 : i32
    %dma_wait3A_944 = arith.constant 0 : i32
    %dma_wait3A_945 = arith.constant 0 : i32
    %dma_wait3A_946 = tpu.memref_slice %arg3[%dma_wait3A_943, %dma_wait3A_944, %dma_wait3A_945] : memref<1000x8x128xf32, #tpu.memory_space<hbm>> -> memref<1000x8x128xf32, #tpu.memory_space<hbm>>
    tpu.wait_indirect_dma semaphore(%arg9 : memref<!tpu.dma_semaphore, #tpu.memory_space<semaphore_mem>>) src(%dma_wait3A_946 : memref<1000x8x128xf32, #tpu.memory_space<hbm>>) dst(%arg7 : memref<16x8x128xf32, #tpu.memory_space<vmem>>)
    %mul3A_947 = arith.constant 640 : i32
    %mul3A_948 = arith.muli %add3A, %mul3A_947 : i32
    %add3A_949 = arith.constant 464 : i32
    %add3A_950 = arith.addi %mul3A_948, %add3A_949 : i32
    %dma_start3A_951 = arith.constant 0 : i32
    %dma_start3A_952 = arith.constant 0 : i32
    %dma_start3A_953 = tpu.memref_slice %arg4[%add3A_950, %dma_start3A_951, %dma_start3A_952] : memref<20480x8x128xf32, #tpu.memory_space<hbm>> -> memref<16x8x128xf32, #tpu.memory_space<hbm>>
    %dma_start3A_954 = arith.constant 0 : i32
    %dma_start3A_955 = arith.constant 0 : i32
    %dma_start3A_956 = tpu.memref_slice %arg4[%add3A_950, %dma_start3A_954, %dma_start3A_955] : memref<20480x8x128xf32, #tpu.memory_space<hbm>> -> memref<16x8x128xf32, #tpu.memory_space<hbm>>
    tpu.enqueue_dma source(%arg7 : memref<16x8x128xf32, #tpu.memory_space<vmem>>) target(%dma_start3A_956 : memref<16x8x128xf32, #tpu.memory_space<hbm>>) target_semaphore(%arg11 : memref<!tpu.dma_semaphore, #tpu.memory_space<semaphore_mem>>)
    %mul3A_957 = arith.constant 640 : i32
    %mul3A_958 = arith.muli %add3A, %mul3A_957 : i32
    %add3A_959 = arith.constant 464 : i32
    %add3A_960 = arith.addi %mul3A_958, %add3A_959 : i32
    %dma_wait3A_961 = arith.constant 0 : i32
    %dma_wait3A_962 = arith.constant 0 : i32
    %dma_wait3A_963 = tpu.memref_slice %arg4[%add3A_960, %dma_wait3A_961, %dma_wait3A_962] : memref<20480x8x128xf32, #tpu.memory_space<hbm>> -> memref<16x8x128xf32, #tpu.memory_space<hbm>>
    %dma_wait3A_964 = arith.constant 0 : i32
    %dma_wait3A_965 = arith.constant 0 : i32
    %dma_wait3A_966 = tpu.memref_slice %arg4[%add3A_960, %dma_wait3A_964, %dma_wait3A_965] : memref<20480x8x128xf32, #tpu.memory_space<hbm>> -> memref<16x8x128xf32, #tpu.memory_space<hbm>>
    tpu.wait_dma2 semaphore(%arg11 : memref<!tpu.dma_semaphore, #tpu.memory_space<semaphore_mem>>) src(%arg7 : memref<16x8x128xf32, #tpu.memory_space<vmem>>) dst(%dma_wait3A_966 : memref<16x8x128xf32, #tpu.memory_space<hbm>>)
    %dma_start3A_967 = arith.constant 496 : i32
    %dma_start3A_968 = tpu.memref_slice %arg5[%dma_start3A_967] : memref<640xi32, #tpu.memory_space<vmem>> -> memref<16xi32, #tpu.memory_space<vmem>>
    %dma_start3A_969 = arith.constant 0 : i32
    %dma_start3A_970 = arith.constant 0 : i32
    %dma_start3A_971 = arith.constant 0 : i32
    %dma_start3A_972 = tpu.memref_slice %arg3[%dma_start3A_969, %dma_start3A_970, %dma_start3A_971] : memref<1000x8x128xf32, #tpu.memory_space<hbm>> -> memref<1000x8x128xf32, #tpu.memory_space<hbm>>
    tpu.enqueue_indirect_dma source(%dma_start3A_972 : memref<1000x8x128xf32, #tpu.memory_space<hbm>>) target(%arg7 : memref<16x8x128xf32, #tpu.memory_space<vmem>>) offsets(%dma_start3A_968 : memref<16xi32, #tpu.memory_space<vmem>>) semaphore(%arg9 : memref<!tpu.dma_semaphore, #tpu.memory_space<semaphore_mem>>)
    %dma_wait3A_973 = arith.constant 480 : i32
    %dma_wait3A_974 = tpu.memref_slice %arg5[%dma_wait3A_973] : memref<640xi32, #tpu.memory_space<vmem>> -> memref<16xi32, #tpu.memory_space<vmem>>
    %dma_wait3A_975 = arith.constant 0 : i32
    %dma_wait3A_976 = arith.constant 0 : i32
    %dma_wait3A_977 = arith.constant 0 : i32
    %dma_wait3A_978 = tpu.memref_slice %arg3[%dma_wait3A_975, %dma_wait3A_976, %dma_wait3A_977] : memref<1000x8x128xf32, #tpu.memory_space<hbm>> -> memref<1000x8x128xf32, #tpu.memory_space<hbm>>
    tpu.wait_indirect_dma semaphore(%arg8 : memref<!tpu.dma_semaphore, #tpu.memory_space<semaphore_mem>>) src(%dma_wait3A_978 : memref<1000x8x128xf32, #tpu.memory_space<hbm>>) dst(%arg6 : memref<16x8x128xf32, #tpu.memory_space<vmem>>)
    %mul3A_979 = arith.constant 640 : i32
    %mul3A_980 = arith.muli %add3A, %mul3A_979 : i32
    %add3A_981 = arith.constant 480 : i32
    %add3A_982 = arith.addi %mul3A_980, %add3A_981 : i32
    %dma_start3A_983 = arith.constant 0 : i32
    %dma_start3A_984 = arith.constant 0 : i32
    %dma_start3A_985 = tpu.memref_slice %arg4[%add3A_982, %dma_start3A_983, %dma_start3A_984] : memref<20480x8x128xf32, #tpu.memory_space<hbm>> -> memref<16x8x128xf32, #tpu.memory_space<hbm>>
    %dma_start3A_986 = arith.constant 0 : i32
    %dma_start3A_987 = arith.constant 0 : i32
    %dma_start3A_988 = tpu.memref_slice %arg4[%add3A_982, %dma_start3A_986, %dma_start3A_987] : memref<20480x8x128xf32, #tpu.memory_space<hbm>> -> memref<16x8x128xf32, #tpu.memory_space<hbm>>
    tpu.enqueue_dma source(%arg6 : memref<16x8x128xf32, #tpu.memory_space<vmem>>) target(%dma_start3A_988 : memref<16x8x128xf32, #tpu.memory_space<hbm>>) target_semaphore(%arg10 : memref<!tpu.dma_semaphore, #tpu.memory_space<semaphore_mem>>)
    %mul3A_989 = arith.constant 640 : i32
    %mul3A_990 = arith.muli %add3A, %mul3A_989 : i32
    %add3A_991 = arith.constant 480 : i32
    %add3A_992 = arith.addi %mul3A_990, %add3A_991 : i32
    %dma_wait3A_993 = arith.constant 0 : i32
    %dma_wait3A_994 = arith.constant 0 : i32
    %dma_wait3A_995 = tpu.memref_slice %arg4[%add3A_992, %dma_wait3A_993, %dma_wait3A_994] : memref<20480x8x128xf32, #tpu.memory_space<hbm>> -> memref<16x8x128xf32, #tpu.memory_space<hbm>>
    %dma_wait3A_996 = arith.constant 0 : i32
    %dma_wait3A_997 = arith.constant 0 : i32
    %dma_wait3A_998 = tpu.memref_slice %arg4[%add3A_992, %dma_wait3A_996, %dma_wait3A_997] : memref<20480x8x128xf32, #tpu.memory_space<hbm>> -> memref<16x8x128xf32, #tpu.memory_space<hbm>>
    tpu.wait_dma2 semaphore(%arg10 : memref<!tpu.dma_semaphore, #tpu.memory_space<semaphore_mem>>) src(%arg6 : memref<16x8x128xf32, #tpu.memory_space<vmem>>) dst(%dma_wait3A_998 : memref<16x8x128xf32, #tpu.memory_space<hbm>>)
    %dma_start3A_999 = arith.constant 512 : i32
    %dma_start3A_1000 = tpu.memref_slice %arg5[%dma_start3A_999] : memref<640xi32, #tpu.memory_space<vmem>> -> memref<16xi32, #tpu.memory_space<vmem>>
    %dma_start3A_1001 = arith.constant 0 : i32
    %dma_start3A_1002 = arith.constant 0 : i32
    %dma_start3A_1003 = arith.constant 0 : i32
    %dma_start3A_1004 = tpu.memref_slice %arg3[%dma_start3A_1001, %dma_start3A_1002, %dma_start3A_1003] : memref<1000x8x128xf32, #tpu.memory_space<hbm>> -> memref<1000x8x128xf32, #tpu.memory_space<hbm>>
    tpu.enqueue_indirect_dma source(%dma_start3A_1004 : memref<1000x8x128xf32, #tpu.memory_space<hbm>>) target(%arg6 : memref<16x8x128xf32, #tpu.memory_space<vmem>>) offsets(%dma_start3A_1000 : memref<16xi32, #tpu.memory_space<vmem>>) semaphore(%arg8 : memref<!tpu.dma_semaphore, #tpu.memory_space<semaphore_mem>>)
    %dma_wait3A_1005 = arith.constant 496 : i32
    %dma_wait3A_1006 = tpu.memref_slice %arg5[%dma_wait3A_1005] : memref<640xi32, #tpu.memory_space<vmem>> -> memref<16xi32, #tpu.memory_space<vmem>>
    %dma_wait3A_1007 = arith.constant 0 : i32
    %dma_wait3A_1008 = arith.constant 0 : i32
    %dma_wait3A_1009 = arith.constant 0 : i32
    %dma_wait3A_1010 = tpu.memref_slice %arg3[%dma_wait3A_1007, %dma_wait3A_1008, %dma_wait3A_1009] : memref<1000x8x128xf32, #tpu.memory_space<hbm>> -> memref<1000x8x128xf32, #tpu.memory_space<hbm>>
    tpu.wait_indirect_dma semaphore(%arg9 : memref<!tpu.dma_semaphore, #tpu.memory_space<semaphore_mem>>) src(%dma_wait3A_1010 : memref<1000x8x128xf32, #tpu.memory_space<hbm>>) dst(%arg7 : memref<16x8x128xf32, #tpu.memory_space<vmem>>)
    %mul3A_1011 = arith.constant 640 : i32
    %mul3A_1012 = arith.muli %add3A, %mul3A_1011 : i32
    %add3A_1013 = arith.constant 496 : i32
    %add3A_1014 = arith.addi %mul3A_1012, %add3A_1013 : i32
    %dma_start3A_1015 = arith.constant 0 : i32
    %dma_start3A_1016 = arith.constant 0 : i32
    %dma_start3A_1017 = tpu.memref_slice %arg4[%add3A_1014, %dma_start3A_1015, %dma_start3A_1016] : memref<20480x8x128xf32, #tpu.memory_space<hbm>> -> memref<16x8x128xf32, #tpu.memory_space<hbm>>
    %dma_start3A_1018 = arith.constant 0 : i32
    %dma_start3A_1019 = arith.constant 0 : i32
    %dma_start3A_1020 = tpu.memref_slice %arg4[%add3A_1014, %dma_start3A_1018, %dma_start3A_1019] : memref<20480x8x128xf32, #tpu.memory_space<hbm>> -> memref<16x8x128xf32, #tpu.memory_space<hbm>>
    tpu.enqueue_dma source(%arg7 : memref<16x8x128xf32, #tpu.memory_space<vmem>>) target(%dma_start3A_1020 : memref<16x8x128xf32, #tpu.memory_space<hbm>>) target_semaphore(%arg11 : memref<!tpu.dma_semaphore, #tpu.memory_space<semaphore_mem>>)
    %mul3A_1021 = arith.constant 640 : i32
    %mul3A_1022 = arith.muli %add3A, %mul3A_1021 : i32
    %add3A_1023 = arith.constant 496 : i32
    %add3A_1024 = arith.addi %mul3A_1022, %add3A_1023 : i32
    %dma_wait3A_1025 = arith.constant 0 : i32
    %dma_wait3A_1026 = arith.constant 0 : i32
    %dma_wait3A_1027 = tpu.memref_slice %arg4[%add3A_1024, %dma_wait3A_1025, %dma_wait3A_1026] : memref<20480x8x128xf32, #tpu.memory_space<hbm>> -> memref<16x8x128xf32, #tpu.memory_space<hbm>>
    %dma_wait3A_1028 = arith.constant 0 : i32
    %dma_wait3A_1029 = arith.constant 0 : i32
    %dma_wait3A_1030 = tpu.memref_slice %arg4[%add3A_1024, %dma_wait3A_1028, %dma_wait3A_1029] : memref<20480x8x128xf32, #tpu.memory_space<hbm>> -> memref<16x8x128xf32, #tpu.memory_space<hbm>>
    tpu.wait_dma2 semaphore(%arg11 : memref<!tpu.dma_semaphore, #tpu.memory_space<semaphore_mem>>) src(%arg7 : memref<16x8x128xf32, #tpu.memory_space<vmem>>) dst(%dma_wait3A_1030 : memref<16x8x128xf32, #tpu.memory_space<hbm>>)
    %dma_start3A_1031 = arith.constant 528 : i32
    %dma_start3A_1032 = tpu.memref_slice %arg5[%dma_start3A_1031] : memref<640xi32, #tpu.memory_space<vmem>> -> memref<16xi32, #tpu.memory_space<vmem>>
    %dma_start3A_1033 = arith.constant 0 : i32
    %dma_start3A_1034 = arith.constant 0 : i32
    %dma_start3A_1035 = arith.constant 0 : i32
    %dma_start3A_1036 = tpu.memref_slice %arg3[%dma_start3A_1033, %dma_start3A_1034, %dma_start3A_1035] : memref<1000x8x128xf32, #tpu.memory_space<hbm>> -> memref<1000x8x128xf32, #tpu.memory_space<hbm>>
    tpu.enqueue_indirect_dma source(%dma_start3A_1036 : memref<1000x8x128xf32, #tpu.memory_space<hbm>>) target(%arg7 : memref<16x8x128xf32, #tpu.memory_space<vmem>>) offsets(%dma_start3A_1032 : memref<16xi32, #tpu.memory_space<vmem>>) semaphore(%arg9 : memref<!tpu.dma_semaphore, #tpu.memory_space<semaphore_mem>>)
    %dma_wait3A_1037 = arith.constant 512 : i32
    %dma_wait3A_1038 = tpu.memref_slice %arg5[%dma_wait3A_1037] : memref<640xi32, #tpu.memory_space<vmem>> -> memref<16xi32, #tpu.memory_space<vmem>>
    %dma_wait3A_1039 = arith.constant 0 : i32
    %dma_wait3A_1040 = arith.constant 0 : i32
    %dma_wait3A_1041 = arith.constant 0 : i32
    %dma_wait3A_1042 = tpu.memref_slice %arg3[%dma_wait3A_1039, %dma_wait3A_1040, %dma_wait3A_1041] : memref<1000x8x128xf32, #tpu.memory_space<hbm>> -> memref<1000x8x128xf32, #tpu.memory_space<hbm>>
    tpu.wait_indirect_dma semaphore(%arg8 : memref<!tpu.dma_semaphore, #tpu.memory_space<semaphore_mem>>) src(%dma_wait3A_1042 : memref<1000x8x128xf32, #tpu.memory_space<hbm>>) dst(%arg6 : memref<16x8x128xf32, #tpu.memory_space<vmem>>)
    %mul3A_1043 = arith.constant 640 : i32
    %mul3A_1044 = arith.muli %add3A, %mul3A_1043 : i32
    %add3A_1045 = arith.constant 512 : i32
    %add3A_1046 = arith.addi %mul3A_1044, %add3A_1045 : i32
    %dma_start3A_1047 = arith.constant 0 : i32
    %dma_start3A_1048 = arith.constant 0 : i32
    %dma_start3A_1049 = tpu.memref_slice %arg4[%add3A_1046, %dma_start3A_1047, %dma_start3A_1048] : memref<20480x8x128xf32, #tpu.memory_space<hbm>> -> memref<16x8x128xf32, #tpu.memory_space<hbm>>
    %dma_start3A_1050 = arith.constant 0 : i32
    %dma_start3A_1051 = arith.constant 0 : i32
    %dma_start3A_1052 = tpu.memref_slice %arg4[%add3A_1046, %dma_start3A_1050, %dma_start3A_1051] : memref<20480x8x128xf32, #tpu.memory_space<hbm>> -> memref<16x8x128xf32, #tpu.memory_space<hbm>>
    tpu.enqueue_dma source(%arg6 : memref<16x8x128xf32, #tpu.memory_space<vmem>>) target(%dma_start3A_1052 : memref<16x8x128xf32, #tpu.memory_space<hbm>>) target_semaphore(%arg10 : memref<!tpu.dma_semaphore, #tpu.memory_space<semaphore_mem>>)
    %mul3A_1053 = arith.constant 640 : i32
    %mul3A_1054 = arith.muli %add3A, %mul3A_1053 : i32
    %add3A_1055 = arith.constant 512 : i32
    %add3A_1056 = arith.addi %mul3A_1054, %add3A_1055 : i32
    %dma_wait3A_1057 = arith.constant 0 : i32
    %dma_wait3A_1058 = arith.constant 0 : i32
    %dma_wait3A_1059 = tpu.memref_slice %arg4[%add3A_1056, %dma_wait3A_1057, %dma_wait3A_1058] : memref<20480x8x128xf32, #tpu.memory_space<hbm>> -> memref<16x8x128xf32, #tpu.memory_space<hbm>>
    %dma_wait3A_1060 = arith.constant 0 : i32
    %dma_wait3A_1061 = arith.constant 0 : i32
    %dma_wait3A_1062 = tpu.memref_slice %arg4[%add3A_1056, %dma_wait3A_1060, %dma_wait3A_1061] : memref<20480x8x128xf32, #tpu.memory_space<hbm>> -> memref<16x8x128xf32, #tpu.memory_space<hbm>>
    tpu.wait_dma2 semaphore(%arg10 : memref<!tpu.dma_semaphore, #tpu.memory_space<semaphore_mem>>) src(%arg6 : memref<16x8x128xf32, #tpu.memory_space<vmem>>) dst(%dma_wait3A_1062 : memref<16x8x128xf32, #tpu.memory_space<hbm>>)
    %dma_start3A_1063 = arith.constant 544 : i32
    %dma_start3A_1064 = tpu.memref_slice %arg5[%dma_start3A_1063] : memref<640xi32, #tpu.memory_space<vmem>> -> memref<16xi32, #tpu.memory_space<vmem>>
    %dma_start3A_1065 = arith.constant 0 : i32
    %dma_start3A_1066 = arith.constant 0 : i32
    %dma_start3A_1067 = arith.constant 0 : i32
    %dma_start3A_1068 = tpu.memref_slice %arg3[%dma_start3A_1065, %dma_start3A_1066, %dma_start3A_1067] : memref<1000x8x128xf32, #tpu.memory_space<hbm>> -> memref<1000x8x128xf32, #tpu.memory_space<hbm>>
    tpu.enqueue_indirect_dma source(%dma_start3A_1068 : memref<1000x8x128xf32, #tpu.memory_space<hbm>>) target(%arg6 : memref<16x8x128xf32, #tpu.memory_space<vmem>>) offsets(%dma_start3A_1064 : memref<16xi32, #tpu.memory_space<vmem>>) semaphore(%arg8 : memref<!tpu.dma_semaphore, #tpu.memory_space<semaphore_mem>>)
    %dma_wait3A_1069 = arith.constant 528 : i32
    %dma_wait3A_1070 = tpu.memref_slice %arg5[%dma_wait3A_1069] : memref<640xi32, #tpu.memory_space<vmem>> -> memref<16xi32, #tpu.memory_space<vmem>>
    %dma_wait3A_1071 = arith.constant 0 : i32
    %dma_wait3A_1072 = arith.constant 0 : i32
    %dma_wait3A_1073 = arith.constant 0 : i32
    %dma_wait3A_1074 = tpu.memref_slice %arg3[%dma_wait3A_1071, %dma_wait3A_1072, %dma_wait3A_1073] : memref<1000x8x128xf32, #tpu.memory_space<hbm>> -> memref<1000x8x128xf32, #tpu.memory_space<hbm>>
    tpu.wait_indirect_dma semaphore(%arg9 : memref<!tpu.dma_semaphore, #tpu.memory_space<semaphore_mem>>) src(%dma_wait3A_1074 : memref<1000x8x128xf32, #tpu.memory_space<hbm>>) dst(%arg7 : memref<16x8x128xf32, #tpu.memory_space<vmem>>)
    %mul3A_1075 = arith.constant 640 : i32
    %mul3A_1076 = arith.muli %add3A, %mul3A_1075 : i32
    %add3A_1077 = arith.constant 528 : i32
    %add3A_1078 = arith.addi %mul3A_1076, %add3A_1077 : i32
    %dma_start3A_1079 = arith.constant 0 : i32
    %dma_start3A_1080 = arith.constant 0 : i32
    %dma_start3A_1081 = tpu.memref_slice %arg4[%add3A_1078, %dma_start3A_1079, %dma_start3A_1080] : memref<20480x8x128xf32, #tpu.memory_space<hbm>> -> memref<16x8x128xf32, #tpu.memory_space<hbm>>
    %dma_start3A_1082 = arith.constant 0 : i32
    %dma_start3A_1083 = arith.constant 0 : i32
    %dma_start3A_1084 = tpu.memref_slice %arg4[%add3A_1078, %dma_start3A_1082, %dma_start3A_1083] : memref<20480x8x128xf32, #tpu.memory_space<hbm>> -> memref<16x8x128xf32, #tpu.memory_space<hbm>>
    tpu.enqueue_dma source(%arg7 : memref<16x8x128xf32, #tpu.memory_space<vmem>>) target(%dma_start3A_1084 : memref<16x8x128xf32, #tpu.memory_space<hbm>>) target_semaphore(%arg11 : memref<!tpu.dma_semaphore, #tpu.memory_space<semaphore_mem>>)
    %mul3A_1085 = arith.constant 640 : i32
    %mul3A_1086 = arith.muli %add3A, %mul3A_1085 : i32
    %add3A_1087 = arith.constant 528 : i32
    %add3A_1088 = arith.addi %mul3A_1086, %add3A_1087 : i32
    %dma_wait3A_1089 = arith.constant 0 : i32
    %dma_wait3A_1090 = arith.constant 0 : i32
    %dma_wait3A_1091 = tpu.memref_slice %arg4[%add3A_1088, %dma_wait3A_1089, %dma_wait3A_1090] : memref<20480x8x128xf32, #tpu.memory_space<hbm>> -> memref<16x8x128xf32, #tpu.memory_space<hbm>>
    %dma_wait3A_1092 = arith.constant 0 : i32
    %dma_wait3A_1093 = arith.constant 0 : i32
    %dma_wait3A_1094 = tpu.memref_slice %arg4[%add3A_1088, %dma_wait3A_1092, %dma_wait3A_1093] : memref<20480x8x128xf32, #tpu.memory_space<hbm>> -> memref<16x8x128xf32, #tpu.memory_space<hbm>>
    tpu.wait_dma2 semaphore(%arg11 : memref<!tpu.dma_semaphore, #tpu.memory_space<semaphore_mem>>) src(%arg7 : memref<16x8x128xf32, #tpu.memory_space<vmem>>) dst(%dma_wait3A_1094 : memref<16x8x128xf32, #tpu.memory_space<hbm>>)
    %dma_start3A_1095 = arith.constant 560 : i32
    %dma_start3A_1096 = tpu.memref_slice %arg5[%dma_start3A_1095] : memref<640xi32, #tpu.memory_space<vmem>> -> memref<16xi32, #tpu.memory_space<vmem>>
    %dma_start3A_1097 = arith.constant 0 : i32
    %dma_start3A_1098 = arith.constant 0 : i32
    %dma_start3A_1099 = arith.constant 0 : i32
    %dma_start3A_1100 = tpu.memref_slice %arg3[%dma_start3A_1097, %dma_start3A_1098, %dma_start3A_1099] : memref<1000x8x128xf32, #tpu.memory_space<hbm>> -> memref<1000x8x128xf32, #tpu.memory_space<hbm>>
    tpu.enqueue_indirect_dma source(%dma_start3A_1100 : memref<1000x8x128xf32, #tpu.memory_space<hbm>>) target(%arg7 : memref<16x8x128xf32, #tpu.memory_space<vmem>>) offsets(%dma_start3A_1096 : memref<16xi32, #tpu.memory_space<vmem>>) semaphore(%arg9 : memref<!tpu.dma_semaphore, #tpu.memory_space<semaphore_mem>>)
    %dma_wait3A_1101 = arith.constant 544 : i32
    %dma_wait3A_1102 = tpu.memref_slice %arg5[%dma_wait3A_1101] : memref<640xi32, #tpu.memory_space<vmem>> -> memref<16xi32, #tpu.memory_space<vmem>>
    %dma_wait3A_1103 = arith.constant 0 : i32
    %dma_wait3A_1104 = arith.constant 0 : i32
    %dma_wait3A_1105 = arith.constant 0 : i32
    %dma_wait3A_1106 = tpu.memref_slice %arg3[%dma_wait3A_1103, %dma_wait3A_1104, %dma_wait3A_1105] : memref<1000x8x128xf32, #tpu.memory_space<hbm>> -> memref<1000x8x128xf32, #tpu.memory_space<hbm>>
    tpu.wait_indirect_dma semaphore(%arg8 : memref<!tpu.dma_semaphore, #tpu.memory_space<semaphore_mem>>) src(%dma_wait3A_1106 : memref<1000x8x128xf32, #tpu.memory_space<hbm>>) dst(%arg6 : memref<16x8x128xf32, #tpu.memory_space<vmem>>)
    %mul3A_1107 = arith.constant 640 : i32
    %mul3A_1108 = arith.muli %add3A, %mul3A_1107 : i32
    %add3A_1109 = arith.constant 544 : i32
    %add3A_1110 = arith.addi %mul3A_1108, %add3A_1109 : i32
    %dma_start3A_1111 = arith.constant 0 : i32
    %dma_start3A_1112 = arith.constant 0 : i32
    %dma_start3A_1113 = tpu.memref_slice %arg4[%add3A_1110, %dma_start3A_1111, %dma_start3A_1112] : memref<20480x8x128xf32, #tpu.memory_space<hbm>> -> memref<16x8x128xf32, #tpu.memory_space<hbm>>
    %dma_start3A_1114 = arith.constant 0 : i32
    %dma_start3A_1115 = arith.constant 0 : i32
    %dma_start3A_1116 = tpu.memref_slice %arg4[%add3A_1110, %dma_start3A_1114, %dma_start3A_1115] : memref<20480x8x128xf32, #tpu.memory_space<hbm>> -> memref<16x8x128xf32, #tpu.memory_space<hbm>>
    tpu.enqueue_dma source(%arg6 : memref<16x8x128xf32, #tpu.memory_space<vmem>>) target(%dma_start3A_1116 : memref<16x8x128xf32, #tpu.memory_space<hbm>>) target_semaphore(%arg10 : memref<!tpu.dma_semaphore, #tpu.memory_space<semaphore_mem>>)
    %mul3A_1117 = arith.constant 640 : i32
    %mul3A_1118 = arith.muli %add3A, %mul3A_1117 : i32
    %add3A_1119 = arith.constant 544 : i32
    %add3A_1120 = arith.addi %mul3A_1118, %add3A_1119 : i32
    %dma_wait3A_1121 = arith.constant 0 : i32
    %dma_wait3A_1122 = arith.constant 0 : i32
    %dma_wait3A_1123 = tpu.memref_slice %arg4[%add3A_1120, %dma_wait3A_1121, %dma_wait3A_1122] : memref<20480x8x128xf32, #tpu.memory_space<hbm>> -> memref<16x8x128xf32, #tpu.memory_space<hbm>>
    %dma_wait3A_1124 = arith.constant 0 : i32
    %dma_wait3A_1125 = arith.constant 0 : i32
    %dma_wait3A_1126 = tpu.memref_slice %arg4[%add3A_1120, %dma_wait3A_1124, %dma_wait3A_1125] : memref<20480x8x128xf32, #tpu.memory_space<hbm>> -> memref<16x8x128xf32, #tpu.memory_space<hbm>>
    tpu.wait_dma2 semaphore(%arg10 : memref<!tpu.dma_semaphore, #tpu.memory_space<semaphore_mem>>) src(%arg6 : memref<16x8x128xf32, #tpu.memory_space<vmem>>) dst(%dma_wait3A_1126 : memref<16x8x128xf32, #tpu.memory_space<hbm>>)
    %dma_start3A_1127 = arith.constant 576 : i32
    %dma_start3A_1128 = tpu.memref_slice %arg5[%dma_start3A_1127] : memref<640xi32, #tpu.memory_space<vmem>> -> memref<16xi32, #tpu.memory_space<vmem>>
    %dma_start3A_1129 = arith.constant 0 : i32
    %dma_start3A_1130 = arith.constant 0 : i32
    %dma_start3A_1131 = arith.constant 0 : i32
    %dma_start3A_1132 = tpu.memref_slice %arg3[%dma_start3A_1129, %dma_start3A_1130, %dma_start3A_1131] : memref<1000x8x128xf32, #tpu.memory_space<hbm>> -> memref<1000x8x128xf32, #tpu.memory_space<hbm>>
    tpu.enqueue_indirect_dma source(%dma_start3A_1132 : memref<1000x8x128xf32, #tpu.memory_space<hbm>>) target(%arg6 : memref<16x8x128xf32, #tpu.memory_space<vmem>>) offsets(%dma_start3A_1128 : memref<16xi32, #tpu.memory_space<vmem>>) semaphore(%arg8 : memref<!tpu.dma_semaphore, #tpu.memory_space<semaphore_mem>>)
    %dma_wait3A_1133 = arith.constant 560 : i32
    %dma_wait3A_1134 = tpu.memref_slice %arg5[%dma_wait3A_1133] : memref<640xi32, #tpu.memory_space<vmem>> -> memref<16xi32, #tpu.memory_space<vmem>>
    %dma_wait3A_1135 = arith.constant 0 : i32
    %dma_wait3A_1136 = arith.constant 0 : i32
    %dma_wait3A_1137 = arith.constant 0 : i32
    %dma_wait3A_1138 = tpu.memref_slice %arg3[%dma_wait3A_1135, %dma_wait3A_1136, %dma_wait3A_1137] : memref<1000x8x128xf32, #tpu.memory_space<hbm>> -> memref<1000x8x128xf32, #tpu.memory_space<hbm>>
    tpu.wait_indirect_dma semaphore(%arg9 : memref<!tpu.dma_semaphore, #tpu.memory_space<semaphore_mem>>) src(%dma_wait3A_1138 : memref<1000x8x128xf32, #tpu.memory_space<hbm>>) dst(%arg7 : memref<16x8x128xf32, #tpu.memory_space<vmem>>)
    %mul3A_1139 = arith.constant 640 : i32
    %mul3A_1140 = arith.muli %add3A, %mul3A_1139 : i32
    %add3A_1141 = arith.constant 560 : i32
    %add3A_1142 = arith.addi %mul3A_1140, %add3A_1141 : i32
    %dma_start3A_1143 = arith.constant 0 : i32
    %dma_start3A_1144 = arith.constant 0 : i32
    %dma_start3A_1145 = tpu.memref_slice %arg4[%add3A_1142, %dma_start3A_1143, %dma_start3A_1144] : memref<20480x8x128xf32, #tpu.memory_space<hbm>> -> memref<16x8x128xf32, #tpu.memory_space<hbm>>
    %dma_start3A_1146 = arith.constant 0 : i32
    %dma_start3A_1147 = arith.constant 0 : i32
    %dma_start3A_1148 = tpu.memref_slice %arg4[%add3A_1142, %dma_start3A_1146, %dma_start3A_1147] : memref<20480x8x128xf32, #tpu.memory_space<hbm>> -> memref<16x8x128xf32, #tpu.memory_space<hbm>>
    tpu.enqueue_dma source(%arg7 : memref<16x8x128xf32, #tpu.memory_space<vmem>>) target(%dma_start3A_1148 : memref<16x8x128xf32, #tpu.memory_space<hbm>>) target_semaphore(%arg11 : memref<!tpu.dma_semaphore, #tpu.memory_space<semaphore_mem>>)
    %mul3A_1149 = arith.constant 640 : i32
    %mul3A_1150 = arith.muli %add3A, %mul3A_1149 : i32
    %add3A_1151 = arith.constant 560 : i32
    %add3A_1152 = arith.addi %mul3A_1150, %add3A_1151 : i32
    %dma_wait3A_1153 = arith.constant 0 : i32
    %dma_wait3A_1154 = arith.constant 0 : i32
    %dma_wait3A_1155 = tpu.memref_slice %arg4[%add3A_1152, %dma_wait3A_1153, %dma_wait3A_1154] : memref<20480x8x128xf32, #tpu.memory_space<hbm>> -> memref<16x8x128xf32, #tpu.memory_space<hbm>>
    %dma_wait3A_1156 = arith.constant 0 : i32
    %dma_wait3A_1157 = arith.constant 0 : i32
    %dma_wait3A_1158 = tpu.memref_slice %arg4[%add3A_1152, %dma_wait3A_1156, %dma_wait3A_1157] : memref<20480x8x128xf32, #tpu.memory_space<hbm>> -> memref<16x8x128xf32, #tpu.memory_space<hbm>>
    tpu.wait_dma2 semaphore(%arg11 : memref<!tpu.dma_semaphore, #tpu.memory_space<semaphore_mem>>) src(%arg7 : memref<16x8x128xf32, #tpu.memory_space<vmem>>) dst(%dma_wait3A_1158 : memref<16x8x128xf32, #tpu.memory_space<hbm>>)
    %dma_start3A_1159 = arith.constant 592 : i32
    %dma_start3A_1160 = tpu.memref_slice %arg5[%dma_start3A_1159] : memref<640xi32, #tpu.memory_space<vmem>> -> memref<16xi32, #tpu.memory_space<vmem>>
    %dma_start3A_1161 = arith.constant 0 : i32
    %dma_start3A_1162 = arith.constant 0 : i32
    %dma_start3A_1163 = arith.constant 0 : i32
    %dma_start3A_1164 = tpu.memref_slice %arg3[%dma_start3A_1161, %dma_start3A_1162, %dma_start3A_1163] : memref<1000x8x128xf32, #tpu.memory_space<hbm>> -> memref<1000x8x128xf32, #tpu.memory_space<hbm>>
    tpu.enqueue_indirect_dma source(%dma_start3A_1164 : memref<1000x8x128xf32, #tpu.memory_space<hbm>>) target(%arg7 : memref<16x8x128xf32, #tpu.memory_space<vmem>>) offsets(%dma_start3A_1160 : memref<16xi32, #tpu.memory_space<vmem>>) semaphore(%arg9 : memref<!tpu.dma_semaphore, #tpu.memory_space<semaphore_mem>>)
    %dma_wait3A_1165 = arith.constant 576 : i32
    %dma_wait3A_1166 = tpu.memref_slice %arg5[%dma_wait3A_1165] : memref<640xi32, #tpu.memory_space<vmem>> -> memref<16xi32, #tpu.memory_space<vmem>>
    %dma_wait3A_1167 = arith.constant 0 : i32
    %dma_wait3A_1168 = arith.constant 0 : i32
    %dma_wait3A_1169 = arith.constant 0 : i32
    %dma_wait3A_1170 = tpu.memref_slice %arg3[%dma_wait3A_1167, %dma_wait3A_1168, %dma_wait3A_1169] : memref<1000x8x128xf32, #tpu.memory_space<hbm>> -> memref<1000x8x128xf32, #tpu.memory_space<hbm>>
    tpu.wait_indirect_dma semaphore(%arg8 : memref<!tpu.dma_semaphore, #tpu.memory_space<semaphore_mem>>) src(%dma_wait3A_1170 : memref<1000x8x128xf32, #tpu.memory_space<hbm>>) dst(%arg6 : memref<16x8x128xf32, #tpu.memory_space<vmem>>)
    %mul3A_1171 = arith.constant 640 : i32
    %mul3A_1172 = arith.muli %add3A, %mul3A_1171 : i32
    %add3A_1173 = arith.constant 576 : i32
    %add3A_1174 = arith.addi %mul3A_1172, %add3A_1173 : i32
    %dma_start3A_1175 = arith.constant 0 : i32
    %dma_start3A_1176 = arith.constant 0 : i32
    %dma_start3A_1177 = tpu.memref_slice %arg4[%add3A_1174, %dma_start3A_1175, %dma_start3A_1176] : memref<20480x8x128xf32, #tpu.memory_space<hbm>> -> memref<16x8x128xf32, #tpu.memory_space<hbm>>
    %dma_start3A_1178 = arith.constant 0 : i32
    %dma_start3A_1179 = arith.constant 0 : i32
    %dma_start3A_1180 = tpu.memref_slice %arg4[%add3A_1174, %dma_start3A_1178, %dma_start3A_1179] : memref<20480x8x128xf32, #tpu.memory_space<hbm>> -> memref<16x8x128xf32, #tpu.memory_space<hbm>>
    tpu.enqueue_dma source(%arg6 : memref<16x8x128xf32, #tpu.memory_space<vmem>>) target(%dma_start3A_1180 : memref<16x8x128xf32, #tpu.memory_space<hbm>>) target_semaphore(%arg10 : memref<!tpu.dma_semaphore, #tpu.memory_space<semaphore_mem>>)
    %mul3A_1181 = arith.constant 640 : i32
    %mul3A_1182 = arith.muli %add3A, %mul3A_1181 : i32
    %add3A_1183 = arith.constant 576 : i32
    %add3A_1184 = arith.addi %mul3A_1182, %add3A_1183 : i32
    %dma_wait3A_1185 = arith.constant 0 : i32
    %dma_wait3A_1186 = arith.constant 0 : i32
    %dma_wait3A_1187 = tpu.memref_slice %arg4[%add3A_1184, %dma_wait3A_1185, %dma_wait3A_1186] : memref<20480x8x128xf32, #tpu.memory_space<hbm>> -> memref<16x8x128xf32, #tpu.memory_space<hbm>>
    %dma_wait3A_1188 = arith.constant 0 : i32
    %dma_wait3A_1189 = arith.constant 0 : i32
    %dma_wait3A_1190 = tpu.memref_slice %arg4[%add3A_1184, %dma_wait3A_1188, %dma_wait3A_1189] : memref<20480x8x128xf32, #tpu.memory_space<hbm>> -> memref<16x8x128xf32, #tpu.memory_space<hbm>>
    tpu.wait_dma2 semaphore(%arg10 : memref<!tpu.dma_semaphore, #tpu.memory_space<semaphore_mem>>) src(%arg6 : memref<16x8x128xf32, #tpu.memory_space<vmem>>) dst(%dma_wait3A_1190 : memref<16x8x128xf32, #tpu.memory_space<hbm>>)
    %dma_start3A_1191 = arith.constant 608 : i32
    %dma_start3A_1192 = tpu.memref_slice %arg5[%dma_start3A_1191] : memref<640xi32, #tpu.memory_space<vmem>> -> memref<16xi32, #tpu.memory_space<vmem>>
    %dma_start3A_1193 = arith.constant 0 : i32
    %dma_start3A_1194 = arith.constant 0 : i32
    %dma_start3A_1195 = arith.constant 0 : i32
    %dma_start3A_1196 = tpu.memref_slice %arg3[%dma_start3A_1193, %dma_start3A_1194, %dma_start3A_1195] : memref<1000x8x128xf32, #tpu.memory_space<hbm>> -> memref<1000x8x128xf32, #tpu.memory_space<hbm>>
    tpu.enqueue_indirect_dma source(%dma_start3A_1196 : memref<1000x8x128xf32, #tpu.memory_space<hbm>>) target(%arg6 : memref<16x8x128xf32, #tpu.memory_space<vmem>>) offsets(%dma_start3A_1192 : memref<16xi32, #tpu.memory_space<vmem>>) semaphore(%arg8 : memref<!tpu.dma_semaphore, #tpu.memory_space<semaphore_mem>>)
    %dma_wait3A_1197 = arith.constant 592 : i32
    %dma_wait3A_1198 = tpu.memref_slice %arg5[%dma_wait3A_1197] : memref<640xi32, #tpu.memory_space<vmem>> -> memref<16xi32, #tpu.memory_space<vmem>>
    %dma_wait3A_1199 = arith.constant 0 : i32
    %dma_wait3A_1200 = arith.constant 0 : i32
    %dma_wait3A_1201 = arith.constant 0 : i32
    %dma_wait3A_1202 = tpu.memref_slice %arg3[%dma_wait3A_1199, %dma_wait3A_1200, %dma_wait3A_1201] : memref<1000x8x128xf32, #tpu.memory_space<hbm>> -> memref<1000x8x128xf32, #tpu.memory_space<hbm>>
    tpu.wait_indirect_dma semaphore(%arg9 : memref<!tpu.dma_semaphore, #tpu.memory_space<semaphore_mem>>) src(%dma_wait3A_1202 : memref<1000x8x128xf32, #tpu.memory_space<hbm>>) dst(%arg7 : memref<16x8x128xf32, #tpu.memory_space<vmem>>)
    %mul3A_1203 = arith.constant 640 : i32
    %mul3A_1204 = arith.muli %add3A, %mul3A_1203 : i32
    %add3A_1205 = arith.constant 592 : i32
    %add3A_1206 = arith.addi %mul3A_1204, %add3A_1205 : i32
    %dma_start3A_1207 = arith.constant 0 : i32
    %dma_start3A_1208 = arith.constant 0 : i32
    %dma_start3A_1209 = tpu.memref_slice %arg4[%add3A_1206, %dma_start3A_1207, %dma_start3A_1208] : memref<20480x8x128xf32, #tpu.memory_space<hbm>> -> memref<16x8x128xf32, #tpu.memory_space<hbm>>
    %dma_start3A_1210 = arith.constant 0 : i32
    %dma_start3A_1211 = arith.constant 0 : i32
    %dma_start3A_1212 = tpu.memref_slice %arg4[%add3A_1206, %dma_start3A_1210, %dma_start3A_1211] : memref<20480x8x128xf32, #tpu.memory_space<hbm>> -> memref<16x8x128xf32, #tpu.memory_space<hbm>>
    tpu.enqueue_dma source(%arg7 : memref<16x8x128xf32, #tpu.memory_space<vmem>>) target(%dma_start3A_1212 : memref<16x8x128xf32, #tpu.memory_space<hbm>>) target_semaphore(%arg11 : memref<!tpu.dma_semaphore, #tpu.memory_space<semaphore_mem>>)
    %mul3A_1213 = arith.constant 640 : i32
    %mul3A_1214 = arith.muli %add3A, %mul3A_1213 : i32
    %add3A_1215 = arith.constant 592 : i32
    %add3A_1216 = arith.addi %mul3A_1214, %add3A_1215 : i32
    %dma_wait3A_1217 = arith.constant 0 : i32
    %dma_wait3A_1218 = arith.constant 0 : i32
    %dma_wait3A_1219 = tpu.memref_slice %arg4[%add3A_1216, %dma_wait3A_1217, %dma_wait3A_1218] : memref<20480x8x128xf32, #tpu.memory_space<hbm>> -> memref<16x8x128xf32, #tpu.memory_space<hbm>>
    %dma_wait3A_1220 = arith.constant 0 : i32
    %dma_wait3A_1221 = arith.constant 0 : i32
    %dma_wait3A_1222 = tpu.memref_slice %arg4[%add3A_1216, %dma_wait3A_1220, %dma_wait3A_1221] : memref<20480x8x128xf32, #tpu.memory_space<hbm>> -> memref<16x8x128xf32, #tpu.memory_space<hbm>>
    tpu.wait_dma2 semaphore(%arg11 : memref<!tpu.dma_semaphore, #tpu.memory_space<semaphore_mem>>) src(%arg7 : memref<16x8x128xf32, #tpu.memory_space<vmem>>) dst(%dma_wait3A_1222 : memref<16x8x128xf32, #tpu.memory_space<hbm>>)
    %dma_start3A_1223 = arith.constant 624 : i32
    %dma_start3A_1224 = tpu.memref_slice %arg5[%dma_start3A_1223] : memref<640xi32, #tpu.memory_space<vmem>> -> memref<16xi32, #tpu.memory_space<vmem>>
    %dma_start3A_1225 = arith.constant 0 : i32
    %dma_start3A_1226 = arith.constant 0 : i32
    %dma_start3A_1227 = arith.constant 0 : i32
    %dma_start3A_1228 = tpu.memref_slice %arg3[%dma_start3A_1225, %dma_start3A_1226, %dma_start3A_1227] : memref<1000x8x128xf32, #tpu.memory_space<hbm>> -> memref<1000x8x128xf32, #tpu.memory_space<hbm>>
    tpu.enqueue_indirect_dma source(%dma_start3A_1228 : memref<1000x8x128xf32, #tpu.memory_space<hbm>>) target(%arg7 : memref<16x8x128xf32, #tpu.memory_space<vmem>>) offsets(%dma_start3A_1224 : memref<16xi32, #tpu.memory_space<vmem>>) semaphore(%arg9 : memref<!tpu.dma_semaphore, #tpu.memory_space<semaphore_mem>>)
    %dma_wait3A_1229 = arith.constant 608 : i32
    %dma_wait3A_1230 = tpu.memref_slice %arg5[%dma_wait3A_1229] : memref<640xi32, #tpu.memory_space<vmem>> -> memref<16xi32, #tpu.memory_space<vmem>>
    %dma_wait3A_1231 = arith.constant 0 : i32
    %dma_wait3A_1232 = arith.constant 0 : i32
    %dma_wait3A_1233 = arith.constant 0 : i32
    %dma_wait3A_1234 = tpu.memref_slice %arg3[%dma_wait3A_1231, %dma_wait3A_1232, %dma_wait3A_1233] : memref<1000x8x128xf32, #tpu.memory_space<hbm>> -> memref<1000x8x128xf32, #tpu.memory_space<hbm>>
    tpu.wait_indirect_dma semaphore(%arg8 : memref<!tpu.dma_semaphore, #tpu.memory_space<semaphore_mem>>) src(%dma_wait3A_1234 : memref<1000x8x128xf32, #tpu.memory_space<hbm>>) dst(%arg6 : memref<16x8x128xf32, #tpu.memory_space<vmem>>)
    %mul3A_1235 = arith.constant 640 : i32
    %mul3A_1236 = arith.muli %add3A, %mul3A_1235 : i32
    %add3A_1237 = arith.constant 608 : i32
    %add3A_1238 = arith.addi %mul3A_1236, %add3A_1237 : i32
    %dma_start3A_1239 = arith.constant 0 : i32
    %dma_start3A_1240 = arith.constant 0 : i32
    %dma_start3A_1241 = tpu.memref_slice %arg4[%add3A_1238, %dma_start3A_1239, %dma_start3A_1240] : memref<20480x8x128xf32, #tpu.memory_space<hbm>> -> memref<16x8x128xf32, #tpu.memory_space<hbm>>
    %dma_start3A_1242 = arith.constant 0 : i32
    %dma_start3A_1243 = arith.constant 0 : i32
    %dma_start3A_1244 = tpu.memref_slice %arg4[%add3A_1238, %dma_start3A_1242, %dma_start3A_1243] : memref<20480x8x128xf32, #tpu.memory_space<hbm>> -> memref<16x8x128xf32, #tpu.memory_space<hbm>>
    tpu.enqueue_dma source(%arg6 : memref<16x8x128xf32, #tpu.memory_space<vmem>>) target(%dma_start3A_1244 : memref<16x8x128xf32, #tpu.memory_space<hbm>>) target_semaphore(%arg10 : memref<!tpu.dma_semaphore, #tpu.memory_space<semaphore_mem>>)
    %dma_wait3A_1245 = arith.constant 624 : i32
    %dma_wait3A_1246 = tpu.memref_slice %arg5[%dma_wait3A_1245] : memref<640xi32, #tpu.memory_space<vmem>> -> memref<16xi32, #tpu.memory_space<vmem>>
    %dma_wait3A_1247 = arith.constant 0 : i32
    %dma_wait3A_1248 = arith.constant 0 : i32
    %dma_wait3A_1249 = arith.constant 0 : i32
    %dma_wait3A_1250 = tpu.memref_slice %arg3[%dma_wait3A_1247, %dma_wait3A_1248, %dma_wait3A_1249] : memref<1000x8x128xf32, #tpu.memory_space<hbm>> -> memref<1000x8x128xf32, #tpu.memory_space<hbm>>
    tpu.wait_indirect_dma semaphore(%arg9 : memref<!tpu.dma_semaphore, #tpu.memory_space<semaphore_mem>>) src(%dma_wait3A_1250 : memref<1000x8x128xf32, #tpu.memory_space<hbm>>) dst(%arg7 : memref<16x8x128xf32, #tpu.memory_space<vmem>>)
    %mul3A_1251 = arith.constant 640 : i32
    %mul3A_1252 = arith.muli %add3A, %mul3A_1251 : i32
    %add3A_1253 = arith.constant 624 : i32
    %add3A_1254 = arith.addi %mul3A_1252, %add3A_1253 : i32
    %dma_start3A_1255 = arith.constant 0 : i32
    %dma_start3A_1256 = arith.constant 0 : i32
    %dma_start3A_1257 = tpu.memref_slice %arg4[%add3A_1254, %dma_start3A_1255, %dma_start3A_1256] : memref<20480x8x128xf32, #tpu.memory_space<hbm>> -> memref<16x8x128xf32, #tpu.memory_space<hbm>>
    %dma_start3A_1258 = arith.constant 0 : i32
    %dma_start3A_1259 = arith.constant 0 : i32
    %dma_start3A_1260 = tpu.memref_slice %arg4[%add3A_1254, %dma_start3A_1258, %dma_start3A_1259] : memref<20480x8x128xf32, #tpu.memory_space<hbm>> -> memref<16x8x128xf32, #tpu.memory_space<hbm>>
    tpu.enqueue_dma source(%arg7 : memref<16x8x128xf32, #tpu.memory_space<vmem>>) target(%dma_start3A_1260 : memref<16x8x128xf32, #tpu.memory_space<hbm>>) target_semaphore(%arg11 : memref<!tpu.dma_semaphore, #tpu.memory_space<semaphore_mem>>)
    %mul3A_1261 = arith.constant 640 : i32
    %mul3A_1262 = arith.muli %add3A, %mul3A_1261 : i32
    %add3A_1263 = arith.constant 608 : i32
    %add3A_1264 = arith.addi %mul3A_1262, %add3A_1263 : i32
    %dma_wait3A_1265 = arith.constant 0 : i32
    %dma_wait3A_1266 = arith.constant 0 : i32
    %dma_wait3A_1267 = tpu.memref_slice %arg4[%add3A_1264, %dma_wait3A_1265, %dma_wait3A_1266] : memref<20480x8x128xf32, #tpu.memory_space<hbm>> -> memref<16x8x128xf32, #tpu.memory_space<hbm>>
    %dma_wait3A_1268 = arith.constant 0 : i32
    %dma_wait3A_1269 = arith.constant 0 : i32
    %dma_wait3A_1270 = tpu.memref_slice %arg4[%add3A_1264, %dma_wait3A_1268, %dma_wait3A_1269] : memref<20480x8x128xf32, #tpu.memory_space<hbm>> -> memref<16x8x128xf32, #tpu.memory_space<hbm>>
    tpu.wait_dma2 semaphore(%arg10 : memref<!tpu.dma_semaphore, #tpu.memory_space<semaphore_mem>>) src(%arg6 : memref<16x8x128xf32, #tpu.memory_space<vmem>>) dst(%dma_wait3A_1270 : memref<16x8x128xf32, #tpu.memory_space<hbm>>)
    %mul3A_1271 = arith.constant 640 : i32
    %mul3A_1272 = arith.muli %add3A, %mul3A_1271 : i32
    %add3A_1273 = arith.constant 624 : i32
    %add3A_1274 = arith.addi %mul3A_1272, %add3A_1273 : i32
    %dma_wait3A_1275 = arith.constant 0 : i32
    %dma_wait3A_1276 = arith.constant 0 : i32
    %dma_wait3A_1277 = tpu.memref_slice %arg4[%add3A_1274, %dma_wait3A_1275, %dma_wait3A_1276] : memref<20480x8x128xf32, #tpu.memory_space<hbm>> -> memref<16x8x128xf32, #tpu.memory_space<hbm>>
    %dma_wait3A_1278 = arith.constant 0 : i32
    %dma_wait3A_1279 = arith.constant 0 : i32
    %dma_wait3A_1280 = tpu.memref_slice %arg4[%add3A_1274, %dma_wait3A_1278, %dma_wait3A_1279] : memref<20480x8x128xf32, #tpu.memory_space<hbm>> -> memref<16x8x128xf32, #tpu.memory_space<hbm>>
    tpu.wait_dma2 semaphore(%arg11 : memref<!tpu.dma_semaphore, #tpu.memory_space<semaphore_mem>>) src(%arg7 : memref<16x8x128xf32, #tpu.memory_space<vmem>>) dst(%dma_wait3A_1280 : memref<16x8x128xf32, #tpu.memory_space<hbm>>)
    return
  }
}

module attributes {stable_mosaic.version = 14 : i64} {
  func.func @body(%arg0: i32, %arg1: memref<128x8x128xf32, #tpu.memory_space<vmem>>, %arg2: memref<1x1x128xi32, #tpu.memory_space<vmem>>, %arg3: memref<1000x128xf32, #tpu.memory_space<vmem>>, %arg4: memref<1x1xf32, #tpu.memory_space<vmem>>) attributes {dimension_semantics = [#tpu.dimension_semantics<arbitrary>], iteration_bounds = array<i64: 160>, scalar_prefetch = 0 : i64, scratch_operands = 0 : i64, tpu.core_type = #tpu.core_type<tc>, window_params = [{transform_indices = @transform_0, window_bounds = array<i64: 128, 8, 128>}, {transform_indices = @transform_1, window_bounds = array<i64: 1, 1, 128>}, {transform_indices = @transform_2, window_bounds = array<i64: 1000, 128>}, {pipeline_mode = #tpu.pipeline_mode<synchronous>, transform_indices = @transform_3, window_bounds = array<i64: 1, 1>}]} {
    %get3A = arith.constant 0 : index
    %get3A_0 = arith.constant 0 : index
    %get3A_1 = arith.constant 0 : index
    %get3A_2 = vector.load %arg1[%get3A, %get3A_0, %get3A_1] : memref<128x8x128xf32, #tpu.memory_space<vmem>>, vector<128x8x128xf32>
    %slice3A = vector.extract_strided_slice %get3A_2 {offsets = [0, 0, 0], sizes = [128, 1, 128], strides = [1, 1, 1]} : vector<128x8x128xf32> to vector<128x1x128xf32>
    %squeeze3A = vector.shape_cast %slice3A : vector<128x1x128xf32> to vector<128x128xf32>
    %transpose3A = tpu.transpose %squeeze3A, [1, 0] : vector<128x128xf32> -> vector<128x128xf32>
    %swap3A = arith.constant 0 : index
    %swap3A_3 = arith.constant 0 : index
    %swap3A_4 = vector.load %arg3[%swap3A, %swap3A_3] : memref<1000x128xf32, #tpu.memory_space<vmem>>, vector<128x128xf32>
    tpu.vector_store %arg3[%swap3A, %swap3A_3], %transpose3A {strides = array<i32>} : memref<1000x128xf32, #tpu.memory_space<vmem>>, vector<128x128xf32>,
    %slice3A_5 = vector.extract_strided_slice %get3A_2 {offsets = [0, 1, 0], sizes = [128, 1, 128], strides = [1, 1, 1]} : vector<128x8x128xf32> to vector<128x1x128xf32>
    %squeeze3A_6 = vector.shape_cast %slice3A_5 : vector<128x1x128xf32> to vector<128x128xf32>
    %transpose3A_7 = tpu.transpose %squeeze3A_6, [1, 0] : vector<128x128xf32> -> vector<128x128xf32>
    %swap3A_8 = arith.constant 128 : index
    %swap3A_9 = arith.constant 0 : index
    %swap3A_10 = vector.load %arg3[%swap3A_8, %swap3A_9] : memref<1000x128xf32, #tpu.memory_space<vmem>>, vector<128x128xf32>
    tpu.vector_store %arg3[%swap3A_8, %swap3A_9], %transpose3A_7 {strides = array<i32>} : memref<1000x128xf32, #tpu.memory_space<vmem>>, vector<128x128xf32>,
    %slice3A_11 = vector.extract_strided_slice %get3A_2 {offsets = [0, 2, 0], sizes = [128, 1, 128], strides = [1, 1, 1]} : vector<128x8x128xf32> to vector<128x1x128xf32>
    %squeeze3A_12 = vector.shape_cast %slice3A_11 : vector<128x1x128xf32> to vector<128x128xf32>
    %transpose3A_13 = tpu.transpose %squeeze3A_12, [1, 0] : vector<128x128xf32> -> vector<128x128xf32>
    %swap3A_14 = arith.constant 256 : index
    %swap3A_15 = arith.constant 0 : index
    %swap3A_16 = vector.load %arg3[%swap3A_14, %swap3A_15] : memref<1000x128xf32, #tpu.memory_space<vmem>>, vector<128x128xf32>
    tpu.vector_store %arg3[%swap3A_14, %swap3A_15], %transpose3A_13 {strides = array<i32>} : memref<1000x128xf32, #tpu.memory_space<vmem>>, vector<128x128xf32>,
    %slice3A_17 = vector.extract_strided_slice %get3A_2 {offsets = [0, 3, 0], sizes = [128, 1, 128], strides = [1, 1, 1]} : vector<128x8x128xf32> to vector<128x1x128xf32>
    %squeeze3A_18 = vector.shape_cast %slice3A_17 : vector<128x1x128xf32> to vector<128x128xf32>
    %transpose3A_19 = tpu.transpose %squeeze3A_18, [1, 0] : vector<128x128xf32> -> vector<128x128xf32>
    %swap3A_20 = arith.constant 384 : index
    %swap3A_21 = arith.constant 0 : index
    %swap3A_22 = vector.load %arg3[%swap3A_20, %swap3A_21] : memref<1000x128xf32, #tpu.memory_space<vmem>>, vector<128x128xf32>
    tpu.vector_store %arg3[%swap3A_20, %swap3A_21], %transpose3A_19 {strides = array<i32>} : memref<1000x128xf32, #tpu.memory_space<vmem>>, vector<128x128xf32>,
    %slice3A_23 = vector.extract_strided_slice %get3A_2 {offsets = [0, 4, 0], sizes = [128, 1, 128], strides = [1, 1, 1]} : vector<128x8x128xf32> to vector<128x1x128xf32>
    %squeeze3A_24 = vector.shape_cast %slice3A_23 : vector<128x1x128xf32> to vector<128x128xf32>
    %transpose3A_25 = tpu.transpose %squeeze3A_24, [1, 0] : vector<128x128xf32> -> vector<128x128xf32>
    %swap3A_26 = arith.constant 512 : index
    %swap3A_27 = arith.constant 0 : index
    %swap3A_28 = vector.load %arg3[%swap3A_26, %swap3A_27] : memref<1000x128xf32, #tpu.memory_space<vmem>>, vector<128x128xf32>
    tpu.vector_store %arg3[%swap3A_26, %swap3A_27], %transpose3A_25 {strides = array<i32>} : memref<1000x128xf32, #tpu.memory_space<vmem>>, vector<128x128xf32>,
    %slice3A_29 = vector.extract_strided_slice %get3A_2 {offsets = [0, 5, 0], sizes = [128, 1, 128], strides = [1, 1, 1]} : vector<128x8x128xf32> to vector<128x1x128xf32>
    %squeeze3A_30 = vector.shape_cast %slice3A_29 : vector<128x1x128xf32> to vector<128x128xf32>
    %transpose3A_31 = tpu.transpose %squeeze3A_30, [1, 0] : vector<128x128xf32> -> vector<128x128xf32>
    %swap3A_32 = arith.constant 640 : index
    %swap3A_33 = arith.constant 0 : index
    %swap3A_34 = vector.load %arg3[%swap3A_32, %swap3A_33] : memref<1000x128xf32, #tpu.memory_space<vmem>>, vector<128x128xf32>
    tpu.vector_store %arg3[%swap3A_32, %swap3A_33], %transpose3A_31 {strides = array<i32>} : memref<1000x128xf32, #tpu.memory_space<vmem>>, vector<128x128xf32>,
    %slice3A_35 = vector.extract_strided_slice %get3A_2 {offsets = [0, 6, 0], sizes = [128, 1, 128], strides = [1, 1, 1]} : vector<128x8x128xf32> to vector<128x1x128xf32>
    %squeeze3A_36 = vector.shape_cast %slice3A_35 : vector<128x1x128xf32> to vector<128x128xf32>
    %transpose3A_37 = tpu.transpose %squeeze3A_36, [1, 0] : vector<128x128xf32> -> vector<128x128xf32>
    %swap3A_38 = arith.constant 768 : index
    %swap3A_39 = arith.constant 0 : index
    %swap3A_40 = vector.load %arg3[%swap3A_38, %swap3A_39] : memref<1000x128xf32, #tpu.memory_space<vmem>>, vector<128x128xf32>
    tpu.vector_store %arg3[%swap3A_38, %swap3A_39], %transpose3A_37 {strides = array<i32>} : memref<1000x128xf32, #tpu.memory_space<vmem>>, vector<128x128xf32>,
    %slice3A_41 = vector.extract_strided_slice %get3A_2 {offsets = [0, 7, 0], sizes = [128, 1, 128], strides = [1, 1, 1]} : vector<128x8x128xf32> to vector<128x1x128xf32>
    %squeeze3A_42 = vector.shape_cast %slice3A_41 : vector<128x1x128xf32> to vector<128x128xf32>
    %transpose3A_43 = tpu.transpose %squeeze3A_42, [1, 0] : vector<128x128xf32> -> vector<128x128xf32>
    %slice3A_44 = vector.extract_strided_slice %transpose3A_43 {offsets = [0, 0], sizes = [104, 128], strides = [1, 1]} : vector<128x128xf32> to vector<104x128xf32>
    %swap3A_45 = arith.constant 896 : index
    %swap3A_46 = arith.constant 0 : index
    %swap3A_47 = vector.load %arg3[%swap3A_45, %swap3A_46] : memref<1000x128xf32, #tpu.memory_space<vmem>>, vector<104x128xf32>
    tpu.vector_store %arg3[%swap3A_45, %swap3A_46], %slice3A_44 {strides = array<i32>} : memref<1000x128xf32, #tpu.memory_space<vmem>>, vector<104x128xf32>,
    %get3A_48 = arith.constant 0 : index
    %get3A_49 = arith.constant 0 : index
    %get3A_50 = vector.load %arg3[%get3A_48, %get3A_49] : memref<1000x128xf32, #tpu.memory_space<vmem>>, vector<1000x128xf32>
    %reduce_max3A = arith.constant dense<0xFF800000> : vector<128xf32>
    %reduce_max3A_51 = vector.multi_reduction <maximumf>, %get3A_50, %reduce_max3A [0] : vector<1000x128xf32> to vector<128xf32>
    %broadcast_in_dim3A = vector.shape_cast %reduce_max3A_51 : vector<128xf32> to vector<1x128xf32>
    %sub3A = vector.broadcast %broadcast_in_dim3A : vector<1x128xf32> to vector<1000x128xf32>
    %sub3A_52 = arith.subf %get3A_50, %sub3A : vector<1000x128xf32>
    %exp3A = math.exp %sub3A_52 : vector<1000x128xf32>
    %reduce_sum3A = arith.constant dense<0.000000e+00> : vector<128xf32>
    %reduce_sum3A_53 = vector.multi_reduction <add>, %exp3A, %reduce_sum3A [0] : vector<1000x128xf32> to vector<128xf32>
    %broadcast_in_dim3A_54 = vector.shape_cast %reduce_sum3A_53 : vector<128xf32> to vector<1x128xf32>
    %log3A = math.log %broadcast_in_dim3A_54 : vector<1x128xf32>
    %add3A = arith.addf %log3A, %broadcast_in_dim3A : vector<1x128xf32>
    %get3A_55 = arith.constant 0 : index
    %get3A_56 = arith.constant 0 : index
    %get3A_57 = arith.constant 0 : index
    %get3A_58 = vector.load %arg2[%get3A_55, %get3A_56, %get3A_57] : memref<1x1x128xi32, #tpu.memory_space<vmem>>, vector<1x1x128xi32>
    %get3A_59 = vector.shape_cast %get3A_58 : vector<1x1x128xi32> to vector<1x128xi32>
    %iota3A = tpu.iota {dimensions = array<i32: 0>} : vector<1000x128xi32>
    %eq3A = vector.broadcast %get3A_59 : vector<1x128xi32> to vector<1000x128xi32>
    %eq3A_60 = arith.cmpi eq, %iota3A, %eq3A : vector<1000x128xi32>
    %jit3A = arith.constant 0.000000e+00 : f32
    %broadcast_in_dim3A_61 = vector.broadcast %jit3A : f32 to vector<1000x128xf32>
    %select_n3A = arith.select %eq3A_60, %get3A_50, %broadcast_in_dim3A_61 : vector<1000x128xi1>, vector<1000x128xf32>
    %reduce_sum3A_62 = arith.constant dense<0.000000e+00> : vector<128xf32>
    %reduce_sum3A_63 = vector.multi_reduction <add>, %select_n3A, %reduce_sum3A_62 [0] : vector<1000x128xf32> to vector<128xf32>
    %broadcast_in_dim3A_64 = vector.shape_cast %reduce_sum3A_63 : vector<128xf32> to vector<1x128xf32>
    %sub3A_65 = arith.subf %add3A, %broadcast_in_dim3A_64 : vector<1x128xf32>
    %reduce_sum3A_66 = vector.shape_cast %sub3A_65 : vector<1x128xf32> to vector<1x1x128xf32>
    %reduce_sum3A_67 = arith.constant dense<0.000000e+00> : vector<1xf32>
    %reduce_sum3A_68 = vector.multi_reduction <add>, %reduce_sum3A_66, %reduce_sum3A_67 [1, 2] : vector<1x1x128xf32> to vector<1xf32>
    %reduce_sum3A_69 = vector.shape_cast %reduce_sum3A_68 : vector<1xf32> to vector<1x1x1xf32>
    %reduce_sum3A_70 = vector.extract %reduce_sum3A_69[0, 0, 0] : f32 from vector<1x1x1xf32>
    %eq3A_71 = arith.constant 0 : i32
    %eq3A_72 = arith.cmpi eq, %arg0, %eq3A_71 : i32
    %convert_element_type3A = arith.extui %eq3A_72 : i1 to i32
    %cond3A = arith.constant 0 : i32
    %cond3A_73 = arith.cmpi ne, %convert_element_type3A, %cond3A : i32
    scf.if %cond3A_73 {
      %broadcast_in_dim3A_81 = arith.constant 0.000000e+00 : f32
      %broadcast_in_dim3A_82 = vector.broadcast %broadcast_in_dim3A_81 : f32 to vector<1x1xf32>
      %swap3A_83 = arith.constant 0 : index
      %swap3A_84 = arith.constant 0 : index
      %swap3A_85 = vector.load %arg4[%swap3A_83, %swap3A_84] : memref<1x1xf32, #tpu.memory_space<vmem>>, vector<1x1xf32>
      tpu.vector_store %arg4[%swap3A_83, %swap3A_84], %broadcast_in_dim3A_82 {strides = array<i32>} : memref<1x1xf32, #tpu.memory_space<vmem>>, vector<1x1xf32>,
    } else {
    }
    %get3A_74 = arith.constant 0 : index
    %get3A_75 = arith.constant 0 : index
    %get3A_76 = vector.load %arg4[%get3A_74, %get3A_75] : memref<1x1xf32, #tpu.memory_space<vmem>>, vector<1x1xf32>
    %reshape3A = vector.broadcast %reduce_sum3A_70 : f32 to vector<1x1xf32>
    %add3A_77 = arith.addf %get3A_76, %reshape3A : vector<1x1xf32>
    %swap3A_78 = arith.constant 0 : index
    %swap3A_79 = arith.constant 0 : index
    %swap3A_80 = vector.load %arg4[%swap3A_78, %swap3A_79] : memref<1x1xf32, #tpu.memory_space<vmem>>, vector<1x1xf32>
    tpu.vector_store %arg4[%swap3A_78, %swap3A_79], %add3A_77 {strides = array<i32>} : memref<1x1xf32, #tpu.memory_space<vmem>>, vector<1x1xf32>,
    return
  }
  func.func @transform_0(%arg0: i32) -> (i32, i32, i32) {
    %c0_i32 = arith.constant 0 : i32
    %c0_i32_0 = arith.constant 0 : i32
    %c0_i32_1 = arith.constant 0 : i32
    return %arg0, %c0_i32, %c0_i32_0 : i32, i32, i32
  }
  func.func @transform_1(%arg0: i32) -> (i32, i32, i32) {
    %c0_i32 = arith.constant 0 : i32
    %c0_i32_0 = arith.constant 0 : i32
    %c0_i32_1 = arith.constant 0 : i32
    return %arg0, %c0_i32, %c0_i32_0 : i32, i32, i32
  }
  func.func @transform_2(%arg0: i32) -> (i32, i32) {
    %c0_i32 = arith.constant 0 : i32
    %c0_i32_0 = arith.constant 0 : i32
    return %c0_i32, %arg0 : i32, i32
  }
  func.func @transform_3(%arg0: i32) -> (i32, i32) {
    %c0_i32 = arith.constant 0 : i32
    %c0_i32_0 = arith.constant 0 : i32
    %c0_i32_1 = arith.constant 0 : i32
    return %c0_i32, %c0_i32_0 : i32, i32
  }
}

</mosaic_0001>

<sc_bundles>
// kernel: kernel.4.cloned.1.call-start
scs
__scs_entry_jumppad:
0x0: {  	(pc) =	sbr.rel $0x88, $3  }
0x1: {  	(tag) =	ssettag $0x0;
	lr =	simm.s32 $0x1  }
0x2: {  	[smem:$0x3F9E] =	sst lr;
	_ =	strace $0xD0000000  }
0x3: {  	_ = 	snop  }
0x4: {  	_ = 	snop  }
0x5: {  	_ = 	snop  }
0x6: {  	_ = 	snop  }
0x7: {  	_ = 	snop  }
__scs_overlays_trampoline_lowered:
0x8: {  	[smem:$0x3FAD] =	sst s0  }
0x9: {  	[smem:$0x3FAE] =	sst s1  }
0xa: {  	[smem:$0x3FAF] =	sst s2  }
0xb: {  	[smem:$0x3FB0] =	sst s3  }
0xc: {  	[smem:$0x3FB1] =	sst s4  }
0xd: {  	[smem:$0x3FB2] =	sst s5  }
0xe: {  	[smem:$0x3FB3] =	sst s6  }
0xf: {  	[smem:$0x3FB4] =	sst s7  }
0x10: {  	[smem:$0x3FB5] =	sst s8  }
0x11: {  	[smem:$0x3FB6] =	sst s9;
	s0 =	simm.s32 @!p0 $0x0  }
0x12: {  	s1 =	sld [smem:$0x3F9C];
	s0 =	simm.s32 @p0 $0x1  }
0x13: {  	[smem:$0x3FB7] =	sst s0;
	s0 =	simm.s32 @!p1 $0x0  }
0x14: {  	s2 =	sld [smem:$0x3F9B];
	s0 =	simm.s32 @p1 $0x1  }
0x15: {  	[smem:$0x3FB8] =	sst s0;
	s0 =	simm.s32 @!p2 $0x0  }
0x16: {  	s3 =	sld [smem:$0x3FDB];
	s0 =	simm.s32 @p2 $0x1  }
0x17: {  	s4 =	simm.s32 $0x1BF5;
	[smem:$0x3FBA] =	sst s0  }
0x18: {  	s0 =	sld [smem:$0x3F9D];
	_ =	swait.ge [sflag:s4], $0x0  }
0x19: {  	s7 =	sld [smem:$0x3F9E]  }
0x1a: {  	s8 =	sadd.s32 $0xFFFFE003, lr  }
0x1b: {  	s9 =	sadd.s32 $0xFFFFFEF7, lr;
	s5 =	simm.s32 $0xFFFFFFFF;
	p2 =	slt.u32 s8, $0xFFFFF086  }
0x1c: {  	p1 =	slt.u32 s9, $0xF7A;
	s5 =	simm.s32 @!p2 $0x0  }
0x1d: {  	s5 =	simm.s32 @p1 $0x1;
	p0 =	seq.s32 s7, s2  }
0x1e: {  	s7 =	smul.u32 @!p0 $0xF7A, s2;
	p2 =	seq.s32 @!p0 s5, $0x0  }
0x1f: {  	s9 =	smul.u32 $0xF7A, s1;
	s8 =	simm.s32 @!p0 $0x1BF5;
	p2 =	por !p2, p0  }
0x20: {  	[sflag:s8] =	ssyncset.s32 @!p0 $0xFFFFF086;
	s6 =	sadd.s32 @!p0 s3, s7;
	s7 =	simm.s32 @!p0 $0x108  }
0x21: {  	s3 =	sadd.s32 s3, s9;
	s6 =	sadd.s32 @!p0 $0x88, s6;
	s7 =	simm.s32 @p2 $0x1082  }
0x22: {  	[simem:s7], [sflag:s8] =	dma.local @!p0 [hbm:s6], $0xF7A  }
0x23: {  	s9 =	sor.u32 $0xD0000000, s2;
	s6 =	simm.s32 $0x108;
	_ =	swait.ge @!p0 [sflag:s8], $0x0  }
0x24: {  	s3 =	sadd.s32 $0x88, s3;
	s6 =	simm.s32 @!p1 $0x1082;
	[sflag:s4] =	ssyncset.s32 $0xFFFFF086  }
0x25: {  	[simem:s6], [sflag:s4] =	dma.local [hbm:s3], $0xF7A  }
0x26: {  	[smem:$0x3F9E] =	sst s1;
	(tag) =	ssettag s2;
	_ =	strace s9  }
0x27: {  	s1 =	sld [smem:$0x3FAE]  }
0x28: {  	s2 =	sld [smem:$0x3FAF]  }
0x29: {  	s4 =	sld [smem:$0x3FB1]  }
0x2a: {  	p0 =	seq.s32 s5, $0x0;
	s5 =	sld [smem:$0x3FB2]  }
0x2b: {  	s6 =	sld [smem:$0x3FB3]  }
0x2c: {  	s7 =	sld [smem:$0x3FB4]  }
0x2d: {  	s3 =	simm.s32 $0x108;
	s8 =	sld [smem:$0x3FB5]  }
0x2e: {  	s3 =	simm.s32 @!p0 $0x1082;
	s9 =	sld [smem:$0x3FB6]  }
0x2f: {  	lr =	sadd.s32 s0, s3;
	s0 =	sld [smem:$0x3FAD]  }
0x30: {  	s3 =	sld [smem:$0x3FB0]  }
0x31: {  	[smem:$0x3FB9] =	sst s10  }
0x32: {  	s10 =	sld [smem:$0x3FB7];
	_ =	sdelay $0x3  }
0x33: {  	p0 =	seq.s32 s10, $0x1;
	s10 =	sld [smem:$0x3FB9];
	_ =	sdelay $0x3  }
0x34: {  	[smem:$0x3FB9] =	sst s10  }
0x35: {  	s10 =	sld [smem:$0x3FB8];
	_ =	sdelay $0x3  }
0x36: {  	p1 =	seq.s32 s10, $0x1;
	s10 =	sld [smem:$0x3FB9];
	_ =	sdelay $0x3  }
0x37: {  	[smem:$0x3FB9] =	sst s10  }
0x38: {  	s10 =	sld [smem:$0x3FBA]  }
0x39: {  	_ = 	snop;
	(pc) =	sbr.ind lr, $3  }
0x3a: {  	_ = 	snop  }
0x3b: {  	_ = 	snop  }
0x3c: {  	p2 =	seq.s32 s10, $0x1;
	s10 =	sld [smem:$0x3FB9]  }
0x3d: {  	_ =	shalt  }
0x3e: {  	_ =	shalt  }
0x3f: {  	_ =	shalt  }
0x40: {  	_ =	shalt  }
0x41: {  	_ =	shalt  }
0x42: {  	_ =	shalt  }
0x43: {  	_ =	shalt  }
0x44: {  	_ =	shalt  }
0x45: {  	_ =	shalt  }
0x46: {  	_ =	shalt  }
0x47: {  	_ =	shalt  }
0x48: {  	_ =	shalt  }
0x49: {  	_ =	shalt  }
0x4a: {  	_ =	shalt  }
0x4b: {  	_ =	shalt  }
0x4c: {  	_ =	shalt  }
0x4d: {  	_ =	shalt  }
0x4e: {  	_ =	shalt  }
0x4f: {  	_ =	shalt  }
0x50: {  	_ =	shalt  }
0x51: {  	_ =	shalt  }
0x52: {  	_ =	shalt  }
0x53: {  	_ =	shalt  }
0x54: {  	_ =	shalt  }
0x55: {  	_ =	shalt  }
0x56: {  	_ =	shalt  }
0x57: {  	_ =	shalt  }
0x58: {  	_ =	shalt  }
0x59: {  	_ =	shalt  }
0x5a: {  	_ =	shalt  }
0x5b: {  	_ =	shalt  }
0x5c: {  	_ =	shalt  }
0x5d: {  	_ =	shalt  }
0x5e: {  	_ =	shalt  }
0x5f: {  	_ =	shalt  }
0x60: {  	_ =	shalt  }
0x61: {  	_ =	shalt  }
0x62: {  	_ =	shalt  }
0x63: {  	_ =	shalt  }
0x64: {  	_ =	shalt  }
0x65: {  	_ =	shalt  }
0x66: {  	_ =	shalt  }
0x67: {  	_ =	shalt  }
0x68: {  	_ =	shalt  }
0x69: {  	_ =	shalt  }
0x6a: {  	_ =	shalt  }
0x6b: {  	_ =	shalt  }
0x6c: {  	_ =	shalt  }
0x6d: {  	_ =	shalt  }
0x6e: {  	_ =	shalt  }
0x6f: {  	_ =	shalt  }
0x70: {  	_ =	shalt  }
0x71: {  	_ =	shalt  }
0x72: {  	_ =	shalt  }
0x73: {  	_ =	shalt  }
0x74: {  	_ =	shalt  }
0x75: {  	_ =	shalt  }
0x76: {  	_ =	shalt  }
0x77: {  	_ =	shalt  }
0x78: {  	_ =	shalt  }
0x79: {  	_ =	shalt  }
0x7a: {  	_ =	shalt  }
0x7b: {  	_ =	shalt  }
0x7c: {  	_ =	shalt  }
0x7d: {  	_ =	shalt  }
0x7e: {  	_ =	shalt  }
0x7f: {  	_ =	shalt  }
0x80: {  	_ =	shalt  }
0x81: {  	_ =	shalt  }
0x82: {  	_ =	shalt  }
0x83: {  	_ =	shalt  }
0x84: {  	_ =	shalt  }
0x85: {  	_ =	shalt  }
0x86: {  	_ =	shalt  }
0x87: {  	_ =	shalt  }
.Lfunc_end0:
.L_simem_size_0:
called_computation_lowered:
.L_overlay_start_0:
0x88: {  	s2 =	sld [smem:$0x3FD9]  }
0x89: {  	s3 =	sld [smem:$0x3FFE];
	_ =	sdelay $0x1  }
0x8a: {  	s1 =	srdreg.scid  }
0x8b: {  	s0 =	sand.u32 $0x1, s1  }
0x8c: {  	s14 =	sshll.u32 s0, $0xA;
	s2 =	sadd.s32 s3, s2  }
0x8d: {  	s2 =	sadd.s32 s2, s14  }
0x8e: {  	[smem:$0x3FC5] =	sst s2  }
0x8f: {  	_ = 	snop  }
0x90: {  	s2 =	sld [smem:$0x3FD0];
	_ =	sdelay $0x2  }
0x91: {  	s15 =	simm.s32 $0xA;
	s4 =	simm.s32 $0x10  }
0x92: {  	[smem:s4], [sflag:s15] =	dma.local [hbm:s2], $0x1  }
0x93: {  	_ =	swait.eq [sflag:s15], $0x1  }
0x94: {  	[sflag:s15] =	ssyncset.done $0x0  }
0x95: {  	[sflag:s15] =	ssyncadd.s32 $0xFFFFFFFF  }
0x96: {  	s16 =	sld [smem:$0x10];
	(tm) =	ssettm $0x1  }
0x97: {  	s17 =	sld [smem:$0x3FFB];
	_ =	sdelay $0x3  }
0x98: {  	_ =	strace s17  }
0x99: {  	s3 =	sld [smem:$0x3FFC];
	_ =	sdelay $0x3  }
0x9a: {  	_ =	strace s3  }
0x9b: {  	s3 =	sld [smem:$0x3FFD];
	_ =	sdelay $0x3  }
0x9c: {  	_ =	strace s3  }
0x9d: {  	_ =	strace $0x8FFFFFFF  }
0x9e: {  	s18 =	sld [smem:$0x3FDB];
	_ =	sdelay $0x1  }
0x9f: {  	s19 =	simm.s32 $_scs_section_size  }
0xa0: {  	s5 =	simm.s32 $_size__tile_overlayer_lowered;
	s6 =	simm.s32 $_tile_overlayer_lowered  }
0xa1: {  	s22 =	simm.s32 $0x1BFF;
	s21 =	sshll.u32 s6, $0x1;
	s3 =	sadd.s32 s19, s18  }
0xa2: {  	s7 =	simm.s32 $0x0;
	s20 =	sshll.u32 s5, $0x1;
	s5 =	sadd.s32 s21, s3  }
0xa3: {  	[timem:s7], [sflag:s22] =	dma.local [hbm:s5], s20  }
0xa4: {  	_ =	swait.ge [sflag:s22], s20  }
0xa5: {  	s4 =	ssub.s32 $0x0, s20;
	[sflag:s22] =	ssyncset.done $0x0  }
0xa6: {  	[sflag:s22] =	ssyncadd.s32 s4;
	_ =	sdelay $0x1  }
0xa7: {  	s23 =	simm.s32 $0x1B8B  }
0xa8: {  	_ =	swait.ge [sflag:s23], $0x1  }
0xa9: {  	[sflag:s23] =	ssyncset.done $0x0  }
0xaa: {  	s25 =	simm.s32 $0x1B8E;
	s24 =	sld [smem:$0x3FFE];
	[sflag:s23] =	ssyncadd.s32 $0xFFFFFFFF  }
0xab: {  	s26 =	simm.s32 $execute0_lowered;
	[smem:$0x3FD2] =	sst s25  }
0xac: {  	s5 =	sshll.u32 s26, $0x1;
	_ =	strace $0x80000046;
	[dreg:$0x1] =	wrdreg $0xFFFFFFFF  }
0xad: {  	s28 =	simm.s32 $_size_execute0_lowered;
	s3 =	sadd.s32 s3, s5;
	[dreg:$0x0] =	wrdreg $0x0  }
0xae: {  	s5 =	sshll.u32 s28, $0x1;
	[dreg:$0x2] =	wrdreg s3  }
0xaf: {  	[dreg:$0x3] =	wrdreg s5  }
0xb0: {  	[dreg:$0x4] =	wrdreg $0xC0  }
0xb1: {  	_ =	task [dreg:s7], $0x5FFFF  }
0xb2: {  	[dreg:$0x1] =	wrdreg $0xFFFFFFFF  }
0xb3: {  	[dreg:$0x0] =	wrdreg $0x60  }
0xb4: {  	[dreg:$0x2] =	wrdreg s24  }
0xb5: {  	[dreg:$0x3] =	wrdreg s16  }
0xb6: {  	[dreg:$0x4] =	wrdreg $0x9  }
0xb7: {  	_ =	task.clear_ibuf [dreg:s7], $0x5FFFF;
	_ =	strace $0x90000046  }
0xb8: {  	s29 =	simm.s32 $0x9;
	_ =	strace $0x80000048  }
0xb9: {  	_ =	swait.ge [sflag:s29], $0x1  }
0xba: {  	[sflag:s29] =	ssyncadd.s32 $0xFFFFFFFF  }
0xbb: {  	_ =	strace $0x90000048  }
0xbc: {  	_ =	sfence  }
0xbd: {  	s30 =	sld [smem:$0x0];
	_ =	sdelay $0x2  }
0xbe: {  	s31 =	sshll.u32 s1, $0xD;
	s1 =	sshrl.u32 s1, $0x2  }
0xbf: {  	s3 =	sand.u32 $0x4000, s31;
	s1 =	sadd.s32 s1, s30  }
0xc0: {  	s0 =	sor.u32 s3, s0;
	s1 =	sshll.u32 s1, $0x11  }
0xc1: {  	s0 =	sor.u32 s1, s0  }
0xc2: {  	s0 =	sadd.s32 $0x8F2B, s0  }
0xc3: {  	[sflag:s0] =	ssyncadd.remote.s32 $0x1  }
0xc4: {  	_ =	sfence.sel $0xFFFF  }
0xc5: {  	[dreg:$0x0] =	wrdreg $0xFFFFFFFF;
	(pc) =	sbr.abs _section_cstart, $3  }
0xc6: {  	[dreg:$0x1] =	wrdreg $0xFFFFFFFF  }
0xc7: {  	_ =	task.clear_ibuf [dreg:s7], $0x2FFFF;
	_ =	strace $0x9FFFFFFF  }
0xc8: {  	(tm) =	ssettm $0x7FFFFFFF  }
0xc9: {  	_ =	shalt  }
tec
execute0_lowered:
.L_overlay_start_1:
0x0: {  	(tag) =	ssettag $0x1  }
0x1: {  	s0 =	srdreg.scid;
	s2 =	stileid.u32  }
0x2: {  	s1 =	sand.u32 $0x1, s0;
	s11 =	sshll.u32 s2, $0x1  }
0x3: {  	s0 =	sor.u32 s1, s11  }
0x4: {  	s4 =	rddreg [dreg:$0x0];
	s5 =	smul.u32 $0x50, s0  }
0x5: {  	s3 =	rddreg [dreg:$0x1];
	s6 =	smul.u32 $0x14000, s0  }
0x6: {  	s2 =	simm.s32 $0x0;
	s5 =	sadd.s32 s5, s4;
	s4 =	sadd.s32 $0x1200, s4  }
0x7: {  	[smem:$0x7FF] =	sst s2;
	s5 =	sadd.s32 $0x800, s5;
	s30 =	sadd.s32 s4, s6  }
0x8: {  	_ =	strace $0x80000047;
	[dreg:$0x3] =	wrdreg s5;
	s12 =	sadd.s32 $0x800, s30  }
0x9: {  	s13 =	sadd.s32 $0x1000, s30;
	[dreg:$0x4] =	wrdreg s12  }
0xa: {  	s14 =	sadd.s32 $0x1800, s30;
	[dreg:$0x5] =	wrdreg s13  }
0xb: {  	s0 =	smul.u32 $0xA0000, s0;
	s15 =	sadd.s32 $0x2000, s30;
	[dreg:$0x6] =	wrdreg s14  }
0xc: {  	s16 =	sadd.s32 $0x2800, s30;
	[dreg:$0x7] =	wrdreg s15  }
0xd: {  	s0 =	sshrl.u32 s0, $0x3;
	s17 =	sadd.s32 $0x3000, s30;
	[dreg:$0x8] =	wrdreg s16  }
0xe: {  	s4 =	sadd.s32 s4, s0;
	s18 =	sadd.s32 $0x3800, s30;
	[dreg:$0x9] =	wrdreg s17  }
0xf: {  	s0 =	sadd.s32 $0x4000, s4;
	[dreg:$0xa] =	wrdreg s18  }
0x10: {  	s19 =	sadd.s32 $0x4800, s4;
	[dreg:$0xb] =	wrdreg s0  }
0x11: {  	s20 =	sadd.s32 $0x5000, s4;
	[dreg:$0xc] =	wrdreg s19  }
0x12: {  	s21 =	sadd.s32 $0x5800, s4;
	[dreg:$0xd] =	wrdreg s20  }
0x13: {  	s22 =	sadd.s32 $0x6000, s4;
	[dreg:$0xe] =	wrdreg s21  }
0x14: {  	s23 =	sadd.s32 $0x6800, s4;
	[dreg:$0xf] =	wrdreg s22  }
0x15: {  	s24 =	sadd.s32 $0x7000, s4;
	[dreg:$0x10] =	wrdreg s23  }
0x16: {  	s25 =	sadd.s32 $0x7800, s4;
	[dreg:$0x11] =	wrdreg s24  }
0x17: {  	s26 =	sadd.s32 $0x8000, s4;
	[dreg:$0x12] =	wrdreg s25  }
0x18: {  	s5 =	sadd.s32 $0x8800, s4;
	[dreg:$0x13] =	wrdreg s26  }
0x19: {  	s6 =	sadd.s32 $0x9000, s4;
	[dreg:$0x14] =	wrdreg s5  }
0x1a: {  	s7 =	sadd.s32 $0x9800, s4;
	[dreg:$0x15] =	wrdreg s6  }
0x1b: {  	s8 =	sadd.s32 $0xA000, s4;
	[dreg:$0x16] =	wrdreg s7  }
0x1c: {  	s9 =	sadd.s32 $0xA800, s4;
	[dreg:$0x17] =	wrdreg s8  }
0x1d: {  	s10 =	sadd.s32 $0xB000, s4;
	[dreg:$0x18] =	wrdreg s9  }
0x1e: {  	s11 =	sadd.s32 $0xB800, s4;
	[dreg:$0x19] =	wrdreg s10  }
0x1f: {  	[dreg:$0x1a] =	wrdreg s11  }
0x20: {  	s12 =	sadd.s32 $0xC000, s4;
	s0 =	rddreg [dreg:$0x3]  }
0x21: {  	s13 =	sadd.s32 $0xC800, s4;
	[dreg:$0x1b] =	wrdreg s12  }
0x22: {  	s14 =	sadd.s32 $0xD000, s4;
	[dreg:$0x1c] =	wrdreg s13  }
0x23: {  	s15 =	sadd.s32 $0xD800, s4;
	[dreg:$0x1d] =	wrdreg s14  }
0x24: {  	s16 =	sadd.s32 $0xE000, s4;
	[dreg:$0x1e] =	wrdreg s15  }
0x25: {  	s17 =	sadd.s32 $0xE800, s4;
	[dreg:$0x1f] =	wrdreg s16  }
0x26: {  	s18 =	sadd.s32 $0xF000, s4;
	[smem:$0x7DF] =	sst s17  }
0x27: {  	s19 =	sadd.s32 $0xF800, s4;
	[smem:$0x7E0] =	sst s18  }
0x28: {  	s20 =	sadd.s32 $0x10000, s4;
	[smem:$0x7E1] =	sst s19  }
0x29: {  	s21 =	sadd.s32 $0x10800, s4;
	[smem:$0x7E2] =	sst s20  }
0x2a: {  	s22 =	sadd.s32 $0x11000, s4;
	[smem:$0x7E3] =	sst s21  }
0x2b: {  	s23 =	sadd.s32 $0x11800, s4;
	[smem:$0x7E4] =	sst s22  }
0x2c: {  	s24 =	sadd.s32 $0x12000, s4;
	[smem:$0x7E5] =	sst s23  }
0x2d: {  	s25 =	sadd.s32 $0x12800, s4;
	[smem:$0x7E6] =	sst s24  }
0x2e: {  	s26 =	sadd.s32 $0x13000, s4;
	[smem:$0x7E7] =	sst s25  }
0x2f: {  	s5 =	sadd.s32 $0x13800, s4;
	[smem:$0x7E8] =	sst s26  }
0x30: {  	s6 =	simm.s32 $0x20;
	[smem:$0x7E9] =	sst s5  }
0x31: {  	s7 =	simm.s32 $0x30;
	[smem:$0x7EA] =	sst s6  }
0x32: {  	s8 =	simm.s32 $0x40;
	[smem:$0x7EB] =	sst s7  }
0x33: {  	s9 =	simm.s32 $0x50;
	[smem:$0x7EC] =	sst s8  }
0x34: {  	s10 =	simm.s32 $0x60;
	[smem:$0x7ED] =	sst s9  }
0x35: {  	s11 =	simm.s32 $0x70;
	[smem:$0x7EE] =	sst s10  }
0x36: {  	s31 =	simm.s32 $0x5;
	[smem:$0x7EF] =	sst s11;
	s12 =	simm.s32 $0x80  }
0x37: {  	s29 =	simm.s32 $0x160;
	s13 =	simm.s32 $0x90;
	[smem:$0x7F0] =	sst s12  }
0x38: {  	s28 =	simm.s32 $0x170;
	s14 =	simm.s32 $0xA0;
	[smem:$0x7F1] =	sst s13  }
0x39: {  	p0 =	por $0x0, $0x0;
	s15 =	simm.s32 $0xB0;
	[smem:$0x7F2] =	sst s14  }
0x3a: {  	s1 =	ssub.s32 $0x2, s1;
	s17 =	simm.s32 $0xC0;
	[smem:$0x7F3] =	sst s15  }
0x3b: {  	s4 =	simm.s32 $0x4280;
	s18 =	simm.s32 $0xD0;
	[smem:$0x7F4] =	sst s17  }
0x3c: {  	s16 =	sshrl.u32 s1, $0x1;
	s19 =	simm.s32 $0xE0;
	[smem:$0x7F5] =	sst s18  }
0x3d: {  	s20 =	simm.s32 $0xF0;
	s7 =	simm.s32 $0x10;
	[smem:$0x7F6] =	sst s19  }
0x3e: {  	s21 =	simm.s32 $0x100;
	s5 =	simm.s32 $0x280;
	[smem:$0x7F7] =	sst s20  }
0x3f: {  	s22 =	simm.s32 $0x110;
	s23 =	simm.s32 $0x120;
	[smem:$0x7F8] =	sst s21  }
0x40: {  	s9 =	simm.s32 $0x1;
	s24 =	simm.s32 $0x130;
	[smem:$0x7F9] =	sst s22  }
0x41: {  	s6 =	simm.s32 $0x3;
	s25 =	simm.s32 $0x140;
	[smem:$0x7FA] =	sst s23  }
0x42: {  	s10 =	simm.s32 $0x2;
	s26 =	simm.s32 $0x150;
	[smem:$0x7FB] =	sst s24  }
0x43: {  	s8 =	simm.s32 $0x4;
	s1 =	ssub.s32 s1, s16;
	[smem:$0x7FC] =	sst s25  }
0x44: {  	s11 =	simm.s32 $0x270;
	[smem:$0x7FD] =	sst s26;
	s1 =	smax.u32 s1, $0x1  }
0x45: {  	s26 =	simm.s32 $0x180;
	s25 =	simm.s32 $0x190;
	p1 =	sne.s32 s1, $0x1  }
.Ltmp0:
0x46: {  	s24 =	simm.s32 $0x1A0;
	s23 =	simm.s32 $0x1B0;
	(pc) =	sbr.rel @!p1 .LBB2_3-.Ltmp0, $4  }
0x47: {  	s22 =	simm.s32 $0x1C0;
	s21 =	simm.s32 $0x1D0;
	s20 =	simm.s32 $0x1E0  }
0x48: {  	s19 =	simm.s32 $0x1F0;
	s18 =	simm.s32 $0x200;
	s17 =	simm.s32 $0x210  }
0x49: {  	s16 =	simm.s32 $0x220;
	s15 =	simm.s32 $0x230;
	s14 =	simm.s32 $0x240  }
0x4a: {  	s13 =	simm.s32 $0x250;
	s12 =	simm.s32 $0x260;
	s1 =	sadd.s32 $0xFFFFFFFF, s1  }
0x4b: {  	[tilespmem:s2], [sflag:$0x5] =	stream.linear.gather [hbm4b:s0+s2], $0x280, $0x38;
	[tilespmem:$0x8280] =	vst v63  }
0x4c: {  	_ =	swait.ge [sflag:s31], $0x280  }
0x4d: {  	[sflag:s31] =	ssyncset.done $0x0  }
0x4e: {  	[sflag:s31] =	ssyncadd.s32 $0xFFFFFD80  }
0x4f: {  	[tilespmem:s5], [sflag:$0x1] =	stream.indirect.gather [hbm4b:s3+s7], $0x400, s2, s7, $0xb8;
	[tilespmem:$0x8280] =	vst v63  }
0x50: {  	_ = 	snop  }
0x51: {  	[tilespmem:s4], [sflag:$0x2] =	stream.indirect.gather [hbm4b:s3+s7], $0x400, s7, s7, $0xb8;
	[tilespmem:$0x8280] =	vst v63  }
0x52: {  	_ =	swait.ge [sflag:s9], $0x4000  }
0x53: {  	[sflag:s9] =	ssyncset.done $0x0  }
0x54: {  	[sflag:s9] =	ssyncadd.s32 $0xFFFFC000  }
0x55: {  	[hbm4b:s30+s2] =	stream.linear.scatter [tilespmem:s5], [sflag:$0x3], $0x4000, $0x38;
	[tilespmem:$0x8280] =	vst v63  }
0x56: {  	_ =	swait.ge [sflag:s6], $0x4000  }
0x57: {  	s0 =	sld [smem:$0x7EA]  }
0x58: {  	[sflag:s6] =	ssyncset.done $0x0  }
0x59: {  	[sflag:s6] =	ssyncadd.s32 $0xFFFFC000  }
0x5a: {  	[tilespmem:s5], [sflag:$0x1] =	stream.indirect.gather [hbm4b:s3+s7], $0x400, s0, s7, $0xb8;
	[tilespmem:$0x8280] =	vst v63  }
0x5b: {  	_ =	swait.ge [sflag:s10], $0x4000  }
0x5c: {  	[sflag:s10] =	ssyncset.done $0x0  }
0x5d: {  	s0 =	rddreg [dreg:$0x4];
	[sflag:s10] =	ssyncadd.s32 $0xFFFFC000  }
0x5e: {  	[hbm4b:s0+s2] =	stream.linear.scatter [tilespmem:s4], [sflag:$0x4], $0x4000, $0x38;
	[tilespmem:$0x8280] =	vst v63  }
0x5f: {  	_ =	swait.ge [sflag:s8], $0x4000  }
0x60: {  	s0 =	sld [smem:$0x7EB]  }
0x61: {  	[sflag:s8] =	ssyncset.done $0x0  }
0x62: {  	[sflag:s8] =	ssyncadd.s32 $0xFFFFC000  }
0x63: {  	[tilespmem:s4], [sflag:$0x2] =	stream.indirect.gather [hbm4b:s3+s7], $0x400, s0, s7, $0xb8;
	[tilespmem:$0x8280] =	vst v63  }
0x64: {  	_ =	swait.ge [sflag:s9], $0x4000  }
0x65: {  	[sflag:s9] =	ssyncset.done $0x0  }
0x66: {  	s0 =	rddreg [dreg:$0x5];
	[sflag:s9] =	ssyncadd.s32 $0xFFFFC000  }
0x67: {  	[hbm4b:s0+s2] =	stream.linear.scatter [tilespmem:s5], [sflag:$0x3], $0x4000, $0x38;
	[tilespmem:$0x8280] =	vst v63  }
0x68: {  	_ =	swait.ge [sflag:s6], $0x4000  }
0x69: {  	s0 =	sld [smem:$0x7EC]  }
0x6a: {  	[sflag:s6] =	ssyncset.done $0x0  }
0x6b: {  	[sflag:s6] =	ssyncadd.s32 $0xFFFFC000  }
0x6c: {  	[tilespmem:s5], [sflag:$0x1] =	stream.indirect.gather [hbm4b:s3+s7], $0x400, s0, s7, $0xb8;
	[tilespmem:$0x8280] =	vst v63  }
0x6d: {  	_ =	swait.ge [sflag:s10], $0x4000  }
0x6e: {  	[sflag:s10] =	ssyncset.done $0x0  }
0x6f: {  	s0 =	rddreg [dreg:$0x6];
	[sflag:s10] =	ssyncadd.s32 $0xFFFFC000  }
0x70: {  	[hbm4b:s0+s2] =	stream.linear.scatter [tilespmem:s4], [sflag:$0x4], $0x4000, $0x38;
	[tilespmem:$0x8280] =	vst v63  }
0x71: {  	_ =	swait.ge [sflag:s8], $0x4000  }
0x72: {  	s0 =	sld [smem:$0x7ED]  }
0x73: {  	[sflag:s8] =	ssyncset.done $0x0  }
0x74: {  	[sflag:s8] =	ssyncadd.s32 $0xFFFFC000  }
0x75: {  	[tilespmem:s4], [sflag:$0x2] =	stream.indirect.gather [hbm4b:s3+s7], $0x400, s0, s7, $0xb8;
	[tilespmem:$0x8280] =	vst v63  }
0x76: {  	_ =	swait.ge [sflag:s9], $0x4000  }
0x77: {  	[sflag:s9] =	ssyncset.done $0x0  }
0x78: {  	s0 =	rddreg [dreg:$0x7];
	[sflag:s9] =	ssyncadd.s32 $0xFFFFC000  }
0x79: {  	[hbm4b:s0+s2] =	stream.linear.scatter [tilespmem:s5], [sflag:$0x3], $0x4000, $0x38;
	[tilespmem:$0x8280] =	vst v63  }
0x7a: {  	_ =	swait.ge [sflag:s6], $0x4000  }
0x7b: {  	s0 =	sld [smem:$0x7EE]  }
0x7c: {  	[sflag:s6] =	ssyncset.done $0x0  }
0x7d: {  	[sflag:s6] =	ssyncadd.s32 $0xFFFFC000  }
0x7e: {  	[tilespmem:s5], [sflag:$0x1] =	stream.indirect.gather [hbm4b:s3+s7], $0x400, s0, s7, $0xb8;
	[tilespmem:$0x8280] =	vst v63  }
0x7f: {  	_ =	swait.ge [sflag:s10], $0x4000  }
0x80: {  	[sflag:s10] =	ssyncset.done $0x0  }
0x81: {  	s0 =	rddreg [dreg:$0x8];
	[sflag:s10] =	ssyncadd.s32 $0xFFFFC000  }
0x82: {  	[hbm4b:s0+s2] =	stream.linear.scatter [tilespmem:s4], [sflag:$0x4], $0x4000, $0x38;
	[tilespmem:$0x8280] =	vst v63  }
0x83: {  	_ =	swait.ge [sflag:s8], $0x4000  }
0x84: {  	s0 =	sld [smem:$0x7EF]  }
0x85: {  	[sflag:s8] =	ssyncset.done $0x0  }
0x86: {  	[sflag:s8] =	ssyncadd.s32 $0xFFFFC000  }
0x87: {  	[tilespmem:s4], [sflag:$0x2] =	stream.indirect.gather [hbm4b:s3+s7], $0x400, s0, s7, $0xb8;
	[tilespmem:$0x8280] =	vst v63  }
0x88: {  	_ =	swait.ge [sflag:s9], $0x4000  }
0x89: {  	[sflag:s9] =	ssyncset.done $0x0  }
0x8a: {  	s0 =	rddreg [dreg:$0x9];
	[sflag:s9] =	ssyncadd.s32 $0xFFFFC000  }
0x8b: {  	[hbm4b:s0+s2] =	stream.linear.scatter [tilespmem:s5], [sflag:$0x3], $0x4000, $0x38;
	[tilespmem:$0x8280] =	vst v63  }
0x8c: {  	_ =	swait.ge [sflag:s6], $0x4000  }
0x8d: {  	s0 =	sld [smem:$0x7F0]  }
0x8e: {  	[sflag:s6] =	ssyncset.done $0x0  }
0x8f: {  	[sflag:s6] =	ssyncadd.s32 $0xFFFFC000  }
0x90: {  	[tilespmem:s5], [sflag:$0x1] =	stream.indirect.gather [hbm4b:s3+s7], $0x400, s0, s7, $0xb8;
	[tilespmem:$0x8280] =	vst v63  }
0x91: {  	_ =	swait.ge [sflag:s10], $0x4000  }
0x92: {  	[sflag:s10] =	ssyncset.done $0x0  }
0x93: {  	s0 =	rddreg [dreg:$0xa];
	[sflag:s10] =	ssyncadd.s32 $0xFFFFC000  }
0x94: {  	[hbm4b:s0+s2] =	stream.linear.scatter [tilespmem:s4], [sflag:$0x4], $0x4000, $0x38;
	[tilespmem:$0x8280] =	vst v63  }
0x95: {  	_ =	swait.ge [sflag:s8], $0x4000  }
0x96: {  	s0 =	sld [smem:$0x7F1]  }
0x97: {  	[sflag:s8] =	ssyncset.done $0x0  }
0x98: {  	[sflag:s8] =	ssyncadd.s32 $0xFFFFC000  }
0x99: {  	[tilespmem:s4], [sflag:$0x2] =	stream.indirect.gather [hbm4b:s3+s7], $0x400, s0, s7, $0xb8;
	[tilespmem:$0x8280] =	vst v63  }
0x9a: {  	_ =	swait.ge [sflag:s9], $0x4000  }
0x9b: {  	[sflag:s9] =	ssyncset.done $0x0  }
0x9c: {  	s0 =	rddreg [dreg:$0xb];
	[sflag:s9] =	ssyncadd.s32 $0xFFFFC000  }
0x9d: {  	[hbm4b:s0+s2] =	stream.linear.scatter [tilespmem:s5], [sflag:$0x3], $0x4000, $0x38;
	[tilespmem:$0x8280] =	vst v63  }
0x9e: {  	_ =	swait.ge [sflag:s6], $0x4000  }
0x9f: {  	s0 =	sld [smem:$0x7F2]  }
0xa0: {  	[sflag:s6] =	ssyncset.done $0x0  }
0xa1: {  	[sflag:s6] =	ssyncadd.s32 $0xFFFFC000  }
0xa2: {  	[tilespmem:s5], [sflag:$0x1] =	stream.indirect.gather [hbm4b:s3+s7], $0x400, s0, s7, $0xb8;
	[tilespmem:$0x8280] =	vst v63  }
0xa3: {  	_ =	swait.ge [sflag:s10], $0x4000  }
0xa4: {  	[sflag:s10] =	ssyncset.done $0x0  }
0xa5: {  	s0 =	rddreg [dreg:$0xc];
	[sflag:s10] =	ssyncadd.s32 $0xFFFFC000  }
0xa6: {  	[hbm4b:s0+s2] =	stream.linear.scatter [tilespmem:s4], [sflag:$0x4], $0x4000, $0x38;
	[tilespmem:$0x8280] =	vst v63  }
0xa7: {  	_ =	swait.ge [sflag:s8], $0x4000  }
0xa8: {  	s0 =	sld [smem:$0x7F3]  }
0xa9: {  	[sflag:s8] =	ssyncset.done $0x0  }
0xaa: {  	[sflag:s8] =	ssyncadd.s32 $0xFFFFC000  }
0xab: {  	[tilespmem:s4], [sflag:$0x2] =	stream.indirect.gather [hbm4b:s3+s7], $0x400, s0, s7, $0xb8;
	[tilespmem:$0x8280] =	vst v63  }
0xac: {  	_ =	swait.ge [sflag:s9], $0x4000  }
0xad: {  	[sflag:s9] =	ssyncset.done $0x0  }
0xae: {  	s0 =	rddreg [dreg:$0xd];
	[sflag:s9] =	ssyncadd.s32 $0xFFFFC000  }
0xaf: {  	[hbm4b:s0+s2] =	stream.linear.scatter [tilespmem:s5], [sflag:$0x3], $0x4000, $0x38;
	[tilespmem:$0x8280] =	vst v63  }
0xb0: {  	_ =	swait.ge [sflag:s6], $0x4000  }
0xb1: {  	s0 =	sld [smem:$0x7F4]  }
0xb2: {  	[sflag:s6] =	ssyncset.done $0x0  }
0xb3: {  	[sflag:s6] =	ssyncadd.s32 $0xFFFFC000  }
0xb4: {  	[tilespmem:s5], [sflag:$0x1] =	stream.indirect.gather [hbm4b:s3+s7], $0x400, s0, s7, $0xb8;
	[tilespmem:$0x8280] =	vst v63  }
0xb5: {  	_ =	swait.ge [sflag:s10], $0x4000  }
0xb6: {  	[sflag:s10] =	ssyncset.done $0x0  }
0xb7: {  	s0 =	rddreg [dreg:$0xe];
	[sflag:s10] =	ssyncadd.s32 $0xFFFFC000  }
0xb8: {  	[hbm4b:s0+s2] =	stream.linear.scatter [tilespmem:s4], [sflag:$0x4], $0x4000, $0x38;
	[tilespmem:$0x8280] =	vst v63  }
0xb9: {  	_ =	swait.ge [sflag:s8], $0x4000  }
0xba: {  	s0 =	sld [smem:$0x7F5]  }
0xbb: {  	[sflag:s8] =	ssyncset.done $0x0  }
0xbc: {  	[sflag:s8] =	ssyncadd.s32 $0xFFFFC000  }
0xbd: {  	[tilespmem:s4], [sflag:$0x2] =	stream.indirect.gather [hbm4b:s3+s7], $0x400, s0, s7, $0xb8;
	[tilespmem:$0x8280] =	vst v63  }
0xbe: {  	_ =	swait.ge [sflag:s9], $0x4000  }
0xbf: {  	[sflag:s9] =	ssyncset.done $0x0  }
0xc0: {  	s0 =	rddreg [dreg:$0xf];
	[sflag:s9] =	ssyncadd.s32 $0xFFFFC000  }
0xc1: {  	[hbm4b:s0+s2] =	stream.linear.scatter [tilespmem:s5], [sflag:$0x3], $0x4000, $0x38;
	[tilespmem:$0x8280] =	vst v63  }
0xc2: {  	_ =	swait.ge [sflag:s6], $0x4000  }
0xc3: {  	s0 =	sld [smem:$0x7F6]  }
0xc4: {  	[sflag:s6] =	ssyncset.done $0x0  }
0xc5: {  	[sflag:s6] =	ssyncadd.s32 $0xFFFFC000  }
0xc6: {  	[tilespmem:s5], [sflag:$0x1] =	stream.indirect.gather [hbm4b:s3+s7], $0x400, s0, s7, $0xb8;
	[tilespmem:$0x8280] =	vst v63  }
0xc7: {  	_ =	swait.ge [sflag:s10], $0x4000  }
0xc8: {  	[sflag:s10] =	ssyncset.done $0x0  }
0xc9: {  	s0 =	rddreg [dreg:$0x10];
	[sflag:s10] =	ssyncadd.s32 $0xFFFFC000  }
0xca: {  	[hbm4b:s0+s2] =	stream.linear.scatter [tilespmem:s4], [sflag:$0x4], $0x4000, $0x38;
	[tilespmem:$0x8280] =	vst v63  }
0xcb: {  	_ =	swait.ge [sflag:s8], $0x4000  }
0xcc: {  	s0 =	sld [smem:$0x7F7]  }
0xcd: {  	[sflag:s8] =	ssyncset.done $0x0  }
0xce: {  	[sflag:s8] =	ssyncadd.s32 $0xFFFFC000  }
0xcf: {  	[tilespmem:s4], [sflag:$0x2] =	stream.indirect.gather [hbm4b:s3+s7], $0x400, s0, s7, $0xb8;
	[tilespmem:$0x8280] =	vst v63  }
0xd0: {  	_ =	swait.ge [sflag:s9], $0x4000  }
0xd1: {  	[sflag:s9] =	ssyncset.done $0x0  }
0xd2: {  	s0 =	rddreg [dreg:$0x11];
	[sflag:s9] =	ssyncadd.s32 $0xFFFFC000  }
0xd3: {  	[hbm4b:s0+s2] =	stream.linear.scatter [tilespmem:s5], [sflag:$0x3], $0x4000, $0x38;
	[tilespmem:$0x8280] =	vst v63  }
0xd4: {  	_ =	swait.ge [sflag:s6], $0x4000  }
0xd5: {  	s0 =	sld [smem:$0x7F8]  }
0xd6: {  	[sflag:s6] =	ssyncset.done $0x0  }
0xd7: {  	[sflag:s6] =	ssyncadd.s32 $0xFFFFC000  }
0xd8: {  	[tilespmem:s5], [sflag:$0x1] =	stream.indirect.gather [hbm4b:s3+s7], $0x400, s0, s7, $0xb8;
	[tilespmem:$0x8280] =	vst v63  }
0xd9: {  	_ =	swait.ge [sflag:s10], $0x4000  }
0xda: {  	[sflag:s10] =	ssyncset.done $0x0  }
0xdb: {  	s0 =	rddreg [dreg:$0x12];
	[sflag:s10] =	ssyncadd.s32 $0xFFFFC000  }
0xdc: {  	[hbm4b:s0+s2] =	stream.linear.scatter [tilespmem:s4], [sflag:$0x4], $0x4000, $0x38;
	[tilespmem:$0x8280] =	vst v63  }
0xdd: {  	_ =	swait.ge [sflag:s8], $0x4000  }
0xde: {  	s0 =	sld [smem:$0x7F9]  }
0xdf: {  	[sflag:s8] =	ssyncset.done $0x0  }
0xe0: {  	[sflag:s8] =	ssyncadd.s32 $0xFFFFC000  }
0xe1: {  	[tilespmem:s4], [sflag:$0x2] =	stream.indirect.gather [hbm4b:s3+s7], $0x400, s0, s7, $0xb8;
	[tilespmem:$0x8280] =	vst v63  }
0xe2: {  	_ =	swait.ge [sflag:s9], $0x4000  }
0xe3: {  	[sflag:s9] =	ssyncset.done $0x0  }
0xe4: {  	s0 =	rddreg [dreg:$0x13];
	[sflag:s9] =	ssyncadd.s32 $0xFFFFC000  }
0xe5: {  	[hbm4b:s0+s2] =	stream.linear.scatter [tilespmem:s5], [sflag:$0x3], $0x4000, $0x38;
	[tilespmem:$0x8280] =	vst v63  }
0xe6: {  	_ =	swait.ge [sflag:s6], $0x4000  }
0xe7: {  	s0 =	sld [smem:$0x7FA]  }
0xe8: {  	[sflag:s6] =	ssyncset.done $0x0  }
0xe9: {  	[sflag:s6] =	ssyncadd.s32 $0xFFFFC000  }
0xea: {  	[tilespmem:s5], [sflag:$0x1] =	stream.indirect.gather [hbm4b:s3+s7], $0x400, s0, s7, $0xb8;
	[tilespmem:$0x8280] =	vst v63  }
0xeb: {  	_ =	swait.ge [sflag:s10], $0x4000  }
0xec: {  	[sflag:s10] =	ssyncset.done $0x0  }
0xed: {  	s0 =	rddreg [dreg:$0x14];
	[sflag:s10] =	ssyncadd.s32 $0xFFFFC000  }
0xee: {  	[hbm4b:s0+s2] =	stream.linear.scatter [tilespmem:s4], [sflag:$0x4], $0x4000, $0x38;
	[tilespmem:$0x8280] =	vst v63  }
0xef: {  	_ =	swait.ge [sflag:s8], $0x4000  }
0xf0: {  	s0 =	sld [smem:$0x7FB]  }
0xf1: {  	[sflag:s8] =	ssyncset.done $0x0  }
0xf2: {  	[sflag:s8] =	ssyncadd.s32 $0xFFFFC000  }
0xf3: {  	[tilespmem:s4], [sflag:$0x2] =	stream.indirect.gather [hbm4b:s3+s7], $0x400, s0, s7, $0xb8;
	[tilespmem:$0x8280] =	vst v63  }
0xf4: {  	_ =	swait.ge [sflag:s9], $0x4000  }
0xf5: {  	[sflag:s9] =	ssyncset.done $0x0  }
0xf6: {  	s0 =	rddreg [dreg:$0x15];
	[sflag:s9] =	ssyncadd.s32 $0xFFFFC000  }
0xf7: {  	[hbm4b:s0+s2] =	stream.linear.scatter [tilespmem:s5], [sflag:$0x3], $0x4000, $0x38;
	[tilespmem:$0x8280] =	vst v63  }
0xf8: {  	_ =	swait.ge [sflag:s6], $0x4000  }
0xf9: {  	s0 =	sld [smem:$0x7FC]  }
0xfa: {  	[sflag:s6] =	ssyncset.done $0x0  }
0xfb: {  	[sflag:s6] =	ssyncadd.s32 $0xFFFFC000  }
0xfc: {  	[tilespmem:s5], [sflag:$0x1] =	stream.indirect.gather [hbm4b:s3+s7], $0x400, s0, s7, $0xb8;
	[tilespmem:$0x8280] =	vst v63  }
0xfd: {  	_ =	swait.ge [sflag:s10], $0x4000  }
0xfe: {  	[sflag:s10] =	ssyncset.done $0x0  }
0xff: {  	s0 =	rddreg [dreg:$0x16];
	[sflag:s10] =	ssyncadd.s32 $0xFFFFC000  }
0x100: {  	[hbm4b:s0+s2] =	stream.linear.scatter [tilespmem:s4], [sflag:$0x4], $0x4000, $0x38;
	[tilespmem:$0x8280] =	vst v63  }
0x101: {  	_ =	swait.ge [sflag:s8], $0x4000  }
0x102: {  	s0 =	sld [smem:$0x7FD]  }
0x103: {  	[sflag:s8] =	ssyncset.done $0x0  }
0x104: {  	[sflag:s8] =	ssyncadd.s32 $0xFFFFC000  }
0x105: {  	[tilespmem:s4], [sflag:$0x2] =	stream.indirect.gather [hbm4b:s3+s7], $0x400, s0, s7, $0xb8;
	[tilespmem:$0x8280] =	vst v63  }
0x106: {  	_ =	swait.ge [sflag:s9], $0x4000  }
0x107: {  	[sflag:s9] =	ssyncset.done $0x0  }
0x108: {  	s0 =	rddreg [dreg:$0x17];
	[sflag:s9] =	ssyncadd.s32 $0xFFFFC000  }
0x109: {  	[hbm4b:s0+s2] =	stream.linear.scatter [tilespmem:s5], [sflag:$0x3], $0x4000, $0x38;
	[tilespmem:$0x8280] =	vst v63  }
0x10a: {  	_ =	swait.ge [sflag:s6], $0x4000  }
0x10b: {  	[sflag:s6] =	ssyncset.done $0x0  }
0x10c: {  	[sflag:s6] =	ssyncadd.s32 $0xFFFFC000  }
0x10d: {  	[tilespmem:s5], [sflag:$0x1] =	stream.indirect.gather [hbm4b:s3+s7], $0x400, s29, s7, $0xb8;
	[tilespmem:$0x8280] =	vst v63  }
0x10e: {  	_ =	swait.ge [sflag:s10], $0x4000  }
0x10f: {  	[sflag:s10] =	ssyncset.done $0x0  }
0x110: {  	s0 =	rddreg [dreg:$0x18];
	[sflag:s10] =	ssyncadd.s32 $0xFFFFC000  }
0x111: {  	[hbm4b:s0+s2] =	stream.linear.scatter [tilespmem:s4], [sflag:$0x4], $0x4000, $0x38;
	[tilespmem:$0x8280] =	vst v63  }
0x112: {  	_ =	swait.ge [sflag:s8], $0x4000  }
0x113: {  	[sflag:s8] =	ssyncset.done $0x0  }
0x114: {  	[sflag:s8] =	ssyncadd.s32 $0xFFFFC000  }
0x115: {  	[tilespmem:s4], [sflag:$0x2] =	stream.indirect.gather [hbm4b:s3+s7], $0x400, s28, s7, $0xb8;
	[tilespmem:$0x8280] =	vst v63  }
0x116: {  	_ =	swait.ge [sflag:s9], $0x4000  }
0x117: {  	[sflag:s9] =	ssyncset.done $0x0  }
0x118: {  	s0 =	rddreg [dreg:$0x19];
	[sflag:s9] =	ssyncadd.s32 $0xFFFFC000  }
0x119: {  	[hbm4b:s0+s2] =	stream.linear.scatter [tilespmem:s5], [sflag:$0x3], $0x4000, $0x38;
	[tilespmem:$0x8280] =	vst v63  }
0x11a: {  	_ =	swait.ge [sflag:s6], $0x4000  }
0x11b: {  	[sflag:s6] =	ssyncset.done $0x0  }
0x11c: {  	[sflag:s6] =	ssyncadd.s32 $0xFFFFC000  }
0x11d: {  	[tilespmem:s5], [sflag:$0x1] =	stream.indirect.gather [hbm4b:s3+s7], $0x400, s26, s7, $0xb8;
	[tilespmem:$0x8280] =	vst v63  }
0x11e: {  	_ =	swait.ge [sflag:s10], $0x4000  }
0x11f: {  	[sflag:s10] =	ssyncset.done $0x0  }
0x120: {  	s0 =	rddreg [dreg:$0x1a];
	[sflag:s10] =	ssyncadd.s32 $0xFFFFC000  }
0x121: {  	[hbm4b:s0+s2] =	stream.linear.scatter [tilespmem:s4], [sflag:$0x4], $0x4000, $0x38;
	[tilespmem:$0x8280] =	vst v63  }
0x122: {  	_ =	swait.ge [sflag:s8], $0x4000  }
0x123: {  	[sflag:s8] =	ssyncset.done $0x0  }
0x124: {  	[sflag:s8] =	ssyncadd.s32 $0xFFFFC000  }
0x125: {  	[tilespmem:s4], [sflag:$0x2] =	stream.indirect.gather [hbm4b:s3+s7], $0x400, s25, s7, $0xb8;
	[tilespmem:$0x8280] =	vst v63  }
0x126: {  	_ =	swait.ge [sflag:s9], $0x4000  }
0x127: {  	[sflag:s9] =	ssyncset.done $0x0  }
0x128: {  	s0 =	rddreg [dreg:$0x1b];
	[sflag:s9] =	ssyncadd.s32 $0xFFFFC000  }
0x129: {  	[hbm4b:s0+s2] =	stream.linear.scatter [tilespmem:s5], [sflag:$0x3], $0x4000, $0x38;
	[tilespmem:$0x8280] =	vst v63  }
0x12a: {  	_ =	swait.ge [sflag:s6], $0x4000  }
0x12b: {  	[sflag:s6] =	ssyncset.done $0x0  }
0x12c: {  	[sflag:s6] =	ssyncadd.s32 $0xFFFFC000  }
0x12d: {  	[tilespmem:s5], [sflag:$0x1] =	stream.indirect.gather [hbm4b:s3+s7], $0x400, s24, s7, $0xb8;
	[tilespmem:$0x8280] =	vst v63  }
0x12e: {  	_ =	swait.ge [sflag:s10], $0x4000  }
0x12f: {  	[sflag:s10] =	ssyncset.done $0x0  }
0x130: {  	s0 =	rddreg [dreg:$0x1c];
	[sflag:s10] =	ssyncadd.s32 $0xFFFFC000  }
0x131: {  	[hbm4b:s0+s2] =	stream.linear.scatter [tilespmem:s4], [sflag:$0x4], $0x4000, $0x38;
	[tilespmem:$0x8280] =	vst v63  }
0x132: {  	_ =	swait.ge [sflag:s8], $0x4000  }
0x133: {  	[sflag:s8] =	ssyncset.done $0x0  }
0x134: {  	[sflag:s8] =	ssyncadd.s32 $0xFFFFC000  }
0x135: {  	[tilespmem:s4], [sflag:$0x2] =	stream.indirect.gather [hbm4b:s3+s7], $0x400, s23, s7, $0xb8;
	[tilespmem:$0x8280] =	vst v63  }
0x136: {  	_ =	swait.ge [sflag:s9], $0x4000  }
0x137: {  	[sflag:s9] =	ssyncset.done $0x0  }
0x138: {  	s0 =	rddreg [dreg:$0x1d];
	[sflag:s9] =	ssyncadd.s32 $0xFFFFC000  }
0x139: {  	[hbm4b:s0+s2] =	stream.linear.scatter [tilespmem:s5], [sflag:$0x3], $0x4000, $0x38;
	[tilespmem:$0x8280] =	vst v63  }
0x13a: {  	_ =	swait.ge [sflag:s6], $0x4000  }
0x13b: {  	[sflag:s6] =	ssyncset.done $0x0  }
0x13c: {  	[sflag:s6] =	ssyncadd.s32 $0xFFFFC000  }
0x13d: {  	[tilespmem:s5], [sflag:$0x1] =	stream.indirect.gather [hbm4b:s3+s7], $0x400, s22, s7, $0xb8;
	[tilespmem:$0x8280] =	vst v63  }
0x13e: {  	_ =	swait.ge [sflag:s10], $0x4000  }
0x13f: {  	[sflag:s10] =	ssyncset.done $0x0  }
0x140: {  	s0 =	rddreg [dreg:$0x1e];
	[sflag:s10] =	ssyncadd.s32 $0xFFFFC000  }
0x141: {  	[hbm4b:s0+s2] =	stream.linear.scatter [tilespmem:s4], [sflag:$0x4], $0x4000, $0x38;
	[tilespmem:$0x8280] =	vst v63  }
0x142: {  	_ =	swait.ge [sflag:s8], $0x4000  }
0x143: {  	[sflag:s8] =	ssyncset.done $0x0  }
0x144: {  	[sflag:s8] =	ssyncadd.s32 $0xFFFFC000  }
0x145: {  	[tilespmem:s4], [sflag:$0x2] =	stream.indirect.gather [hbm4b:s3+s7], $0x400, s21, s7, $0xb8;
	[tilespmem:$0x8280] =	vst v63  }
0x146: {  	_ =	swait.ge [sflag:s9], $0x4000  }
0x147: {  	[sflag:s9] =	ssyncset.done $0x0  }
0x148: {  	s0 =	rddreg [dreg:$0x1f];
	[sflag:s9] =	ssyncadd.s32 $0xFFFFC000  }
0x149: {  	[hbm4b:s0+s2] =	stream.linear.scatter [tilespmem:s5], [sflag:$0x3], $0x4000, $0x38;
	[tilespmem:$0x8280] =	vst v63  }
0x14a: {  	_ =	swait.ge [sflag:s6], $0x4000  }
0x14b: {  	[sflag:s6] =	ssyncset.done $0x0  }
0x14c: {  	[sflag:s6] =	ssyncadd.s32 $0xFFFFC000  }
0x14d: {  	[tilespmem:s5], [sflag:$0x1] =	stream.indirect.gather [hbm4b:s3+s7], $0x400, s20, s7, $0xb8;
	[tilespmem:$0x8280] =	vst v63  }
0x14e: {  	_ =	swait.ge [sflag:s10], $0x4000  }
0x14f: {  	s0 =	sld [smem:$0x7DF]  }
0x150: {  	[sflag:s10] =	ssyncset.done $0x0  }
0x151: {  	[sflag:s10] =	ssyncadd.s32 $0xFFFFC000  }
0x152: {  	[hbm4b:s0+s2] =	stream.linear.scatter [tilespmem:s4], [sflag:$0x4], $0x4000, $0x38;
	[tilespmem:$0x8280] =	vst v63  }
0x153: {  	_ =	swait.ge [sflag:s8], $0x4000  }
0x154: {  	[sflag:s8] =	ssyncset.done $0x0  }
0x155: {  	[sflag:s8] =	ssyncadd.s32 $0xFFFFC000  }
0x156: {  	[tilespmem:s4], [sflag:$0x2] =	stream.indirect.gather [hbm4b:s3+s7], $0x400, s19, s7, $0xb8;
	[tilespmem:$0x8280] =	vst v63  }
0x157: {  	_ =	swait.ge [sflag:s9], $0x4000  }
0x158: {  	s0 =	sld [smem:$0x7E0]  }
0x159: {  	[sflag:s9] =	ssyncset.done $0x0  }
0x15a: {  	[sflag:s9] =	ssyncadd.s32 $0xFFFFC000  }
0x15b: {  	[hbm4b:s0+s2] =	stream.linear.scatter [tilespmem:s5], [sflag:$0x3], $0x4000, $0x38;
	[tilespmem:$0x8280] =	vst v63  }
0x15c: {  	_ =	swait.ge [sflag:s6], $0x4000  }
0x15d: {  	[sflag:s6] =	ssyncset.done $0x0  }
0x15e: {  	[sflag:s6] =	ssyncadd.s32 $0xFFFFC000  }
0x15f: {  	[tilespmem:s5], [sflag:$0x1] =	stream.indirect.gather [hbm4b:s3+s7], $0x400, s18, s7, $0xb8;
	[tilespmem:$0x8280] =	vst v63  }
0x160: {  	_ =	swait.ge [sflag:s10], $0x4000  }
0x161: {  	s0 =	sld [smem:$0x7E1]  }
0x162: {  	[sflag:s10] =	ssyncset.done $0x0  }
0x163: {  	[sflag:s10] =	ssyncadd.s32 $0xFFFFC000  }
0x164: {  	[hbm4b:s0+s2] =	stream.linear.scatter [tilespmem:s4], [sflag:$0x4], $0x4000, $0x38;
	[tilespmem:$0x8280] =	vst v63  }
0x165: {  	_ =	swait.ge [sflag:s8], $0x4000  }
0x166: {  	[sflag:s8] =	ssyncset.done $0x0  }
0x167: {  	[sflag:s8] =	ssyncadd.s32 $0xFFFFC000  }
0x168: {  	[tilespmem:s4], [sflag:$0x2] =	stream.indirect.gather [hbm4b:s3+s7], $0x400, s17, s7, $0xb8;
	[tilespmem:$0x8280] =	vst v63  }
0x169: {  	_ =	swait.ge [sflag:s9], $0x4000  }
0x16a: {  	s0 =	sld [smem:$0x7E2]  }
0x16b: {  	[sflag:s9] =	ssyncset.done $0x0  }
0x16c: {  	[sflag:s9] =	ssyncadd.s32 $0xFFFFC000  }
0x16d: {  	[hbm4b:s0+s2] =	stream.linear.scatter [tilespmem:s5], [sflag:$0x3], $0x4000, $0x38;
	[tilespmem:$0x8280] =	vst v63  }
0x16e: {  	_ =	swait.ge [sflag:s6], $0x4000  }
0x16f: {  	[sflag:s6] =	ssyncset.done $0x0  }
0x170: {  	[sflag:s6] =	ssyncadd.s32 $0xFFFFC000  }
0x171: {  	[tilespmem:s5], [sflag:$0x1] =	stream.indirect.gather [hbm4b:s3+s7], $0x400, s16, s7, $0xb8;
	[tilespmem:$0x8280] =	vst v63  }
0x172: {  	_ =	swait.ge [sflag:s10], $0x4000  }
0x173: {  	s0 =	sld [smem:$0x7E3]  }
0x174: {  	[sflag:s10] =	ssyncset.done $0x0  }
0x175: {  	[sflag:s10] =	ssyncadd.s32 $0xFFFFC000  }
0x176: {  	[hbm4b:s0+s2] =	stream.linear.scatter [tilespmem:s4], [sflag:$0x4], $0x4000, $0x38;
	[tilespmem:$0x8280] =	vst v63  }
0x177: {  	_ =	swait.ge [sflag:s8], $0x4000  }
0x178: {  	[sflag:s8] =	ssyncset.done $0x0  }
0x179: {  	[sflag:s8] =	ssyncadd.s32 $0xFFFFC000  }
0x17a: {  	[tilespmem:s4], [sflag:$0x2] =	stream.indirect.gather [hbm4b:s3+s7], $0x400, s15, s7, $0xb8;
	[tilespmem:$0x8280] =	vst v63  }
0x17b: {  	_ =	swait.ge [sflag:s9], $0x4000  }
0x17c: {  	s0 =	sld [smem:$0x7E4]  }
0x17d: {  	[sflag:s9] =	ssyncset.done $0x0  }
0x17e: {  	[sflag:s9] =	ssyncadd.s32 $0xFFFFC000  }
0x17f: {  	[hbm4b:s0+s2] =	stream.linear.scatter [tilespmem:s5], [sflag:$0x3], $0x4000, $0x38;
	[tilespmem:$0x8280] =	vst v63  }
0x180: {  	_ =	swait.ge [sflag:s6], $0x4000  }
0x181: {  	[sflag:s6] =	ssyncset.done $0x0  }
0x182: {  	[sflag:s6] =	ssyncadd.s32 $0xFFFFC000  }
0x183: {  	[tilespmem:s5], [sflag:$0x1] =	stream.indirect.gather [hbm4b:s3+s7], $0x400, s14, s7, $0xb8;
	[tilespmem:$0x8280] =	vst v63  }
0x184: {  	_ =	swait.ge [sflag:s10], $0x4000  }
0x185: {  	s0 =	sld [smem:$0x7E5]  }
0x186: {  	[sflag:s10] =	ssyncset.done $0x0  }
0x187: {  	[sflag:s10] =	ssyncadd.s32 $0xFFFFC000  }
0x188: {  	[hbm4b:s0+s2] =	stream.linear.scatter [tilespmem:s4], [sflag:$0x4], $0x4000, $0x38;
	[tilespmem:$0x8280] =	vst v63  }
0x189: {  	_ =	swait.ge [sflag:s8], $0x4000  }
0x18a: {  	[sflag:s8] =	ssyncset.done $0x0  }
0x18b: {  	[sflag:s8] =	ssyncadd.s32 $0xFFFFC000  }
0x18c: {  	[tilespmem:s4], [sflag:$0x2] =	stream.indirect.gather [hbm4b:s3+s7], $0x400, s13, s7, $0xb8;
	[tilespmem:$0x8280] =	vst v63  }
0x18d: {  	_ =	swait.ge [sflag:s9], $0x4000  }
0x18e: {  	s0 =	sld [smem:$0x7E6]  }
0x18f: {  	[sflag:s9] =	ssyncset.done $0x0  }
0x190: {  	[sflag:s9] =	ssyncadd.s32 $0xFFFFC000  }
0x191: {  	[hbm4b:s0+s2] =	stream.linear.scatter [tilespmem:s5], [sflag:$0x3], $0x4000, $0x38;
	[tilespmem:$0x8280] =	vst v63  }
0x192: {  	_ =	swait.ge [sflag:s6], $0x4000  }
0x193: {  	[sflag:s6] =	ssyncset.done $0x0  }
0x194: {  	[sflag:s6] =	ssyncadd.s32 $0xFFFFC000  }
0x195: {  	[tilespmem:s5], [sflag:$0x1] =	stream.indirect.gather [hbm4b:s3+s7], $0x400, s12, s7, $0xb8;
	[tilespmem:$0x8280] =	vst v63  }
0x196: {  	_ =	swait.ge [sflag:s10], $0x4000  }
0x197: {  	s0 =	sld [smem:$0x7E7]  }
0x198: {  	[sflag:s10] =	ssyncset.done $0x0  }
0x199: {  	[sflag:s10] =	ssyncadd.s32 $0xFFFFC000  }
0x19a: {  	[hbm4b:s0+s2] =	stream.linear.scatter [tilespmem:s4], [sflag:$0x4], $0x4000, $0x38;
	[tilespmem:$0x8280] =	vst v63  }
0x19b: {  	_ =	swait.ge [sflag:s8], $0x4000  }
0x19c: {  	[sflag:s8] =	ssyncset.done $0x0  }
0x19d: {  	[sflag:s8] =	ssyncadd.s32 $0xFFFFC000  }
0x19e: {  	[tilespmem:s4], [sflag:$0x2] =	stream.indirect.gather [hbm4b:s3+s7], $0x400, s11, s7, $0xb8;
	[tilespmem:$0x8280] =	vst v63  }
0x19f: {  	_ =	swait.ge [sflag:s9], $0x4000  }
0x1a0: {  	s0 =	sld [smem:$0x7E8]  }
0x1a1: {  	[sflag:s9] =	ssyncset.done $0x0  }
0x1a2: {  	[sflag:s9] =	ssyncadd.s32 $0xFFFFC000  }
0x1a3: {  	[hbm4b:s0+s2] =	stream.linear.scatter [tilespmem:s5], [sflag:$0x3], $0x4000, $0x38;
	[tilespmem:$0x8280] =	vst v63  }
0x1a4: {  	_ =	swait.ge [sflag:s10], $0x4000  }
0x1a5: {  	s0 =	sld [smem:$0x7E9]  }
0x1a6: {  	[sflag:s10] =	ssyncset.done $0x0  }
0x1a7: {  	p1 =	sne.s32 s1, $0x1;
	[sflag:s10] =	ssyncadd.s32 $0xFFFFC000  }
0x1a8: {  	[hbm4b:s0+s2] =	stream.linear.scatter [tilespmem:s4], [sflag:$0x4], $0x4000, $0x38;
	[tilespmem:$0x8280] =	vst v63  }
.Ltmp1:
0x1a9: {  	_ =	swait.ge [sflag:s6], $0x4000;
	(pc) =	sbr.rel @!p1 .LBB2_3-.Ltmp1, $4  }
0x1aa: {  	[sflag:s6] =	ssyncset.done $0x0  }
0x1ab: {  	[sflag:s6] =	ssyncadd.s32 $0xFFFFC000  }
0x1ac: {  	s1 =	sadd.s32 $0xFFFFFFFF, s1;
	_ =	swait.ge [sflag:s8], $0x4000  }
0x1ad: {  	p0 =	por $0x1, $0x1;
	s0 =	rddreg [dreg:$0x3];
	[sflag:s8] =	ssyncset.done $0x0  }
.LBB2_2:
0x1ae: {  	[sflag:s8] =	ssyncadd.s32 $0xFFFFC000  }
0x1af: {  	[tilespmem:s2], [sflag:$0x5] =	stream.linear.gather [hbm4b:s0+s2], $0x280, $0x38;
	[tilespmem:$0x8280] =	vst v63  }
0x1b0: {  	_ =	swait.ge [sflag:s31], $0x280  }
0x1b1: {  	[sflag:s31] =	ssyncset.done $0x0  }
0x1b2: {  	[sflag:s31] =	ssyncadd.s32 $0xFFFFFD80  }
0x1b3: {  	[tilespmem:s5], [sflag:$0x1] =	stream.indirect.gather [hbm4b:s3+s7], $0x400, s2, s7, $0xb8;
	[tilespmem:$0x8280] =	vst v63  }
0x1b4: {  	_ = 	snop  }
0x1b5: {  	[tilespmem:s4], [sflag:$0x2] =	stream.indirect.gather [hbm4b:s3+s7], $0x400, s7, s7, $0xb8;
	[tilespmem:$0x8280] =	vst v63  }
0x1b6: {  	_ =	swait.ge [sflag:s9], $0x4000  }
0x1b7: {  	[sflag:s9] =	ssyncset.done $0x0  }
0x1b8: {  	[sflag:s9] =	ssyncadd.s32 $0xFFFFC000  }
0x1b9: {  	[hbm4b:s30+s2] =	stream.linear.scatter [tilespmem:s5], [sflag:$0x3], $0x4000, $0x38;
	[tilespmem:$0x8280] =	vst v63  }
0x1ba: {  	_ =	swait.ge [sflag:s6], $0x4000  }
0x1bb: {  	s0 =	sld [smem:$0x7EA]  }
0x1bc: {  	[sflag:s6] =	ssyncset.done $0x0  }
0x1bd: {  	[sflag:s6] =	ssyncadd.s32 $0xFFFFC000  }
0x1be: {  	[tilespmem:s5], [sflag:$0x1] =	stream.indirect.gather [hbm4b:s3+s7], $0x400, s0, s7, $0xb8;
	[tilespmem:$0x8280] =	vst v63  }
0x1bf: {  	_ =	swait.ge [sflag:s10], $0x4000  }
0x1c0: {  	[sflag:s10] =	ssyncset.done $0x0  }
0x1c1: {  	s0 =	rddreg [dreg:$0x4];
	[sflag:s10] =	ssyncadd.s32 $0xFFFFC000  }
0x1c2: {  	[hbm4b:s0+s2] =	stream.linear.scatter [tilespmem:s4], [sflag:$0x4], $0x4000, $0x38;
	[tilespmem:$0x8280] =	vst v63  }
0x1c3: {  	_ =	swait.ge [sflag:s8], $0x4000  }
0x1c4: {  	s0 =	sld [smem:$0x7EB]  }
0x1c5: {  	[sflag:s8] =	ssyncset.done $0x0  }
0x1c6: {  	[sflag:s8] =	ssyncadd.s32 $0xFFFFC000  }
0x1c7: {  	[tilespmem:s4], [sflag:$0x2] =	stream.indirect.gather [hbm4b:s3+s7], $0x400, s0, s7, $0xb8;
	[tilespmem:$0x8280] =	vst v63  }
0x1c8: {  	_ =	swait.ge [sflag:s9], $0x4000  }
0x1c9: {  	[sflag:s9] =	ssyncset.done $0x0  }
0x1ca: {  	s0 =	rddreg [dreg:$0x5];
	[sflag:s9] =	ssyncadd.s32 $0xFFFFC000  }
0x1cb: {  	[hbm4b:s0+s2] =	stream.linear.scatter [tilespmem:s5], [sflag:$0x3], $0x4000, $0x38;
	[tilespmem:$0x8280] =	vst v63  }
0x1cc: {  	_ =	swait.ge [sflag:s6], $0x4000  }
0x1cd: {  	s0 =	sld [smem:$0x7EC]  }
0x1ce: {  	[sflag:s6] =	ssyncset.done $0x0  }
0x1cf: {  	[sflag:s6] =	ssyncadd.s32 $0xFFFFC000  }
0x1d0: {  	[tilespmem:s5], [sflag:$0x1] =	stream.indirect.gather [hbm4b:s3+s7], $0x400, s0, s7, $0xb8;
	[tilespmem:$0x8280] =	vst v63  }
0x1d1: {  	_ =	swait.ge [sflag:s10], $0x4000  }
0x1d2: {  	[sflag:s10] =	ssyncset.done $0x0  }
0x1d3: {  	s0 =	rddreg [dreg:$0x6];
	[sflag:s10] =	ssyncadd.s32 $0xFFFFC000  }
0x1d4: {  	[hbm4b:s0+s2] =	stream.linear.scatter [tilespmem:s4], [sflag:$0x4], $0x4000, $0x38;
	[tilespmem:$0x8280] =	vst v63  }
0x1d5: {  	_ =	swait.ge [sflag:s8], $0x4000  }
0x1d6: {  	s0 =	sld [smem:$0x7ED]  }
0x1d7: {  	[sflag:s8] =	ssyncset.done $0x0  }
0x1d8: {  	[sflag:s8] =	ssyncadd.s32 $0xFFFFC000  }
0x1d9: {  	[tilespmem:s4], [sflag:$0x2] =	stream.indirect.gather [hbm4b:s3+s7], $0x400, s0, s7, $0xb8;
	[tilespmem:$0x8280] =	vst v63  }
0x1da: {  	_ =	swait.ge [sflag:s9], $0x4000  }
0x1db: {  	[sflag:s9] =	ssyncset.done $0x0  }
0x1dc: {  	s0 =	rddreg [dreg:$0x7];
	[sflag:s9] =	ssyncadd.s32 $0xFFFFC000  }
0x1dd: {  	[hbm4b:s0+s2] =	stream.linear.scatter [tilespmem:s5], [sflag:$0x3], $0x4000, $0x38;
	[tilespmem:$0x8280] =	vst v63  }
0x1de: {  	_ =	swait.ge [sflag:s6], $0x4000  }
0x1df: {  	s0 =	sld [smem:$0x7EE]  }
0x1e0: {  	[sflag:s6] =	ssyncset.done $0x0  }
0x1e1: {  	[sflag:s6] =	ssyncadd.s32 $0xFFFFC000  }
0x1e2: {  	[tilespmem:s5], [sflag:$0x1] =	stream.indirect.gather [hbm4b:s3+s7], $0x400, s0, s7, $0xb8;
	[tilespmem:$0x8280] =	vst v63  }
0x1e3: {  	_ =	swait.ge [sflag:s10], $0x4000  }
0x1e4: {  	[sflag:s10] =	ssyncset.done $0x0  }
0x1e5: {  	s0 =	rddreg [dreg:$0x8];
	[sflag:s10] =	ssyncadd.s32 $0xFFFFC000  }
0x1e6: {  	[hbm4b:s0+s2] =	stream.linear.scatter [tilespmem:s4], [sflag:$0x4], $0x4000, $0x38;
	[tilespmem:$0x8280] =	vst v63  }
0x1e7: {  	_ =	swait.ge [sflag:s8], $0x4000  }
0x1e8: {  	s0 =	sld [smem:$0x7EF]  }
0x1e9: {  	[sflag:s8] =	ssyncset.done $0x0  }
0x1ea: {  	[sflag:s8] =	ssyncadd.s32 $0xFFFFC000  }
0x1eb: {  	[tilespmem:s4], [sflag:$0x2] =	stream.indirect.gather [hbm4b:s3+s7], $0x400, s0, s7, $0xb8;
	[tilespmem:$0x8280] =	vst v63  }
0x1ec: {  	_ =	swait.ge [sflag:s9], $0x4000  }
0x1ed: {  	[sflag:s9] =	ssyncset.done $0x0  }
0x1ee: {  	s0 =	rddreg [dreg:$0x9];
	[sflag:s9] =	ssyncadd.s32 $0xFFFFC000  }
0x1ef: {  	[hbm4b:s0+s2] =	stream.linear.scatter [tilespmem:s5], [sflag:$0x3], $0x4000, $0x38;
	[tilespmem:$0x8280] =	vst v63  }
0x1f0: {  	_ =	swait.ge [sflag:s6], $0x4000  }
0x1f1: {  	s0 =	sld [smem:$0x7F0]  }
0x1f2: {  	[sflag:s6] =	ssyncset.done $0x0  }
0x1f3: {  	[sflag:s6] =	ssyncadd.s32 $0xFFFFC000  }
0x1f4: {  	[tilespmem:s5], [sflag:$0x1] =	stream.indirect.gather [hbm4b:s3+s7], $0x400, s0, s7, $0xb8;
	[tilespmem:$0x8280] =	vst v63  }
0x1f5: {  	_ =	swait.ge [sflag:s10], $0x4000  }
0x1f6: {  	[sflag:s10] =	ssyncset.done $0x0  }
0x1f7: {  	s0 =	rddreg [dreg:$0xa];
	[sflag:s10] =	ssyncadd.s32 $0xFFFFC000  }
0x1f8: {  	[hbm4b:s0+s2] =	stream.linear.scatter [tilespmem:s4], [sflag:$0x4], $0x4000, $0x38;
	[tilespmem:$0x8280] =	vst v63  }
0x1f9: {  	_ =	swait.ge [sflag:s8], $0x4000  }
0x1fa: {  	s0 =	sld [smem:$0x7F1]  }
0x1fb: {  	[sflag:s8] =	ssyncset.done $0x0  }
0x1fc: {  	[sflag:s8] =	ssyncadd.s32 $0xFFFFC000  }
0x1fd: {  	[tilespmem:s4], [sflag:$0x2] =	stream.indirect.gather [hbm4b:s3+s7], $0x400, s0, s7, $0xb8;
	[tilespmem:$0x8280] =	vst v63  }
0x1fe: {  	_ =	swait.ge [sflag:s9], $0x4000  }
0x1ff: {  	[sflag:s9] =	ssyncset.done $0x0  }
0x200: {  	s0 =	rddreg [dreg:$0xb];
	[sflag:s9] =	ssyncadd.s32 $0xFFFFC000  }
0x201: {  	[hbm4b:s0+s2] =	stream.linear.scatter [tilespmem:s5], [sflag:$0x3], $0x4000, $0x38;
	[tilespmem:$0x8280] =	vst v63  }
0x202: {  	_ =	swait.ge [sflag:s6], $0x4000  }
0x203: {  	s0 =	sld [smem:$0x7F2]  }
0x204: {  	[sflag:s6] =	ssyncset.done $0x0  }
0x205: {  	[sflag:s6] =	ssyncadd.s32 $0xFFFFC000  }
0x206: {  	[tilespmem:s5], [sflag:$0x1] =	stream.indirect.gather [hbm4b:s3+s7], $0x400, s0, s7, $0xb8;
	[tilespmem:$0x8280] =	vst v63  }
0x207: {  	_ =	swait.ge [sflag:s10], $0x4000  }
0x208: {  	[sflag:s10] =	ssyncset.done $0x0  }
0x209: {  	s0 =	rddreg [dreg:$0xc];
	[sflag:s10] =	ssyncadd.s32 $0xFFFFC000  }
0x20a: {  	[hbm4b:s0+s2] =	stream.linear.scatter [tilespmem:s4], [sflag:$0x4], $0x4000, $0x38;
	[tilespmem:$0x8280] =	vst v63  }
0x20b: {  	_ =	swait.ge [sflag:s8], $0x4000  }
0x20c: {  	s0 =	sld [smem:$0x7F3]  }
0x20d: {  	[sflag:s8] =	ssyncset.done $0x0  }
0x20e: {  	[sflag:s8] =	ssyncadd.s32 $0xFFFFC000  }
0x20f: {  	[tilespmem:s4], [sflag:$0x2] =	stream.indirect.gather [hbm4b:s3+s7], $0x400, s0, s7, $0xb8;
	[tilespmem:$0x8280] =	vst v63  }
0x210: {  	_ =	swait.ge [sflag:s9], $0x4000  }
0x211: {  	[sflag:s9] =	ssyncset.done $0x0  }
0x212: {  	s0 =	rddreg [dreg:$0xd];
	[sflag:s9] =	ssyncadd.s32 $0xFFFFC000  }
0x213: {  	[hbm4b:s0+s2] =	stream.linear.scatter [tilespmem:s5], [sflag:$0x3], $0x4000, $0x38;
	[tilespmem:$0x8280] =	vst v63  }
0x214: {  	_ =	swait.ge [sflag:s6], $0x4000  }
0x215: {  	s0 =	sld [smem:$0x7F4]  }
0x216: {  	[sflag:s6] =	ssyncset.done $0x0  }
0x217: {  	[sflag:s6] =	ssyncadd.s32 $0xFFFFC000  }
0x218: {  	[tilespmem:s5], [sflag:$0x1] =	stream.indirect.gather [hbm4b:s3+s7], $0x400, s0, s7, $0xb8;
	[tilespmem:$0x8280] =	vst v63  }
0x219: {  	_ =	swait.ge [sflag:s10], $0x4000  }
0x21a: {  	[sflag:s10] =	ssyncset.done $0x0  }
0x21b: {  	s0 =	rddreg [dreg:$0xe];
	[sflag:s10] =	ssyncadd.s32 $0xFFFFC000  }
0x21c: {  	[hbm4b:s0+s2] =	stream.linear.scatter [tilespmem:s4], [sflag:$0x4], $0x4000, $0x38;
	[tilespmem:$0x8280] =	vst v63  }
0x21d: {  	_ =	swait.ge [sflag:s8], $0x4000  }
0x21e: {  	s0 =	sld [smem:$0x7F5]  }
0x21f: {  	[sflag:s8] =	ssyncset.done $0x0  }
0x220: {  	[sflag:s8] =	ssyncadd.s32 $0xFFFFC000  }
0x221: {  	[tilespmem:s4], [sflag:$0x2] =	stream.indirect.gather [hbm4b:s3+s7], $0x400, s0, s7, $0xb8;
	[tilespmem:$0x8280] =	vst v63  }
0x222: {  	_ =	swait.ge [sflag:s9], $0x4000  }
0x223: {  	[sflag:s9] =	ssyncset.done $0x0  }
0x224: {  	s0 =	rddreg [dreg:$0xf];
	[sflag:s9] =	ssyncadd.s32 $0xFFFFC000  }
0x225: {  	[hbm4b:s0+s2] =	stream.linear.scatter [tilespmem:s5], [sflag:$0x3], $0x4000, $0x38;
	[tilespmem:$0x8280] =	vst v63  }
0x226: {  	_ =	swait.ge [sflag:s6], $0x4000  }
0x227: {  	s0 =	sld [smem:$0x7F6]  }
0x228: {  	[sflag:s6] =	ssyncset.done $0x0  }
0x229: {  	[sflag:s6] =	ssyncadd.s32 $0xFFFFC000  }
0x22a: {  	[tilespmem:s5], [sflag:$0x1] =	stream.indirect.gather [hbm4b:s3+s7], $0x400, s0, s7, $0xb8;
	[tilespmem:$0x8280] =	vst v63  }
0x22b: {  	_ =	swait.ge [sflag:s10], $0x4000  }
0x22c: {  	[sflag:s10] =	ssyncset.done $0x0  }
0x22d: {  	s0 =	rddreg [dreg:$0x10];
	[sflag:s10] =	ssyncadd.s32 $0xFFFFC000  }
0x22e: {  	[hbm4b:s0+s2] =	stream.linear.scatter [tilespmem:s4], [sflag:$0x4], $0x4000, $0x38;
	[tilespmem:$0x8280] =	vst v63  }
0x22f: {  	_ =	swait.ge [sflag:s8], $0x4000  }
0x230: {  	s0 =	sld [smem:$0x7F7]  }
0x231: {  	[sflag:s8] =	ssyncset.done $0x0  }
0x232: {  	[sflag:s8] =	ssyncadd.s32 $0xFFFFC000  }
0x233: {  	[tilespmem:s4], [sflag:$0x2] =	stream.indirect.gather [hbm4b:s3+s7], $0x400, s0, s7, $0xb8;
	[tilespmem:$0x8280] =	vst v63  }
0x234: {  	_ =	swait.ge [sflag:s9], $0x4000  }
0x235: {  	[sflag:s9] =	ssyncset.done $0x0  }
0x236: {  	s0 =	rddreg [dreg:$0x11];
	[sflag:s9] =	ssyncadd.s32 $0xFFFFC000  }
0x237: {  	[hbm4b:s0+s2] =	stream.linear.scatter [tilespmem:s5], [sflag:$0x3], $0x4000, $0x38;
	[tilespmem:$0x8280] =	vst v63  }
0x238: {  	_ =	swait.ge [sflag:s6], $0x4000  }
0x239: {  	s0 =	sld [smem:$0x7F8]  }
0x23a: {  	[sflag:s6] =	ssyncset.done $0x0  }
0x23b: {  	[sflag:s6] =	ssyncadd.s32 $0xFFFFC000  }
0x23c: {  	[tilespmem:s5], [sflag:$0x1] =	stream.indirect.gather [hbm4b:s3+s7], $0x400, s0, s7, $0xb8;
	[tilespmem:$0x8280] =	vst v63  }
0x23d: {  	_ =	swait.ge [sflag:s10], $0x4000  }
0x23e: {  	[sflag:s10] =	ssyncset.done $0x0  }
0x23f: {  	s0 =	rddreg [dreg:$0x12];
	[sflag:s10] =	ssyncadd.s32 $0xFFFFC000  }
0x240: {  	[hbm4b:s0+s2] =	stream.linear.scatter [tilespmem:s4], [sflag:$0x4], $0x4000, $0x38;
	[tilespmem:$0x8280] =	vst v63  }
0x241: {  	_ =	swait.ge [sflag:s8], $0x4000  }
0x242: {  	s0 =	sld [smem:$0x7F9]  }
0x243: {  	[sflag:s8] =	ssyncset.done $0x0  }
0x244: {  	[sflag:s8] =	ssyncadd.s32 $0xFFFFC000  }
0x245: {  	[tilespmem:s4], [sflag:$0x2] =	stream.indirect.gather [hbm4b:s3+s7], $0x400, s0, s7, $0xb8;
	[tilespmem:$0x8280] =	vst v63  }
0x246: {  	_ =	swait.ge [sflag:s9], $0x4000  }
0x247: {  	[sflag:s9] =	ssyncset.done $0x0  }
0x248: {  	s0 =	rddreg [dreg:$0x13];
	[sflag:s9] =	ssyncadd.s32 $0xFFFFC000  }
0x249: {  	[hbm4b:s0+s2] =	stream.linear.scatter [tilespmem:s5], [sflag:$0x3], $0x4000, $0x38;
	[tilespmem:$0x8280] =	vst v63  }
0x24a: {  	_ =	swait.ge [sflag:s6], $0x4000  }
0x24b: {  	s0 =	sld [smem:$0x7FA]  }
0x24c: {  	[sflag:s6] =	ssyncset.done $0x0  }
0x24d: {  	[sflag:s6] =	ssyncadd.s32 $0xFFFFC000  }
0x24e: {  	[tilespmem:s5], [sflag:$0x1] =	stream.indirect.gather [hbm4b:s3+s7], $0x400, s0, s7, $0xb8;
	[tilespmem:$0x8280] =	vst v63  }
0x24f: {  	_ =	swait.ge [sflag:s10], $0x4000  }
0x250: {  	[sflag:s10] =	ssyncset.done $0x0  }
0x251: {  	s0 =	rddreg [dreg:$0x14];
	[sflag:s10] =	ssyncadd.s32 $0xFFFFC000  }
0x252: {  	[hbm4b:s0+s2] =	stream.linear.scatter [tilespmem:s4], [sflag:$0x4], $0x4000, $0x38;
	[tilespmem:$0x8280] =	vst v63  }
0x253: {  	_ =	swait.ge [sflag:s8], $0x4000  }
0x254: {  	s0 =	sld [smem:$0x7FB]  }
0x255: {  	[sflag:s8] =	ssyncset.done $0x0  }
0x256: {  	[sflag:s8] =	ssyncadd.s32 $0xFFFFC000  }
0x257: {  	[tilespmem:s4], [sflag:$0x2] =	stream.indirect.gather [hbm4b:s3+s7], $0x400, s0, s7, $0xb8;
	[tilespmem:$0x8280] =	vst v63  }
0x258: {  	_ =	swait.ge [sflag:s9], $0x4000  }
0x259: {  	[sflag:s9] =	ssyncset.done $0x0  }
0x25a: {  	s0 =	rddreg [dreg:$0x15];
	[sflag:s9] =	ssyncadd.s32 $0xFFFFC000  }
0x25b: {  	[hbm4b:s0+s2] =	stream.linear.scatter [tilespmem:s5], [sflag:$0x3], $0x4000, $0x38;
	[tilespmem:$0x8280] =	vst v63  }
0x25c: {  	_ =	swait.ge [sflag:s6], $0x4000  }
0x25d: {  	s0 =	sld [smem:$0x7FC]  }
0x25e: {  	[sflag:s6] =	ssyncset.done $0x0  }
0x25f: {  	[sflag:s6] =	ssyncadd.s32 $0xFFFFC000  }
0x260: {  	[tilespmem:s5], [sflag:$0x1] =	stream.indirect.gather [hbm4b:s3+s7], $0x400, s0, s7, $0xb8;
	[tilespmem:$0x8280] =	vst v63  }
0x261: {  	_ =	swait.ge [sflag:s10], $0x4000  }
0x262: {  	[sflag:s10] =	ssyncset.done $0x0  }
0x263: {  	s0 =	rddreg [dreg:$0x16];
	[sflag:s10] =	ssyncadd.s32 $0xFFFFC000  }
0x264: {  	[hbm4b:s0+s2] =	stream.linear.scatter [tilespmem:s4], [sflag:$0x4], $0x4000, $0x38;
	[tilespmem:$0x8280] =	vst v63  }
0x265: {  	_ =	swait.ge [sflag:s8], $0x4000  }
0x266: {  	s0 =	sld [smem:$0x7FD]  }
0x267: {  	[sflag:s8] =	ssyncset.done $0x0  }
0x268: {  	[sflag:s8] =	ssyncadd.s32 $0xFFFFC000  }
0x269: {  	[tilespmem:s4], [sflag:$0x2] =	stream.indirect.gather [hbm4b:s3+s7], $0x400, s0, s7, $0xb8;
	[tilespmem:$0x8280] =	vst v63  }
0x26a: {  	_ =	swait.ge [sflag:s9], $0x4000  }
0x26b: {  	[sflag:s9] =	ssyncset.done $0x0  }
0x26c: {  	s0 =	rddreg [dreg:$0x17];
	[sflag:s9] =	ssyncadd.s32 $0xFFFFC000  }
0x26d: {  	[hbm4b:s0+s2] =	stream.linear.scatter [tilespmem:s5], [sflag:$0x3], $0x4000, $0x38;
	[tilespmem:$0x8280] =	vst v63  }
0x26e: {  	_ =	swait.ge [sflag:s6], $0x4000  }
0x26f: {  	[sflag:s6] =	ssyncset.done $0x0  }
0x270: {  	[sflag:s6] =	ssyncadd.s32 $0xFFFFC000  }
0x271: {  	[tilespmem:s5], [sflag:$0x1] =	stream.indirect.gather [hbm4b:s3+s7], $0x400, s29, s7, $0xb8;
	[tilespmem:$0x8280] =	vst v63  }
0x272: {  	_ =	swait.ge [sflag:s10], $0x4000  }
0x273: {  	[sflag:s10] =	ssyncset.done $0x0  }
0x274: {  	s0 =	rddreg [dreg:$0x18];
	[sflag:s10] =	ssyncadd.s32 $0xFFFFC000  }
0x275: {  	[hbm4b:s0+s2] =	stream.linear.scatter [tilespmem:s4], [sflag:$0x4], $0x4000, $0x38;
	[tilespmem:$0x8280] =	vst v63  }
0x276: {  	_ =	swait.ge [sflag:s8], $0x4000  }
0x277: {  	[sflag:s8] =	ssyncset.done $0x0  }
0x278: {  	[sflag:s8] =	ssyncadd.s32 $0xFFFFC000  }
0x279: {  	[tilespmem:s4], [sflag:$0x2] =	stream.indirect.gather [hbm4b:s3+s7], $0x400, s28, s7, $0xb8;
	[tilespmem:$0x8280] =	vst v63  }
0x27a: {  	_ =	swait.ge [sflag:s9], $0x4000  }
0x27b: {  	[sflag:s9] =	ssyncset.done $0x0  }
0x27c: {  	s0 =	rddreg [dreg:$0x19];
	[sflag:s9] =	ssyncadd.s32 $0xFFFFC000  }
0x27d: {  	[hbm4b:s0+s2] =	stream.linear.scatter [tilespmem:s5], [sflag:$0x3], $0x4000, $0x38;
	[tilespmem:$0x8280] =	vst v63  }
0x27e: {  	_ =	swait.ge [sflag:s6], $0x4000  }
0x27f: {  	[sflag:s6] =	ssyncset.done $0x0  }
0x280: {  	[sflag:s6] =	ssyncadd.s32 $0xFFFFC000  }
0x281: {  	[tilespmem:s5], [sflag:$0x1] =	stream.indirect.gather [hbm4b:s3+s7], $0x400, s26, s7, $0xb8;
	[tilespmem:$0x8280] =	vst v63  }
0x282: {  	_ =	swait.ge [sflag:s10], $0x4000  }
0x283: {  	[sflag:s10] =	ssyncset.done $0x0  }
0x284: {  	s0 =	rddreg [dreg:$0x1a];
	[sflag:s10] =	ssyncadd.s32 $0xFFFFC000  }
0x285: {  	[hbm4b:s0+s2] =	stream.linear.scatter [tilespmem:s4], [sflag:$0x4], $0x4000, $0x38;
	[tilespmem:$0x8280] =	vst v63  }
0x286: {  	_ =	swait.ge [sflag:s8], $0x4000  }
0x287: {  	[sflag:s8] =	ssyncset.done $0x0  }
0x288: {  	[sflag:s8] =	ssyncadd.s32 $0xFFFFC000  }
0x289: {  	[tilespmem:s4], [sflag:$0x2] =	stream.indirect.gather [hbm4b:s3+s7], $0x400, s25, s7, $0xb8;
	[tilespmem:$0x8280] =	vst v63  }
0x28a: {  	_ =	swait.ge [sflag:s9], $0x4000  }
0x28b: {  	[sflag:s9] =	ssyncset.done $0x0  }
0x28c: {  	s0 =	rddreg [dreg:$0x1b];
	[sflag:s9] =	ssyncadd.s32 $0xFFFFC000  }
0x28d: {  	[hbm4b:s0+s2] =	stream.linear.scatter [tilespmem:s5], [sflag:$0x3], $0x4000, $0x38;
	[tilespmem:$0x8280] =	vst v63  }
0x28e: {  	_ =	swait.ge [sflag:s6], $0x4000  }
0x28f: {  	[sflag:s6] =	ssyncset.done $0x0  }
0x290: {  	[sflag:s6] =	ssyncadd.s32 $0xFFFFC000  }
0x291: {  	[tilespmem:s5], [sflag:$0x1] =	stream.indirect.gather [hbm4b:s3+s7], $0x400, s24, s7, $0xb8;
	[tilespmem:$0x8280] =	vst v63  }
0x292: {  	_ =	swait.ge [sflag:s10], $0x4000  }
0x293: {  	[sflag:s10] =	ssyncset.done $0x0  }
0x294: {  	s0 =	rddreg [dreg:$0x1c];
	[sflag:s10] =	ssyncadd.s32 $0xFFFFC000  }
0x295: {  	[hbm4b:s0+s2] =	stream.linear.scatter [tilespmem:s4], [sflag:$0x4], $0x4000, $0x38;
	[tilespmem:$0x8280] =	vst v63  }
0x296: {  	_ =	swait.ge [sflag:s8], $0x4000  }
0x297: {  	[sflag:s8] =	ssyncset.done $0x0  }
0x298: {  	[sflag:s8] =	ssyncadd.s32 $0xFFFFC000  }
0x299: {  	[tilespmem:s4], [sflag:$0x2] =	stream.indirect.gather [hbm4b:s3+s7], $0x400, s23, s7, $0xb8;
	[tilespmem:$0x8280] =	vst v63  }
0x29a: {  	_ =	swait.ge [sflag:s9], $0x4000  }
0x29b: {  	[sflag:s9] =	ssyncset.done $0x0  }
0x29c: {  	s0 =	rddreg [dreg:$0x1d];
	[sflag:s9] =	ssyncadd.s32 $0xFFFFC000  }
0x29d: {  	[hbm4b:s0+s2] =	stream.linear.scatter [tilespmem:s5], [sflag:$0x3], $0x4000, $0x38;
	[tilespmem:$0x8280] =	vst v63  }
0x29e: {  	_ =	swait.ge [sflag:s6], $0x4000  }
0x29f: {  	[sflag:s6] =	ssyncset.done $0x0  }
0x2a0: {  	[sflag:s6] =	ssyncadd.s32 $0xFFFFC000  }
0x2a1: {  	[tilespmem:s5], [sflag:$0x1] =	stream.indirect.gather [hbm4b:s3+s7], $0x400, s22, s7, $0xb8;
	[tilespmem:$0x8280] =	vst v63  }
0x2a2: {  	_ =	swait.ge [sflag:s10], $0x4000  }
0x2a3: {  	[sflag:s10] =	ssyncset.done $0x0  }
0x2a4: {  	s0 =	rddreg [dreg:$0x1e];
	[sflag:s10] =	ssyncadd.s32 $0xFFFFC000  }
0x2a5: {  	[hbm4b:s0+s2] =	stream.linear.scatter [tilespmem:s4], [sflag:$0x4], $0x4000, $0x38;
	[tilespmem:$0x8280] =	vst v63  }
0x2a6: {  	_ =	swait.ge [sflag:s8], $0x4000  }
0x2a7: {  	[sflag:s8] =	ssyncset.done $0x0  }
0x2a8: {  	[sflag:s8] =	ssyncadd.s32 $0xFFFFC000  }
0x2a9: {  	[tilespmem:s4], [sflag:$0x2] =	stream.indirect.gather [hbm4b:s3+s7], $0x400, s21, s7, $0xb8;
	[tilespmem:$0x8280] =	vst v63  }
0x2aa: {  	_ =	swait.ge [sflag:s9], $0x4000  }
0x2ab: {  	[sflag:s9] =	ssyncset.done $0x0  }
0x2ac: {  	s0 =	rddreg [dreg:$0x1f];
	[sflag:s9] =	ssyncadd.s32 $0xFFFFC000  }
0x2ad: {  	[hbm4b:s0+s2] =	stream.linear.scatter [tilespmem:s5], [sflag:$0x3], $0x4000, $0x38;
	[tilespmem:$0x8280] =	vst v63  }
0x2ae: {  	_ =	swait.ge [sflag:s6], $0x4000  }
0x2af: {  	[sflag:s6] =	ssyncset.done $0x0  }
0x2b0: {  	[sflag:s6] =	ssyncadd.s32 $0xFFFFC000  }
0x2b1: {  	[tilespmem:s5], [sflag:$0x1] =	stream.indirect.gather [hbm4b:s3+s7], $0x400, s20, s7, $0xb8;
	[tilespmem:$0x8280] =	vst v63  }
0x2b2: {  	_ =	swait.ge [sflag:s10], $0x4000  }
0x2b3: {  	s0 =	sld [smem:$0x7DF]  }
0x2b4: {  	[sflag:s10] =	ssyncset.done $0x0  }
0x2b5: {  	[sflag:s10] =	ssyncadd.s32 $0xFFFFC000  }
0x2b6: {  	[hbm4b:s0+s2] =	stream.linear.scatter [tilespmem:s4], [sflag:$0x4], $0x4000, $0x38;
	[tilespmem:$0x8280] =	vst v63  }
0x2b7: {  	_ =	swait.ge [sflag:s8], $0x4000  }
0x2b8: {  	[sflag:s8] =	ssyncset.done $0x0  }
0x2b9: {  	[sflag:s8] =	ssyncadd.s32 $0xFFFFC000  }
0x2ba: {  	[tilespmem:s4], [sflag:$0x2] =	stream.indirect.gather [hbm4b:s3+s7], $0x400, s19, s7, $0xb8;
	[tilespmem:$0x8280] =	vst v63  }
0x2bb: {  	_ =	swait.ge [sflag:s9], $0x4000  }
0x2bc: {  	s0 =	sld [smem:$0x7E0]  }
0x2bd: {  	[sflag:s9] =	ssyncset.done $0x0  }
0x2be: {  	[sflag:s9] =	ssyncadd.s32 $0xFFFFC000  }
0x2bf: {  	[hbm4b:s0+s2] =	stream.linear.scatter [tilespmem:s5], [sflag:$0x3], $0x4000, $0x38;
	[tilespmem:$0x8280] =	vst v63  }
0x2c0: {  	_ =	swait.ge [sflag:s6], $0x4000  }
0x2c1: {  	[sflag:s6] =	ssyncset.done $0x0  }
0x2c2: {  	[sflag:s6] =	ssyncadd.s32 $0xFFFFC000  }
0x2c3: {  	[tilespmem:s5], [sflag:$0x1] =	stream.indirect.gather [hbm4b:s3+s7], $0x400, s18, s7, $0xb8;
	[tilespmem:$0x8280] =	vst v63  }
0x2c4: {  	_ =	swait.ge [sflag:s10], $0x4000  }
0x2c5: {  	s0 =	sld [smem:$0x7E1]  }
0x2c6: {  	[sflag:s10] =	ssyncset.done $0x0  }
0x2c7: {  	[sflag:s10] =	ssyncadd.s32 $0xFFFFC000  }
0x2c8: {  	[hbm4b:s0+s2] =	stream.linear.scatter [tilespmem:s4], [sflag:$0x4], $0x4000, $0x38;
	[tilespmem:$0x8280] =	vst v63  }
0x2c9: {  	_ =	swait.ge [sflag:s8], $0x4000  }
0x2ca: {  	[sflag:s8] =	ssyncset.done $0x0  }
0x2cb: {  	[sflag:s8] =	ssyncadd.s32 $0xFFFFC000  }
0x2cc: {  	[tilespmem:s4], [sflag:$0x2] =	stream.indirect.gather [hbm4b:s3+s7], $0x400, s17, s7, $0xb8;
	[tilespmem:$0x8280] =	vst v63  }
0x2cd: {  	_ =	swait.ge [sflag:s9], $0x4000  }
0x2ce: {  	s0 =	sld [smem:$0x7E2]  }
0x2cf: {  	[sflag:s9] =	ssyncset.done $0x0  }
0x2d0: {  	[sflag:s9] =	ssyncadd.s32 $0xFFFFC000  }
0x2d1: {  	[hbm4b:s0+s2] =	stream.linear.scatter [tilespmem:s5], [sflag:$0x3], $0x4000, $0x38;
	[tilespmem:$0x8280] =	vst v63  }
0x2d2: {  	_ =	swait.ge [sflag:s6], $0x4000  }
0x2d3: {  	[sflag:s6] =	ssyncset.done $0x0  }
0x2d4: {  	[sflag:s6] =	ssyncadd.s32 $0xFFFFC000  }
0x2d5: {  	[tilespmem:s5], [sflag:$0x1] =	stream.indirect.gather [hbm4b:s3+s7], $0x400, s16, s7, $0xb8;
	[tilespmem:$0x8280] =	vst v63  }
0x2d6: {  	_ =	swait.ge [sflag:s10], $0x4000  }
0x2d7: {  	s0 =	sld [smem:$0x7E3]  }
0x2d8: {  	[sflag:s10] =	ssyncset.done $0x0  }
0x2d9: {  	[sflag:s10] =	ssyncadd.s32 $0xFFFFC000  }
0x2da: {  	[hbm4b:s0+s2] =	stream.linear.scatter [tilespmem:s4], [sflag:$0x4], $0x4000, $0x38;
	[tilespmem:$0x8280] =	vst v63  }
0x2db: {  	_ =	swait.ge [sflag:s8], $0x4000  }
0x2dc: {  	[sflag:s8] =	ssyncset.done $0x0  }
0x2dd: {  	[sflag:s8] =	ssyncadd.s32 $0xFFFFC000  }
0x2de: {  	[tilespmem:s4], [sflag:$0x2] =	stream.indirect.gather [hbm4b:s3+s7], $0x400, s15, s7, $0xb8;
	[tilespmem:$0x8280] =	vst v63  }
0x2df: {  	_ =	swait.ge [sflag:s9], $0x4000  }
0x2e0: {  	s0 =	sld [smem:$0x7E4]  }
0x2e1: {  	[sflag:s9] =	ssyncset.done $0x0  }
0x2e2: {  	[sflag:s9] =	ssyncadd.s32 $0xFFFFC000  }
0x2e3: {  	[hbm4b:s0+s2] =	stream.linear.scatter [tilespmem:s5], [sflag:$0x3], $0x4000, $0x38;
	[tilespmem:$0x8280] =	vst v63  }
0x2e4: {  	_ =	swait.ge [sflag:s6], $0x4000  }
0x2e5: {  	[sflag:s6] =	ssyncset.done $0x0  }
0x2e6: {  	[sflag:s6] =	ssyncadd.s32 $0xFFFFC000  }
0x2e7: {  	[tilespmem:s5], [sflag:$0x1] =	stream.indirect.gather [hbm4b:s3+s7], $0x400, s14, s7, $0xb8;
	[tilespmem:$0x8280] =	vst v63  }
0x2e8: {  	_ =	swait.ge [sflag:s10], $0x4000  }
0x2e9: {  	s0 =	sld [smem:$0x7E5]  }
0x2ea: {  	[sflag:s10] =	ssyncset.done $0x0  }
0x2eb: {  	[sflag:s10] =	ssyncadd.s32 $0xFFFFC000  }
0x2ec: {  	[hbm4b:s0+s2] =	stream.linear.scatter [tilespmem:s4], [sflag:$0x4], $0x4000, $0x38;
	[tilespmem:$0x8280] =	vst v63  }
0x2ed: {  	_ =	swait.ge [sflag:s8], $0x4000  }
0x2ee: {  	[sflag:s8] =	ssyncset.done $0x0  }
0x2ef: {  	[sflag:s8] =	ssyncadd.s32 $0xFFFFC000  }
0x2f0: {  	[tilespmem:s4], [sflag:$0x2] =	stream.indirect.gather [hbm4b:s3+s7], $0x400, s13, s7, $0xb8;
	[tilespmem:$0x8280] =	vst v63  }
0x2f1: {  	_ =	swait.ge [sflag:s9], $0x4000  }
0x2f2: {  	s0 =	sld [smem:$0x7E6]  }
0x2f3: {  	[sflag:s9] =	ssyncset.done $0x0  }
0x2f4: {  	[sflag:s9] =	ssyncadd.s32 $0xFFFFC000  }
0x2f5: {  	[hbm4b:s0+s2] =	stream.linear.scatter [tilespmem:s5], [sflag:$0x3], $0x4000, $0x38;
	[tilespmem:$0x8280] =	vst v63  }
0x2f6: {  	_ =	swait.ge [sflag:s6], $0x4000  }
0x2f7: {  	[sflag:s6] =	ssyncset.done $0x0  }
0x2f8: {  	[sflag:s6] =	ssyncadd.s32 $0xFFFFC000  }
0x2f9: {  	[tilespmem:s5], [sflag:$0x1] =	stream.indirect.gather [hbm4b:s3+s7], $0x400, s12, s7, $0xb8;
	[tilespmem:$0x8280] =	vst v63  }
0x2fa: {  	_ =	swait.ge [sflag:s10], $0x4000  }
0x2fb: {  	s0 =	sld [smem:$0x7E7]  }
0x2fc: {  	[sflag:s10] =	ssyncset.done $0x0  }
0x2fd: {  	[sflag:s10] =	ssyncadd.s32 $0xFFFFC000  }
0x2fe: {  	[hbm4b:s0+s2] =	stream.linear.scatter [tilespmem:s4], [sflag:$0x4], $0x4000, $0x38;
	[tilespmem:$0x8280] =	vst v63  }
0x2ff: {  	_ =	swait.ge [sflag:s8], $0x4000  }
0x300: {  	[sflag:s8] =	ssyncset.done $0x0  }
0x301: {  	[sflag:s8] =	ssyncadd.s32 $0xFFFFC000  }
0x302: {  	[tilespmem:s4], [sflag:$0x2] =	stream.indirect.gather [hbm4b:s3+s7], $0x400, s11, s7, $0xb8;
	[tilespmem:$0x8280] =	vst v63  }
0x303: {  	_ =	swait.ge [sflag:s9], $0x4000  }
0x304: {  	s0 =	sld [smem:$0x7E8]  }
0x305: {  	[sflag:s9] =	ssyncset.done $0x0  }
0x306: {  	[sflag:s9] =	ssyncadd.s32 $0xFFFFC000  }
0x307: {  	[hbm4b:s0+s2] =	stream.linear.scatter [tilespmem:s5], [sflag:$0x3], $0x4000, $0x38;
	[tilespmem:$0x8280] =	vst v63  }
0x308: {  	_ =	swait.ge [sflag:s10], $0x4000  }
0x309: {  	s0 =	sld [smem:$0x7E9]  }
0x30a: {  	[sflag:s10] =	ssyncset.done $0x0  }
0x30b: {  	p1 =	sne.s32 s1, $0x1;
	[sflag:s10] =	ssyncadd.s32 $0xFFFFC000  }
0x30c: {  	[hbm4b:s0+s2] =	stream.linear.scatter [tilespmem:s4], [sflag:$0x4], $0x4000, $0x38;
	[tilespmem:$0x8280] =	vst v63  }
.Ltmp2:
0x30d: {  	_ =	swait.ge [sflag:s6], $0x4000;
	(pc) =	sbr.rel @p1 .LBB2_2-.Ltmp2, $4  }
0x30e: {  	[sflag:s6] =	ssyncset.done $0x0  }
0x30f: {  	[sflag:s6] =	ssyncadd.s32 $0xFFFFC000  }
0x310: {  	_ =	swait.ge [sflag:s8], $0x4000  }
0x311: {  	s1 =	sadd.s32 $0xFFFFFFFF, s1;
	s0 =	rddreg [dreg:$0x3];
	[sflag:s8] =	ssyncset.done $0x0  }
.LBB2_3:
0x312: {  	[sflag:s8] =	ssyncadd.s32 @p0 $0xFFFFC000  }
0x313: {  	[tilespmem:s2], [sflag:$0x5] =	stream.linear.gather [hbm4b:s0+s2], $0x280, $0x38;
	[tilespmem:$0x8280] =	vst v63  }
0x314: {  	_ =	swait.ge [sflag:s31], $0x280  }
0x315: {  	[sflag:s31] =	ssyncset.done $0x0  }
0x316: {  	[sflag:s31] =	ssyncadd.s32 $0xFFFFFD80  }
0x317: {  	[tilespmem:s5], [sflag:$0x1] =	stream.indirect.gather [hbm4b:s3+s7], $0x400, s2, s7, $0xb8;
	[tilespmem:$0x8280] =	vst v63  }
0x318: {  	_ = 	snop  }
0x319: {  	[tilespmem:s4], [sflag:$0x2] =	stream.indirect.gather [hbm4b:s3+s7], $0x400, s7, s7, $0xb8;
	[tilespmem:$0x8280] =	vst v63  }
0x31a: {  	_ =	swait.ge [sflag:s9], $0x4000  }
0x31b: {  	[sflag:s9] =	ssyncset.done $0x0  }
0x31c: {  	[sflag:s9] =	ssyncadd.s32 $0xFFFFC000  }
0x31d: {  	[hbm4b:s30+s2] =	stream.linear.scatter [tilespmem:s5], [sflag:$0x3], $0x4000, $0x38;
	[tilespmem:$0x8280] =	vst v63  }
0x31e: {  	_ =	swait.ge [sflag:s6], $0x4000  }
0x31f: {  	s1 =	sld [smem:$0x7EA]  }
0x320: {  	[sflag:s6] =	ssyncset.done $0x0  }
0x321: {  	[sflag:s6] =	ssyncadd.s32 $0xFFFFC000  }
0x322: {  	[tilespmem:s5], [sflag:$0x1] =	stream.indirect.gather [hbm4b:s3+s7], $0x400, s1, s7, $0xb8;
	[tilespmem:$0x8280] =	vst v63  }
0x323: {  	_ =	swait.ge [sflag:s10], $0x4000  }
0x324: {  	[sflag:s10] =	ssyncset.done $0x0  }
0x325: {  	s30 =	rddreg [dreg:$0x4];
	[sflag:s10] =	ssyncadd.s32 $0xFFFFC000  }
0x326: {  	[hbm4b:s30+s2] =	stream.linear.scatter [tilespmem:s4], [sflag:$0x4], $0x4000, $0x38;
	[tilespmem:$0x8280] =	vst v63  }
0x327: {  	_ =	swait.ge [sflag:s8], $0x4000  }
0x328: {  	s31 =	sld [smem:$0x7EB]  }
0x329: {  	[sflag:s8] =	ssyncset.done $0x0  }
0x32a: {  	[sflag:s8] =	ssyncadd.s32 $0xFFFFC000  }
0x32b: {  	[tilespmem:s4], [sflag:$0x2] =	stream.indirect.gather [hbm4b:s3+s7], $0x400, s31, s7, $0xb8;
	[tilespmem:$0x8280] =	vst v63  }
0x32c: {  	_ =	swait.ge [sflag:s9], $0x4000  }
0x32d: {  	[sflag:s9] =	ssyncset.done $0x0  }
0x32e: {  	s1 =	rddreg [dreg:$0x5];
	[sflag:s9] =	ssyncadd.s32 $0xFFFFC000  }
0x32f: {  	[hbm4b:s1+s2] =	stream.linear.scatter [tilespmem:s5], [sflag:$0x3], $0x4000, $0x38;
	[tilespmem:$0x8280] =	vst v63  }
0x330: {  	_ =	swait.ge [sflag:s6], $0x4000  }
0x331: {  	s30 =	sld [smem:$0x7EC]  }
0x332: {  	[sflag:s6] =	ssyncset.done $0x0  }
0x333: {  	[sflag:s6] =	ssyncadd.s32 $0xFFFFC000  }
0x334: {  	[tilespmem:s5], [sflag:$0x1] =	stream.indirect.gather [hbm4b:s3+s7], $0x400, s30, s7, $0xb8;
	[tilespmem:$0x8280] =	vst v63  }
0x335: {  	_ =	swait.ge [sflag:s10], $0x4000  }
0x336: {  	[sflag:s10] =	ssyncset.done $0x0  }
0x337: {  	s31 =	rddreg [dreg:$0x6];
	[sflag:s10] =	ssyncadd.s32 $0xFFFFC000  }
0x338: {  	[hbm4b:s31+s2] =	stream.linear.scatter [tilespmem:s4], [sflag:$0x4], $0x4000, $0x38;
	[tilespmem:$0x8280] =	vst v63  }
0x339: {  	_ =	swait.ge [sflag:s8], $0x4000  }
0x33a: {  	s1 =	sld [smem:$0x7ED]  }
0x33b: {  	[sflag:s8] =	ssyncset.done $0x0  }
0x33c: {  	[sflag:s8] =	ssyncadd.s32 $0xFFFFC000  }
0x33d: {  	[tilespmem:s4], [sflag:$0x2] =	stream.indirect.gather [hbm4b:s3+s7], $0x400, s1, s7, $0xb8;
	[tilespmem:$0x8280] =	vst v63  }
0x33e: {  	_ =	swait.ge [sflag:s9], $0x4000  }
0x33f: {  	[sflag:s9] =	ssyncset.done $0x0  }
0x340: {  	s30 =	rddreg [dreg:$0x7];
	[sflag:s9] =	ssyncadd.s32 $0xFFFFC000  }
0x341: {  	[hbm4b:s30+s2] =	stream.linear.scatter [tilespmem:s5], [sflag:$0x3], $0x4000, $0x38;
	[tilespmem:$0x8280] =	vst v63  }
0x342: {  	_ =	swait.ge [sflag:s6], $0x4000  }
0x343: {  	s31 =	sld [smem:$0x7EE]  }
0x344: {  	[sflag:s6] =	ssyncset.done $0x0  }
0x345: {  	[sflag:s6] =	ssyncadd.s32 $0xFFFFC000  }
0x346: {  	[tilespmem:s5], [sflag:$0x1] =	stream.indirect.gather [hbm4b:s3+s7], $0x400, s31, s7, $0xb8;
	[tilespmem:$0x8280] =	vst v63  }
0x347: {  	_ =	swait.ge [sflag:s10], $0x4000  }
0x348: {  	[sflag:s10] =	ssyncset.done $0x0  }
0x349: {  	s1 =	rddreg [dreg:$0x8];
	[sflag:s10] =	ssyncadd.s32 $0xFFFFC000  }
0x34a: {  	[hbm4b:s1+s2] =	stream.linear.scatter [tilespmem:s4], [sflag:$0x4], $0x4000, $0x38;
	[tilespmem:$0x8280] =	vst v63  }
0x34b: {  	_ =	swait.ge [sflag:s8], $0x4000  }
0x34c: {  	s30 =	sld [smem:$0x7EF]  }
0x34d: {  	[sflag:s8] =	ssyncset.done $0x0  }
0x34e: {  	[sflag:s8] =	ssyncadd.s32 $0xFFFFC000  }
0x34f: {  	[tilespmem:s4], [sflag:$0x2] =	stream.indirect.gather [hbm4b:s3+s7], $0x400, s30, s7, $0xb8;
	[tilespmem:$0x8280] =	vst v63  }
0x350: {  	_ =	swait.ge [sflag:s9], $0x4000  }
0x351: {  	[sflag:s9] =	ssyncset.done $0x0  }
0x352: {  	s31 =	rddreg [dreg:$0x9];
	[sflag:s9] =	ssyncadd.s32 $0xFFFFC000  }
0x353: {  	[hbm4b:s31+s2] =	stream.linear.scatter [tilespmem:s5], [sflag:$0x3], $0x4000, $0x38;
	[tilespmem:$0x8280] =	vst v63  }
0x354: {  	_ =	swait.ge [sflag:s6], $0x4000  }
0x355: {  	s1 =	sld [smem:$0x7F0]  }
0x356: {  	[sflag:s6] =	ssyncset.done $0x0  }
0x357: {  	[sflag:s6] =	ssyncadd.s32 $0xFFFFC000  }
0x358: {  	[tilespmem:s5], [sflag:$0x1] =	stream.indirect.gather [hbm4b:s3+s7], $0x400, s1, s7, $0xb8;
	[tilespmem:$0x8280] =	vst v63  }
0x359: {  	_ =	swait.ge [sflag:s10], $0x4000  }
0x35a: {  	[sflag:s10] =	ssyncset.done $0x0  }
0x35b: {  	s30 =	rddreg [dreg:$0xa];
	[sflag:s10] =	ssyncadd.s32 $0xFFFFC000  }
0x35c: {  	[hbm4b:s30+s2] =	stream.linear.scatter [tilespmem:s4], [sflag:$0x4], $0x4000, $0x38;
	[tilespmem:$0x8280] =	vst v63  }
0x35d: {  	_ =	swait.ge [sflag:s8], $0x4000  }
0x35e: {  	s31 =	sld [smem:$0x7F1]  }
0x35f: {  	[sflag:s8] =	ssyncset.done $0x0  }
0x360: {  	[sflag:s8] =	ssyncadd.s32 $0xFFFFC000  }
0x361: {  	[tilespmem:s4], [sflag:$0x2] =	stream.indirect.gather [hbm4b:s3+s7], $0x400, s31, s7, $0xb8;
	[tilespmem:$0x8280] =	vst v63  }
0x362: {  	_ =	swait.ge [sflag:s9], $0x4000  }
0x363: {  	[sflag:s9] =	ssyncset.done $0x0  }
0x364: {  	s1 =	rddreg [dreg:$0xb];
	[sflag:s9] =	ssyncadd.s32 $0xFFFFC000  }
0x365: {  	[hbm4b:s1+s2] =	stream.linear.scatter [tilespmem:s5], [sflag:$0x3], $0x4000, $0x38;
	[tilespmem:$0x8280] =	vst v63  }
0x366: {  	_ =	swait.ge [sflag:s6], $0x4000  }
0x367: {  	s30 =	sld [smem:$0x7F2]  }
0x368: {  	[sflag:s6] =	ssyncset.done $0x0  }
0x369: {  	[sflag:s6] =	ssyncadd.s32 $0xFFFFC000  }
0x36a: {  	[tilespmem:s5], [sflag:$0x1] =	stream.indirect.gather [hbm4b:s3+s7], $0x400, s30, s7, $0xb8;
	[tilespmem:$0x8280] =	vst v63  }
0x36b: {  	_ =	swait.ge [sflag:s10], $0x4000  }
0x36c: {  	[sflag:s10] =	ssyncset.done $0x0  }
0x36d: {  	s31 =	rddreg [dreg:$0xc];
	[sflag:s10] =	ssyncadd.s32 $0xFFFFC000  }
0x36e: {  	[hbm4b:s31+s2] =	stream.linear.scatter [tilespmem:s4], [sflag:$0x4], $0x4000, $0x38;
	[tilespmem:$0x8280] =	vst v63  }
0x36f: {  	_ =	swait.ge [sflag:s8], $0x4000  }
0x370: {  	s1 =	sld [smem:$0x7F3]  }
0x371: {  	[sflag:s8] =	ssyncset.done $0x0  }
0x372: {  	[sflag:s8] =	ssyncadd.s32 $0xFFFFC000  }
0x373: {  	[tilespmem:s4], [sflag:$0x2] =	stream.indirect.gather [hbm4b:s3+s7], $0x400, s1, s7, $0xb8;
	[tilespmem:$0x8280] =	vst v63  }
0x374: {  	_ =	swait.ge [sflag:s9], $0x4000  }
0x375: {  	[sflag:s9] =	ssyncset.done $0x0  }
0x376: {  	s30 =	rddreg [dreg:$0xd];
	[sflag:s9] =	ssyncadd.s32 $0xFFFFC000  }
0x377: {  	[hbm4b:s30+s2] =	stream.linear.scatter [tilespmem:s5], [sflag:$0x3], $0x4000, $0x38;
	[tilespmem:$0x8280] =	vst v63  }
0x378: {  	_ =	swait.ge [sflag:s6], $0x4000  }
0x379: {  	s31 =	sld [smem:$0x7F4]  }
0x37a: {  	[sflag:s6] =	ssyncset.done $0x0  }
0x37b: {  	[sflag:s6] =	ssyncadd.s32 $0xFFFFC000  }
0x37c: {  	[tilespmem:s5], [sflag:$0x1] =	stream.indirect.gather [hbm4b:s3+s7], $0x400, s31, s7, $0xb8;
	[tilespmem:$0x8280] =	vst v63  }
0x37d: {  	_ =	swait.ge [sflag:s10], $0x4000  }
0x37e: {  	[sflag:s10] =	ssyncset.done $0x0  }
0x37f: {  	s1 =	rddreg [dreg:$0xe];
	[sflag:s10] =	ssyncadd.s32 $0xFFFFC000  }
0x380: {  	[hbm4b:s1+s2] =	stream.linear.scatter [tilespmem:s4], [sflag:$0x4], $0x4000, $0x38;
	[tilespmem:$0x8280] =	vst v63  }
0x381: {  	_ =	swait.ge [sflag:s8], $0x4000  }
0x382: {  	s30 =	sld [smem:$0x7F5]  }
0x383: {  	[sflag:s8] =	ssyncset.done $0x0  }
0x384: {  	[sflag:s8] =	ssyncadd.s32 $0xFFFFC000  }
0x385: {  	[tilespmem:s4], [sflag:$0x2] =	stream.indirect.gather [hbm4b:s3+s7], $0x400, s30, s7, $0xb8;
	[tilespmem:$0x8280] =	vst v63  }
0x386: {  	_ =	swait.ge [sflag:s9], $0x4000  }
0x387: {  	[sflag:s9] =	ssyncset.done $0x0  }
0x388: {  	s31 =	rddreg [dreg:$0xf];
	[sflag:s9] =	ssyncadd.s32 $0xFFFFC000  }
0x389: {  	[hbm4b:s31+s2] =	stream.linear.scatter [tilespmem:s5], [sflag:$0x3], $0x4000, $0x38;
	[tilespmem:$0x8280] =	vst v63  }
0x38a: {  	_ =	swait.ge [sflag:s6], $0x4000  }
0x38b: {  	s1 =	sld [smem:$0x7F6]  }
0x38c: {  	[sflag:s6] =	ssyncset.done $0x0  }
0x38d: {  	[sflag:s6] =	ssyncadd.s32 $0xFFFFC000  }
0x38e: {  	[tilespmem:s5], [sflag:$0x1] =	stream.indirect.gather [hbm4b:s3+s7], $0x400, s1, s7, $0xb8;
	[tilespmem:$0x8280] =	vst v63  }
0x38f: {  	_ =	swait.ge [sflag:s10], $0x4000  }
0x390: {  	[sflag:s10] =	ssyncset.done $0x0  }
0x391: {  	s30 =	rddreg [dreg:$0x10];
	[sflag:s10] =	ssyncadd.s32 $0xFFFFC000  }
0x392: {  	[hbm4b:s30+s2] =	stream.linear.scatter [tilespmem:s4], [sflag:$0x4], $0x4000, $0x38;
	[tilespmem:$0x8280] =	vst v63  }
0x393: {  	_ =	swait.ge [sflag:s8], $0x4000  }
0x394: {  	s31 =	sld [smem:$0x7F7]  }
0x395: {  	[sflag:s8] =	ssyncset.done $0x0  }
0x396: {  	[sflag:s8] =	ssyncadd.s32 $0xFFFFC000  }
0x397: {  	[tilespmem:s4], [sflag:$0x2] =	stream.indirect.gather [hbm4b:s3+s7], $0x400, s31, s7, $0xb8;
	[tilespmem:$0x8280] =	vst v63  }
0x398: {  	_ =	swait.ge [sflag:s9], $0x4000  }
0x399: {  	[sflag:s9] =	ssyncset.done $0x0  }
0x39a: {  	s1 =	rddreg [dreg:$0x11];
	[sflag:s9] =	ssyncadd.s32 $0xFFFFC000  }
0x39b: {  	[hbm4b:s1+s2] =	stream.linear.scatter [tilespmem:s5], [sflag:$0x3], $0x4000, $0x38;
	[tilespmem:$0x8280] =	vst v63  }
0x39c: {  	_ =	swait.ge [sflag:s6], $0x4000  }
0x39d: {  	s30 =	sld [smem:$0x7F8]  }
0x39e: {  	[sflag:s6] =	ssyncset.done $0x0  }
0x39f: {  	[sflag:s6] =	ssyncadd.s32 $0xFFFFC000  }
0x3a0: {  	[tilespmem:s5], [sflag:$0x1] =	stream.indirect.gather [hbm4b:s3+s7], $0x400, s30, s7, $0xb8;
	[tilespmem:$0x8280] =	vst v63  }
0x3a1: {  	_ =	swait.ge [sflag:s10], $0x4000  }
0x3a2: {  	[sflag:s10] =	ssyncset.done $0x0  }
0x3a3: {  	s31 =	rddreg [dreg:$0x12];
	[sflag:s10] =	ssyncadd.s32 $0xFFFFC000  }
0x3a4: {  	[hbm4b:s31+s2] =	stream.linear.scatter [tilespmem:s4], [sflag:$0x4], $0x4000, $0x38;
	[tilespmem:$0x8280] =	vst v63  }
0x3a5: {  	_ =	swait.ge [sflag:s8], $0x4000  }
0x3a6: {  	s1 =	sld [smem:$0x7F9]  }
0x3a7: {  	[sflag:s8] =	ssyncset.done $0x0  }
0x3a8: {  	[sflag:s8] =	ssyncadd.s32 $0xFFFFC000  }
0x3a9: {  	[tilespmem:s4], [sflag:$0x2] =	stream.indirect.gather [hbm4b:s3+s7], $0x400, s1, s7, $0xb8;
	[tilespmem:$0x8280] =	vst v63  }
0x3aa: {  	_ =	swait.ge [sflag:s9], $0x4000  }
0x3ab: {  	[sflag:s9] =	ssyncset.done $0x0  }
0x3ac: {  	s30 =	rddreg [dreg:$0x13];
	[sflag:s9] =	ssyncadd.s32 $0xFFFFC000  }
0x3ad: {  	[hbm4b:s30+s2] =	stream.linear.scatter [tilespmem:s5], [sflag:$0x3], $0x4000, $0x38;
	[tilespmem:$0x8280] =	vst v63  }
0x3ae: {  	_ =	swait.ge [sflag:s6], $0x4000  }
0x3af: {  	s31 =	sld [smem:$0x7FA]  }
0x3b0: {  	[sflag:s6] =	ssyncset.done $0x0  }
0x3b1: {  	[sflag:s6] =	ssyncadd.s32 $0xFFFFC000  }
0x3b2: {  	[tilespmem:s5], [sflag:$0x1] =	stream.indirect.gather [hbm4b:s3+s7], $0x400, s31, s7, $0xb8;
	[tilespmem:$0x8280] =	vst v63  }
0x3b3: {  	_ =	swait.ge [sflag:s10], $0x4000  }
0x3b4: {  	[sflag:s10] =	ssyncset.done $0x0  }
0x3b5: {  	s1 =	rddreg [dreg:$0x14];
	[sflag:s10] =	ssyncadd.s32 $0xFFFFC000  }
0x3b6: {  	[hbm4b:s1+s2] =	stream.linear.scatter [tilespmem:s4], [sflag:$0x4], $0x4000, $0x38;
	[tilespmem:$0x8280] =	vst v63  }
0x3b7: {  	_ =	swait.ge [sflag:s8], $0x4000  }
0x3b8: {  	s30 =	sld [smem:$0x7FB]  }
0x3b9: {  	[sflag:s8] =	ssyncset.done $0x0  }
0x3ba: {  	[sflag:s8] =	ssyncadd.s32 $0xFFFFC000  }
0x3bb: {  	[tilespmem:s4], [sflag:$0x2] =	stream.indirect.gather [hbm4b:s3+s7], $0x400, s30, s7, $0xb8;
	[tilespmem:$0x8280] =	vst v63  }
0x3bc: {  	_ =	swait.ge [sflag:s9], $0x4000  }
0x3bd: {  	[sflag:s9] =	ssyncset.done $0x0  }
0x3be: {  	s31 =	rddreg [dreg:$0x15];
	[sflag:s9] =	ssyncadd.s32 $0xFFFFC000  }
0x3bf: {  	[hbm4b:s31+s2] =	stream.linear.scatter [tilespmem:s5], [sflag:$0x3], $0x4000, $0x38;
	[tilespmem:$0x8280] =	vst v63  }
0x3c0: {  	_ =	swait.ge [sflag:s6], $0x4000  }
0x3c1: {  	s1 =	sld [smem:$0x7FC]  }
0x3c2: {  	[sflag:s6] =	ssyncset.done $0x0  }
0x3c3: {  	[sflag:s6] =	ssyncadd.s32 $0xFFFFC000  }
0x3c4: {  	[tilespmem:s5], [sflag:$0x1] =	stream.indirect.gather [hbm4b:s3+s7], $0x400, s1, s7, $0xb8;
	[tilespmem:$0x8280] =	vst v63  }
0x3c5: {  	_ =	swait.ge [sflag:s10], $0x4000  }
0x3c6: {  	[sflag:s10] =	ssyncset.done $0x0  }
0x3c7: {  	s30 =	rddreg [dreg:$0x16];
	[sflag:s10] =	ssyncadd.s32 $0xFFFFC000  }
0x3c8: {  	[hbm4b:s30+s2] =	stream.linear.scatter [tilespmem:s4], [sflag:$0x4], $0x4000, $0x38;
	[tilespmem:$0x8280] =	vst v63  }
0x3c9: {  	_ =	swait.ge [sflag:s8], $0x4000  }
0x3ca: {  	s31 =	sld [smem:$0x7FD]  }
0x3cb: {  	[sflag:s8] =	ssyncset.done $0x0  }
0x3cc: {  	[sflag:s8] =	ssyncadd.s32 $0xFFFFC000  }
0x3cd: {  	[tilespmem:s4], [sflag:$0x2] =	stream.indirect.gather [hbm4b:s3+s7], $0x400, s31, s7, $0xb8;
	[tilespmem:$0x8280] =	vst v63  }
0x3ce: {  	_ =	swait.ge [sflag:s9], $0x4000  }
0x3cf: {  	[sflag:s9] =	ssyncset.done $0x0  }
0x3d0: {  	s1 =	rddreg [dreg:$0x17];
	[sflag:s9] =	ssyncadd.s32 $0xFFFFC000  }
0x3d1: {  	[hbm4b:s1+s2] =	stream.linear.scatter [tilespmem:s5], [sflag:$0x3], $0x4000, $0x38;
	[tilespmem:$0x8280] =	vst v63  }
0x3d2: {  	_ =	swait.ge [sflag:s6], $0x4000  }
0x3d3: {  	[sflag:s6] =	ssyncset.done $0x0  }
0x3d4: {  	[sflag:s6] =	ssyncadd.s32 $0xFFFFC000  }
0x3d5: {  	[tilespmem:s5], [sflag:$0x1] =	stream.indirect.gather [hbm4b:s3+s7], $0x400, s29, s7, $0xb8;
	[tilespmem:$0x8280] =	vst v63  }
0x3d6: {  	_ =	swait.ge [sflag:s10], $0x4000  }
0x3d7: {  	[sflag:s10] =	ssyncset.done $0x0  }
0x3d8: {  	s30 =	rddreg [dreg:$0x18];
	[sflag:s10] =	ssyncadd.s32 $0xFFFFC000  }
0x3d9: {  	[hbm4b:s30+s2] =	stream.linear.scatter [tilespmem:s4], [sflag:$0x4], $0x4000, $0x38;
	[tilespmem:$0x8280] =	vst v63  }
0x3da: {  	_ =	swait.ge [sflag:s8], $0x4000  }
0x3db: {  	[sflag:s8] =	ssyncset.done $0x0  }
0x3dc: {  	[sflag:s8] =	ssyncadd.s32 $0xFFFFC000  }
0x3dd: {  	[tilespmem:s4], [sflag:$0x2] =	stream.indirect.gather [hbm4b:s3+s7], $0x400, s28, s7, $0xb8;
	[tilespmem:$0x8280] =	vst v63  }
0x3de: {  	_ =	swait.ge [sflag:s9], $0x4000  }
0x3df: {  	[sflag:s9] =	ssyncset.done $0x0  }
0x3e0: {  	s31 =	rddreg [dreg:$0x19];
	[sflag:s9] =	ssyncadd.s32 $0xFFFFC000  }
0x3e1: {  	[hbm4b:s31+s2] =	stream.linear.scatter [tilespmem:s5], [sflag:$0x3], $0x4000, $0x38;
	[tilespmem:$0x8280] =	vst v63  }
0x3e2: {  	_ =	swait.ge [sflag:s6], $0x4000  }
0x3e3: {  	[sflag:s6] =	ssyncset.done $0x0  }
0x3e4: {  	[sflag:s6] =	ssyncadd.s32 $0xFFFFC000  }
0x3e5: {  	[tilespmem:s5], [sflag:$0x1] =	stream.indirect.gather [hbm4b:s3+s7], $0x400, s26, s7, $0xb8;
	[tilespmem:$0x8280] =	vst v63  }
0x3e6: {  	_ =	swait.ge [sflag:s10], $0x4000  }
0x3e7: {  	[sflag:s10] =	ssyncset.done $0x0  }
0x3e8: {  	s1 =	rddreg [dreg:$0x1a];
	[sflag:s10] =	ssyncadd.s32 $0xFFFFC000  }
0x3e9: {  	[hbm4b:s1+s2] =	stream.linear.scatter [tilespmem:s4], [sflag:$0x4], $0x4000, $0x38;
	[tilespmem:$0x8280] =	vst v63  }
0x3ea: {  	_ =	swait.ge [sflag:s8], $0x4000  }
0x3eb: {  	[sflag:s8] =	ssyncset.done $0x0  }
0x3ec: {  	[sflag:s8] =	ssyncadd.s32 $0xFFFFC000  }
0x3ed: {  	[tilespmem:s4], [sflag:$0x2] =	stream.indirect.gather [hbm4b:s3+s7], $0x400, s25, s7, $0xb8;
	[tilespmem:$0x8280] =	vst v63  }
0x3ee: {  	_ =	swait.ge [sflag:s9], $0x4000  }
0x3ef: {  	[sflag:s9] =	ssyncset.done $0x0  }
0x3f0: {  	s26 =	rddreg [dreg:$0x1b];
	[sflag:s9] =	ssyncadd.s32 $0xFFFFC000  }
0x3f1: {  	[hbm4b:s26+s2] =	stream.linear.scatter [tilespmem:s5], [sflag:$0x3], $0x4000, $0x38;
	[tilespmem:$0x8280] =	vst v63  }
0x3f2: {  	_ =	swait.ge [sflag:s6], $0x4000  }
0x3f3: {  	[sflag:s6] =	ssyncset.done $0x0  }
0x3f4: {  	[sflag:s6] =	ssyncadd.s32 $0xFFFFC000  }
0x3f5: {  	[tilespmem:s5], [sflag:$0x1] =	stream.indirect.gather [hbm4b:s3+s7], $0x400, s24, s7, $0xb8;
	[tilespmem:$0x8280] =	vst v63  }
0x3f6: {  	_ =	swait.ge [sflag:s10], $0x4000  }
0x3f7: {  	[sflag:s10] =	ssyncset.done $0x0  }
0x3f8: {  	s28 =	rddreg [dreg:$0x1c];
	[sflag:s10] =	ssyncadd.s32 $0xFFFFC000  }
0x3f9: {  	[hbm4b:s28+s2] =	stream.linear.scatter [tilespmem:s4], [sflag:$0x4], $0x4000, $0x38;
	[tilespmem:$0x8280] =	vst v63  }
0x3fa: {  	_ =	swait.ge [sflag:s8], $0x4000  }
0x3fb: {  	[sflag:s8] =	ssyncset.done $0x0  }
0x3fc: {  	[sflag:s8] =	ssyncadd.s32 $0xFFFFC000  }
0x3fd: {  	[tilespmem:s4], [sflag:$0x2] =	stream.indirect.gather [hbm4b:s3+s7], $0x400, s23, s7, $0xb8;
	[tilespmem:$0x8280] =	vst v63  }
0x3fe: {  	_ =	swait.ge [sflag:s9], $0x4000  }
0x3ff: {  	[sflag:s9] =	ssyncset.done $0x0  }
0x400: {  	s29 =	rddreg [dreg:$0x1d];
	[sflag:s9] =	ssyncadd.s32 $0xFFFFC000  }
0x401: {  	[hbm4b:s29+s2] =	stream.linear.scatter [tilespmem:s5], [sflag:$0x3], $0x4000, $0x38;
	[tilespmem:$0x8280] =	vst v63  }
0x402: {  	_ =	swait.ge [sflag:s6], $0x4000  }
0x403: {  	[sflag:s6] =	ssyncset.done $0x0  }
0x404: {  	[sflag:s6] =	ssyncadd.s32 $0xFFFFC000  }
0x405: {  	[tilespmem:s5], [sflag:$0x1] =	stream.indirect.gather [hbm4b:s3+s7], $0x400, s22, s7, $0xb8;
	[tilespmem:$0x8280] =	vst v63  }
0x406: {  	_ =	swait.ge [sflag:s10], $0x4000  }
0x407: {  	[sflag:s10] =	ssyncset.done $0x0  }
0x408: {  	s30 =	rddreg [dreg:$0x1e];
	[sflag:s10] =	ssyncadd.s32 $0xFFFFC000  }
0x409: {  	[hbm4b:s30+s2] =	stream.linear.scatter [tilespmem:s4], [sflag:$0x4], $0x4000, $0x38;
	[tilespmem:$0x8280] =	vst v63  }
0x40a: {  	_ =	swait.ge [sflag:s8], $0x4000  }
0x40b: {  	[sflag:s8] =	ssyncset.done $0x0  }
0x40c: {  	[sflag:s8] =	ssyncadd.s32 $0xFFFFC000  }
0x40d: {  	[tilespmem:s4], [sflag:$0x2] =	stream.indirect.gather [hbm4b:s3+s7], $0x400, s21, s7, $0xb8;
	[tilespmem:$0x8280] =	vst v63  }
0x40e: {  	_ =	swait.ge [sflag:s9], $0x4000  }
0x40f: {  	[sflag:s9] =	ssyncset.done $0x0  }
0x410: {  	s31 =	rddreg [dreg:$0x1f];
	[sflag:s9] =	ssyncadd.s32 $0xFFFFC000  }
0x411: {  	[hbm4b:s31+s2] =	stream.linear.scatter [tilespmem:s5], [sflag:$0x3], $0x4000, $0x38;
	[tilespmem:$0x8280] =	vst v63  }
0x412: {  	_ =	swait.ge [sflag:s6], $0x4000  }
0x413: {  	[sflag:s6] =	ssyncset.done $0x0  }
0x414: {  	[sflag:s6] =	ssyncadd.s32 $0xFFFFC000  }
0x415: {  	[tilespmem:s5], [sflag:$0x1] =	stream.indirect.gather [hbm4b:s3+s7], $0x400, s20, s7, $0xb8;
	[tilespmem:$0x8280] =	vst v63  }
0x416: {  	_ =	swait.ge [sflag:s10], $0x4000  }
0x417: {  	s1 =	sld [smem:$0x7DF]  }
0x418: {  	[sflag:s10] =	ssyncset.done $0x0  }
0x419: {  	[sflag:s10] =	ssyncadd.s32 $0xFFFFC000  }
0x41a: {  	[hbm4b:s1+s2] =	stream.linear.scatter [tilespmem:s4], [sflag:$0x4], $0x4000, $0x38;
	[tilespmem:$0x8280] =	vst v63  }
0x41b: {  	_ =	swait.ge [sflag:s8], $0x4000  }
0x41c: {  	[sflag:s8] =	ssyncset.done $0x0  }
0x41d: {  	[sflag:s8] =	ssyncadd.s32 $0xFFFFC000  }
0x41e: {  	[tilespmem:s4], [sflag:$0x2] =	stream.indirect.gather [hbm4b:s3+s7], $0x400, s19, s7, $0xb8;
	[tilespmem:$0x8280] =	vst v63  }
0x41f: {  	_ =	swait.ge [sflag:s9], $0x4000  }
0x420: {  	s20 =	sld [smem:$0x7E0]  }
0x421: {  	[sflag:s9] =	ssyncset.done $0x0  }
0x422: {  	[sflag:s9] =	ssyncadd.s32 $0xFFFFC000  }
0x423: {  	[hbm4b:s20+s2] =	stream.linear.scatter [tilespmem:s5], [sflag:$0x3], $0x4000, $0x38;
	[tilespmem:$0x8280] =	vst v63  }
0x424: {  	_ =	swait.ge [sflag:s6], $0x4000  }
0x425: {  	[sflag:s6] =	ssyncset.done $0x0  }
0x426: {  	[sflag:s6] =	ssyncadd.s32 $0xFFFFC000  }
0x427: {  	[tilespmem:s5], [sflag:$0x1] =	stream.indirect.gather [hbm4b:s3+s7], $0x400, s18, s7, $0xb8;
	[tilespmem:$0x8280] =	vst v63  }
0x428: {  	_ =	swait.ge [sflag:s10], $0x4000  }
0x429: {  	s21 =	sld [smem:$0x7E1]  }
0x42a: {  	[sflag:s10] =	ssyncset.done $0x0  }
0x42b: {  	[sflag:s10] =	ssyncadd.s32 $0xFFFFC000  }
0x42c: {  	[hbm4b:s21+s2] =	stream.linear.scatter [tilespmem:s4], [sflag:$0x4], $0x4000, $0x38;
	[tilespmem:$0x8280] =	vst v63  }
0x42d: {  	_ =	swait.ge [sflag:s8], $0x4000  }
0x42e: {  	[sflag:s8] =	ssyncset.done $0x0  }
0x42f: {  	[sflag:s8] =	ssyncadd.s32 $0xFFFFC000  }
0x430: {  	[tilespmem:s4], [sflag:$0x2] =	stream.indirect.gather [hbm4b:s3+s7], $0x400, s17, s7, $0xb8;
	[tilespmem:$0x8280] =	vst v63  }
0x431: {  	_ =	swait.ge [sflag:s9], $0x4000  }
0x432: {  	s22 =	sld [smem:$0x7E2]  }
0x433: {  	[sflag:s9] =	ssyncset.done $0x0  }
0x434: {  	[sflag:s9] =	ssyncadd.s32 $0xFFFFC000  }
0x435: {  	[hbm4b:s22+s2] =	stream.linear.scatter [tilespmem:s5], [sflag:$0x3], $0x4000, $0x38;
	[tilespmem:$0x8280] =	vst v63  }
0x436: {  	_ =	swait.ge [sflag:s6], $0x4000  }
0x437: {  	[sflag:s6] =	ssyncset.done $0x0  }
0x438: {  	[sflag:s6] =	ssyncadd.s32 $0xFFFFC000  }
0x439: {  	[tilespmem:s5], [sflag:$0x1] =	stream.indirect.gather [hbm4b:s3+s7], $0x400, s16, s7, $0xb8;
	[tilespmem:$0x8280] =	vst v63  }
0x43a: {  	_ =	swait.ge [sflag:s10], $0x4000  }
0x43b: {  	s23 =	sld [smem:$0x7E3]  }
0x43c: {  	[sflag:s10] =	ssyncset.done $0x0  }
0x43d: {  	[sflag:s10] =	ssyncadd.s32 $0xFFFFC000  }
0x43e: {  	[hbm4b:s23+s2] =	stream.linear.scatter [tilespmem:s4], [sflag:$0x4], $0x4000, $0x38;
	[tilespmem:$0x8280] =	vst v63  }
0x43f: {  	_ =	swait.ge [sflag:s8], $0x4000  }
0x440: {  	[sflag:s8] =	ssyncset.done $0x0  }
0x441: {  	[sflag:s8] =	ssyncadd.s32 $0xFFFFC000  }
0x442: {  	[tilespmem:s4], [sflag:$0x2] =	stream.indirect.gather [hbm4b:s3+s7], $0x400, s15, s7, $0xb8;
	[tilespmem:$0x8280] =	vst v63  }
0x443: {  	_ =	swait.ge [sflag:s9], $0x4000  }
0x444: {  	s24 =	sld [smem:$0x7E4]  }
0x445: {  	[sflag:s9] =	ssyncset.done $0x0  }
0x446: {  	[sflag:s9] =	ssyncadd.s32 $0xFFFFC000  }
0x447: {  	[hbm4b:s24+s2] =	stream.linear.scatter [tilespmem:s5], [sflag:$0x3], $0x4000, $0x38;
	[tilespmem:$0x8280] =	vst v63  }
0x448: {  	_ =	swait.ge [sflag:s6], $0x4000  }
0x449: {  	[sflag:s6] =	ssyncset.done $0x0  }
0x44a: {  	[sflag:s6] =	ssyncadd.s32 $0xFFFFC000  }
0x44b: {  	[tilespmem:s5], [sflag:$0x1] =	stream.indirect.gather [hbm4b:s3+s7], $0x400, s14, s7, $0xb8;
	[tilespmem:$0x8280] =	vst v63  }
0x44c: {  	_ =	swait.ge [sflag:s10], $0x4000  }
0x44d: {  	s25 =	sld [smem:$0x7E5]  }
0x44e: {  	[sflag:s10] =	ssyncset.done $0x0  }
0x44f: {  	[sflag:s10] =	ssyncadd.s32 $0xFFFFC000  }
0x450: {  	[hbm4b:s25+s2] =	stream.linear.scatter [tilespmem:s4], [sflag:$0x4], $0x4000, $0x38;
	[tilespmem:$0x8280] =	vst v63  }
0x451: {  	_ =	swait.ge [sflag:s8], $0x4000  }
0x452: {  	[sflag:s8] =	ssyncset.done $0x0  }
0x453: {  	[sflag:s8] =	ssyncadd.s32 $0xFFFFC000  }
0x454: {  	[tilespmem:s4], [sflag:$0x2] =	stream.indirect.gather [hbm4b:s3+s7], $0x400, s13, s7, $0xb8;
	[tilespmem:$0x8280] =	vst v63  }
0x455: {  	_ =	swait.ge [sflag:s9], $0x4000  }
0x456: {  	s26 =	sld [smem:$0x7E6]  }
0x457: {  	[sflag:s9] =	ssyncset.done $0x0  }
0x458: {  	[sflag:s9] =	ssyncadd.s32 $0xFFFFC000  }
0x459: {  	[hbm4b:s26+s2] =	stream.linear.scatter [tilespmem:s5], [sflag:$0x3], $0x4000, $0x38;
	[tilespmem:$0x8280] =	vst v63  }
0x45a: {  	_ =	swait.ge [sflag:s6], $0x4000  }
0x45b: {  	[sflag:s6] =	ssyncset.done $0x0  }
0x45c: {  	[sflag:s6] =	ssyncadd.s32 $0xFFFFC000  }
0x45d: {  	[tilespmem:s5], [sflag:$0x1] =	stream.indirect.gather [hbm4b:s3+s7], $0x400, s12, s7, $0xb8;
	[tilespmem:$0x8280] =	vst v63  }
0x45e: {  	_ =	swait.ge [sflag:s10], $0x4000  }
0x45f: {  	s28 =	sld [smem:$0x7E7]  }
0x460: {  	[sflag:s10] =	ssyncset.done $0x0  }
0x461: {  	[sflag:s10] =	ssyncadd.s32 $0xFFFFC000  }
0x462: {  	[hbm4b:s28+s2] =	stream.linear.scatter [tilespmem:s4], [sflag:$0x4], $0x4000, $0x38;
	[tilespmem:$0x8280] =	vst v63  }
0x463: {  	_ =	swait.ge [sflag:s8], $0x4000  }
0x464: {  	[sflag:s8] =	ssyncset.done $0x0  }
0x465: {  	[sflag:s8] =	ssyncadd.s32 $0xFFFFC000  }
0x466: {  	[tilespmem:s4], [sflag:$0x2] =	stream.indirect.gather [hbm4b:s3+s7], $0x400, s11, s7, $0xb8;
	[tilespmem:$0x8280] =	vst v63  }
0x467: {  	_ =	swait.ge [sflag:s9], $0x4000  }
0x468: {  	s29 =	sld [smem:$0x7E8]  }
0x469: {  	[sflag:s9] =	ssyncset.done $0x0  }
0x46a: {  	[sflag:s9] =	ssyncadd.s32 $0xFFFFC000  }
0x46b: {  	[hbm4b:s29+s2] =	stream.linear.scatter [tilespmem:s5], [sflag:$0x3], $0x4000, $0x38;
	[tilespmem:$0x8280] =	vst v63  }
0x46c: {  	_ =	swait.ge [sflag:s10], $0x4000  }
0x46d: {  	s30 =	sld [smem:$0x7E9]  }
0x46e: {  	[sflag:s10] =	ssyncset.done $0x0  }
0x46f: {  	[sflag:s10] =	ssyncadd.s32 $0xFFFFC000  }
0x470: {  	[hbm4b:s30+s2] =	stream.linear.scatter [tilespmem:s4], [sflag:$0x4], $0x4000, $0x38;
	[tilespmem:$0x8280] =	vst v63  }
0x471: {  	_ =	swait.ge [sflag:s6], $0x4000  }
0x472: {  	[sflag:s6] =	ssyncset.done $0x0  }
0x473: {  	[sflag:s6] =	ssyncadd.s32 $0xFFFFC000  }
0x474: {  	_ =	swait.ge [sflag:s8], $0x4000  }
0x475: {  	[sflag:s8] =	ssyncset.done $0x0  }
0x476: {  	[sflag:s8] =	ssyncadd.s32 $0xFFFFC000  }
0x477: {  	_ =	sfence.sel $0x180000  }
0x478: {  	[bflag:$0x0] =	sbarrier.arrive $0xFFFF  }
0x479: {  	_ =	strace $0x90000047  }
0x47a: {  	s31 =	stileid.u32;
	[bflag:$0x2] =	sbarrier.arrive $0xFFFF  }
0x47b: {  	p0 =	sne.s32 s31, $0x0;
	s0 =	rddreg [dreg:$0x2]  }
0x47c: {  	s0 =	sadd.s32 @!p0 $0x100000, s0  }
0x47d: {  	[sflag:s0] =	ssyncadd.tile.s32 @!p0 $0x1;
	_ =	shalt  }
.Lfunc_end2:
_tile_overlayer_lowered:
.L_overlay_start_2:
0x47e: {  	(tag) =	ssettag $0x2  }
0x47f: {  	s0 =	rddreg [dreg:$0x0];
	s2 =	stileid.u32  }
0x480: {  	s1 =	rddreg [dreg:$0x1];
	p0 =	sne.s32 s2, $0x0  }
0x481: {  	s3 =	rddreg [dreg:$0x2];
	[bflag:$0x3] =	sbarrier.arrive $0xFFFF;
	s2 =	simm.s32 @!p0 $0x1C05  }
0x482: {  	[timem:s3], [sflag:s2] =	dma.local @!p0 [hbm:s0], s1  }
0x483: {  	s0 =	simm.s32 @!p0 $0x5  }
0x484: {  	_ =	swait.ge @!p0 [sflag:s0], s1  }
0x485: {  	s1 =	ssub.s32 @!p0 $0x0, s1;
	[sflag:s0] =	ssyncset.done @!p0 $0x0  }
0x486: {  	[sflag:s0] =	ssyncadd.s32 @!p0 s1  }
0x487: {  	[bflag:$0x3] =	sbarrier.arrive $0xFFFF  }
0x488: {  	_ =	shalt  }

</sc_bundles>
